<compile_context>
chip_gen: v7x
topology: tpu7x:2x2x1
jax: 0.10.2.dev20260603
libtpu: 0.0.44.dev20260713+nightly
codegen_flags: <defaults>
</compile_context>

<pallas_src>
import jax
import jax.numpy as jnp
from jax import lax
from jax.experimental import pallas as pl
from jax.experimental.pallas import tpu as pltpu
from jax.experimental.pallas import tpu_sc as plsc

N_NODES = 10000
N_EDGES = 320000
D = 128

NC = 2
NS = 16
NW = NC * NS

NPAD = 10240
EPW = N_EDGES // NW
CHUNK = 50
NCHUNK = EPW // CHUNK
ROWS_PER_TILE = NPAD // NS

_mesh = lambda: plsc.VectorSubcoreMesh(core_axis_name="c", subcore_axis_name="s")
_sc_params = lambda: pltpu.CompilerParams(needs_layout_passes=False)


def _zero_1d(ref, n):
    z = jnp.zeros((16,), jnp.float32)

    def body(j, _):
        ref[pl.ds(j * 16, 16)] = z
        return 0

    lax.fori_loop(0, n // 16, body, 0)


def _deg_body(src_h, dst_h, out_h, sbuf, dbuf, hist_o, hist_i, sem):
    cid = lax.axis_index("c")
    sid = lax.axis_index("s")
    wid = sid * NC + cid

    a = pltpu.async_copy(src_h.at[wid], sbuf, sem.at[0])
    b = pltpu.async_copy(dst_h.at[wid], dbuf, sem.at[1])

    _zero_1d(hist_o, NPAD)
    _zero_1d(hist_i, NPAD)
    a.wait()
    b.wait()

    ones = jnp.ones((16,), jnp.float32)

    def grp(j, _):
        s16 = sbuf[pl.ds(j * 16, 16)]
        plsc.addupdate_scatter(hist_o, [s16], ones)
        d16 = dbuf[pl.ds(j * 16, 16)]
        plsc.addupdate_scatter(hist_i, [d16], ones)
        return 0

    lax.fori_loop(0, EPW // 16, grp, 0)

    pltpu.sync_copy(hist_o, out_h.at[0, cid, sid])
    pltpu.sync_copy(hist_i, out_h.at[1, cid, sid])


def _deg_call(src_w, dst_w):
    f = pl.kernel(
        _deg_body,
        out_type=jax.ShapeDtypeStruct((2, NC, NS, NPAD), jnp.float32),
        mesh=_mesh(),
        scratch_types=[
            pltpu.VMEM((EPW,), jnp.int32),
            pltpu.VMEM((EPW,), jnp.int32),
            pltpu.VMEM((NPAD,), jnp.float32),
            pltpu.VMEM((NPAD,), jnp.float32),
            pltpu.SemaphoreType.DMA((2,)),
        ],
        compiler_params=_sc_params(),
    )
    return f(src_w, dst_w)


def _dense1_body(degp_ref, x_ref, w1_ref, h_ref, nin_ref, nout_ref):
    degp = degp_ref[...]
    deg_out = jnp.sum(degp[0], axis=(0, 1))
    deg_in = jnp.sum(degp[1], axis=(0, 1))
    norm_out = jnp.where(deg_out > 0, lax.rsqrt(jnp.maximum(deg_out, 1.0)), 0.0)
    norm_in = jnp.where(deg_in > 0, lax.rsqrt(jnp.maximum(deg_in, 1.0)), 0.0)
    nin_ref[...] = norm_in
    nout_ref[...] = norm_out
    xs = x_ref[...] * norm_out[:N_NODES][:, None]
    h_ref[...] = jnp.dot(xs, w1_ref[...], preferred_element_type=jnp.float32)


def _dense1_call(deg_parts, x, W1):
    return pl.pallas_call(
        _dense1_body,
        out_shape=[
            jax.ShapeDtypeStruct((N_NODES, D), jnp.float32),
            jax.ShapeDtypeStruct((NPAD,), jnp.float32),
            jax.ShapeDtypeStruct((NPAD,), jnp.float32),
        ],
    )(deg_parts, x, W1)


NBUF = 5
NSUP = NCHUNK // NBUF


def _edge_body(h_h, src_h, dst_h, nin_h, agg_out, c_out,
               sidx, didx, rows, vals, zbuf, agg_sh, c_sh,
               gsem, ssem, vgsem, vssem, psem):
    cid = lax.axis_index("c")
    sid = lax.axis_index("s")
    wid = sid * NC + cid

    i0 = pltpu.async_copy(src_h.at[wid * NSUP], sidx.at[0], psem.at[0])
    i1 = pltpu.async_copy(dst_h.at[wid * NSUP], didx.at[0], psem.at[1])

    def zr(r, _):
        def zl(l, _):
            zbuf[r, pl.ds(l * 16, 16)] = jnp.zeros((16,), jnp.float32)
            return 0
        lax.fori_loop(0, D // 16, zl, 0)
        return 0

    lax.fori_loop(0, 32, zr, 0)

    nz = ROWS_PER_TILE // 32
    for k in range(nz):
        pltpu.async_copy(
            zbuf, agg_sh.at[pl.ds(sid * ROWS_PER_TILE + k * 32, 32)],
            gsem.at[k % NBUF])
    for k in range(5):
        pltpu.async_copy(
            zbuf.at[0], c_sh.at[pl.ds(sid * ROWS_PER_TILE + k * 128, 128)],
            vgsem.at[k % NBUF])
    for k in range(nz):
        pltpu.make_async_copy(
            zbuf, agg_sh.at[pl.ds(sid * ROWS_PER_TILE + k * 32, 32)],
            gsem.at[k % NBUF]).wait()
    for k in range(5):
        pltpu.make_async_copy(
            zbuf.at[0], c_sh.at[pl.ds(sid * ROWS_PER_TILE + k * 128, 128)],
            vgsem.at[k % NBUF]).wait()
    i0.wait()
    i1.wait()

    plsc.subcore_barrier()

    def gathers(p, b):
        pltpu.async_copy(h_h.at[sidx.at[p, b]], rows.at[b], gsem.at[b])
        pltpu.async_copy(nin_h.at[didx.at[p, b]], vals.at[b], vgsem.at[b])

    def wait_gathers(p, b):
        pltpu.make_async_copy(h_h.at[sidx.at[p, b]], rows.at[b],
                              gsem.at[b]).wait()
        pltpu.make_async_copy(nin_h.at[didx.at[p, b]], vals.at[b],
                              vgsem.at[b]).wait()

    def scatters(p, b):
        pltpu.async_copy(rows.at[b], agg_sh.at[didx.at[p, b]], ssem.at[b],
                         add=True)
        pltpu.async_copy(vals.at[b], c_sh.at[sidx.at[p, b]], vssem.at[b],
                         add=True)

    def wait_scatters(p, b):
        pltpu.make_async_copy(rows.at[b], agg_sh.at[didx.at[p, b]],
                              ssem.at[b]).wait()
        pltpu.make_async_copy(vals.at[b], c_sh.at[sidx.at[p, b]],
                              vssem.at[b]).wait()

    for b in range(NBUF):
        gathers(0, b)

    def sup_body(k, _):
        p = k % 2
        q = 1 - p

        @pl.when(k < NSUP - 1)
        def _():
            pltpu.async_copy(src_h.at[wid * NSUP + k + 1],
                             sidx.at[q], psem.at[2 * q])
            pltpu.async_copy(dst_h.at[wid * NSUP + k + 1],
                             didx.at[q], psem.at[2 * q + 1])

        for b in range(NBUF):
            wait_gathers(p, b)
            scatters(p, b)

        @pl.when(k < NSUP - 1)
        def _():
            pltpu.make_async_copy(src_h.at[wid * NSUP + k + 1],
                                  sidx.at[q], psem.at[2 * q]).wait()
            pltpu.make_async_copy(dst_h.at[wid * NSUP + k + 1],
                                  didx.at[q], psem.at[2 * q + 1]).wait()
            for b in range(NBUF):
                wait_scatters(p, b)
                gathers(q, b)

        return 0

    lax.fori_loop(0, NSUP, sup_body, 0)

    p_last = (NSUP - 1) % 2
    for b in range(NBUF):
        wait_scatters(p_last, b)

    plsc.subcore_barrier()

    pltpu.sync_copy(agg_sh.at[pl.ds(sid * ROWS_PER_TILE, ROWS_PER_TILE)],
                    agg_out.at[cid, pl.ds(sid * ROWS_PER_TILE, ROWS_PER_TILE)])
    pltpu.sync_copy(c_sh.at[pl.ds(sid * ROWS_PER_TILE, ROWS_PER_TILE)],
                    c_out.at[cid, pl.ds(sid * ROWS_PER_TILE, ROWS_PER_TILE)])


def _edge_call(h, src_c, dst_c, nin):
    f = pl.kernel(
        _edge_body,
        out_type=[
            jax.ShapeDtypeStruct((NC, NPAD, D), jnp.float32),
            jax.ShapeDtypeStruct((NC, NPAD), jnp.float32),
        ],
        mesh=_mesh(),
        scratch_types=[
            pltpu.VMEM((2, NBUF, CHUNK), jnp.int32),
            pltpu.VMEM((2, NBUF, CHUNK), jnp.int32),
            pltpu.VMEM((NBUF, CHUNK, D), jnp.float32),
            pltpu.VMEM((NBUF, CHUNK), jnp.float32),
            pltpu.VMEM((32, D), jnp.float32),
            pltpu.VMEM_SHARED((NPAD, D), jnp.float32),
            pltpu.VMEM_SHARED((NPAD,), jnp.float32),
            pltpu.SemaphoreType.DMA((NBUF,)),
            pltpu.SemaphoreType.DMA((NBUF,)),
            pltpu.SemaphoreType.DMA((NBUF,)),
            pltpu.SemaphoreType.DMA((NBUF,)),
            pltpu.SemaphoreType.DMA((4,)),
        ],
        compiler_params=_sc_params(),
    )
    return f(h, src_c, dst_c, nin)


def _final_body(aggp_ref, cp_ref, nin_ref, nout_ref, b1_ref, w2_ref, b2_ref,
                out_ref):
    agg = aggp_ref[0, :N_NODES, :] + aggp_ref[1, :N_NODES, :]
    nin = nin_ref[...][:N_NODES]
    h1 = jnp.maximum(agg * nin[:, None] + b1_ref[...][None, :], 0.0)
    c = (cp_ref[0] + cp_ref[1])[:N_NODES]
    w = c * nout_ref[...]
    u = jnp.sum(h1 * w[:, None], axis=0)
    out = jnp.dot(u[None, :], w2_ref[...], preferred_element_type=jnp.float32)
    out_ref[...] = out * (1.0 / N_NODES) + b2_ref[...][None, :]


def _final_call(agg_parts, c_parts, nin, nout, b1, W2, b2):
    return pl.pallas_call(
        _final_body,
        out_shape=jax.ShapeDtypeStruct((1, D), jnp.float32),
    )(agg_parts, c_parts, nin, nout, b1, W2, b2)


@jax.jit
def kernel(in_feat, edge_index, W1, b1, W2, b2):
    src = edge_index[0].astype(jnp.int32)
    dst = edge_index[1].astype(jnp.int32)
    src_w = src.reshape(NW, EPW)
    dst_w = dst.reshape(NW, EPW)
    src_c = src.reshape(NW * NSUP, NBUF, CHUNK)
    dst_c = dst.reshape(NW * NSUP, NBUF, CHUNK)

    deg_parts = _deg_call(src_w, dst_w)
    h, nin, nout = _dense1_call(deg_parts, in_feat, W1)
    agg_parts, c_parts = _edge_call(h, src_c, dst_c, nin)
    return _final_call(agg_parts, c_parts, nin, nout[:N_NODES], b1, W2, b2)

# --- scband reference (transcript-rebuilt; emitter-appended) ---
"""Pipeline reference for scband-gcn-61306363183369 (READ-ONLY COPY).

The authoritative reference and input builder live on the scoring server;
editing this copy changes nothing except your own understanding.
"""

import jax, jax.numpy as jnp
import numpy as np

N_NODES = 10000
N_EDGES = 320000
D_IN = 128
D_H = 128
D_OUT = 128


def _graph_conv(x, src, dst, W, b, n_nodes):
    # DGL GraphConv with norm='both': out = D_in^{-1/2} A D_out^{-1/2} X W + b
    e_ones = jnp.ones((src.shape[0],), dtype=x.dtype)
    deg_out = jax.ops.segment_sum(e_ones, src, num_segments=n_nodes)
    deg_in = jax.ops.segment_sum(e_ones, dst, num_segments=n_nodes)
    norm_out = jnp.where(deg_out > 0, jnp.power(jnp.maximum(deg_out, 1.0), -0.5), 0.0)
    norm_in = jnp.where(deg_in > 0, jnp.power(jnp.maximum(deg_in, 1.0), -0.5), 0.0)
    h = x * norm_out[:, None]
    h = h @ W
    msg = jnp.take(h, src, axis=0)
    agg = jax.ops.segment_sum(msg, dst, num_segments=n_nodes)
    return agg * norm_in[:, None] + b


def setup_inputs(seed: int = 0) -> dict:
    key = jax.random.key(seed)
    k1, k2, k3, k4, k5, k6 = jax.random.split(key, 6)
    in_feat = jax.random.normal(k1, (N_NODES, D_IN), dtype=jnp.float32)
    edge_index = jax.random.randint(k2, (2, N_EDGES), 0, N_NODES).astype(jnp.int64)
    W1 = jax.random.normal(k3, (D_IN, D_H), dtype=jnp.float32) * 0.05
    b1 = jnp.zeros((D_H,), dtype=jnp.float32)
    W2 = jax.random.normal(k4, (D_H, D_OUT), dtype=jnp.float32) * 0.05
    b2 = jnp.zeros((D_OUT,), dtype=jnp.float32)
    return {"in_feat": in_feat, "edge_index": edge_index, "W1": W1, "b1": b1, "W2": W2, "b2": b2}


def reference(in_feat, edge_index, W1, b1, W2, b2):
    src = edge_index[0]
    dst = edge_index[1]
    n = in_feat.shape[0]
    h = _graph_conv(in_feat, src, dst, W1, b1, n)
    h = jax.nn.relu(h)
    h = _graph_conv(h, src, dst, W2, b2, n)
    # dgl.mean_nodes with a single graph in the batch -> [1, out_feats]
    return jnp.mean(h, axis=0, keepdims=True)

if __name__ == "__main__":
    import jax
    _d = setup_inputs()
    print(jax.jit(kernel)(*tuple(_d.values())))

</pallas_src>

<mosaic_0001>
#map = affine_map<(d0, d1) -> (0, 0)>
#map1 = affine_map<(d0, d1) -> (0, 0, 0, 0)>
module attributes {stable_mosaic.version = 14 : i64} {
  func.func @_deg_body(%arg0: i32, %arg1: i32, %arg2: memref<32x10000xi32, #tpu.memory_space<hbm>>, %arg3: memref<32x10000xi32, #tpu.memory_space<hbm>>, %arg4: memref<2x2x16x10240xf32, #tpu.memory_space<hbm>>, %arg5: memref<10000xi32, #tpu.memory_space<vmem>>, %arg6: memref<10000xi32, #tpu.memory_space<vmem>>, %arg7: memref<10240xf32, #tpu.memory_space<vmem>>, %arg8: memref<10240xf32, #tpu.memory_space<vmem>>, %arg9: memref<2x!tpu.dma_semaphore, #tpu.memory_space<semaphore_mem>>) attributes {dimension_semantics = [#tpu.dimension_semantics<core_parallel>, #tpu.dimension_semantics<subcore_parallel>], iteration_bounds = array<i64: 2, 16>, scalar_prefetch = 0 : i64, scratch_operands = 5 : i64, tpu.core_type = #tpu.core_type<sc_vector_subcore>, window_params = [{transform_indices = #map}, {transform_indices = #map}, {transform_indices = #map1}]} {
    %mul3A = arith.constant 2 : i32
    %mul3A_0 = arith.muli %arg1, %mul3A : i32
    %add3A = arith.addi %mul3A_0, %arg0 : i32
    %dma_start3A = arith.constant 0 : i32
    %dma_start3A_1 = arith.constant 0 : i32
    %dma_start3A_2 = tpu.memref_slice %arg2[%add3A, %dma_start3A_1] : memref<32x10000xi32, #tpu.memory_space<hbm>> -> memref<1x10000xi32, #tpu.memory_space<hbm>>
    %dma_start3A_3 = tpu.memref_squeeze %dma_start3A_2 : memref<1x10000xi32, #tpu.memory_space<hbm>> -> memref<10000xi32, #tpu.memory_space<hbm>>
    %dma_start3A_4 = tpu.memref_slice %arg9[%dma_start3A] : memref<2x!tpu.dma_semaphore, #tpu.memory_space<semaphore_mem>> -> memref<1x!tpu.dma_semaphore, #tpu.memory_space<semaphore_mem>>
    %dma_start3A_5 = tpu.memref_squeeze %dma_start3A_4 : memref<1x!tpu.dma_semaphore, #tpu.memory_space<semaphore_mem>> -> memref<!tpu.dma_semaphore, #tpu.memory_space<semaphore_mem>>
    %dma_start3A_6 = arith.constant 0 : i32
    %dma_start3A_7 = tpu.memref_slice %arg2[%add3A, %dma_start3A_6] : memref<32x10000xi32, #tpu.memory_space<hbm>> -> memref<1x10000xi32, #tpu.memory_space<hbm>>
    %dma_start3A_8 = tpu.memref_squeeze %dma_start3A_7 : memref<1x10000xi32, #tpu.memory_space<hbm>> -> memref<10000xi32, #tpu.memory_space<hbm>>
    tpu.enqueue_dma source(%dma_start3A_8 : memref<10000xi32, #tpu.memory_space<hbm>>) target(%arg5 : memref<10000xi32, #tpu.memory_space<vmem>>) target_semaphore(%dma_start3A_5 : memref<!tpu.dma_semaphore, #tpu.memory_space<semaphore_mem>>)
    %dma_start3A_9 = arith.constant 1 : i32
    %dma_start3A_10 = arith.constant 0 : i32
    %dma_start3A_11 = tpu.memref_slice %arg3[%add3A, %dma_start3A_10] : memref<32x10000xi32, #tpu.memory_space<hbm>> -> memref<1x10000xi32, #tpu.memory_space<hbm>>
    %dma_start3A_12 = tpu.memref_squeeze %dma_start3A_11 : memref<1x10000xi32, #tpu.memory_space<hbm>> -> memref<10000xi32, #tpu.memory_space<hbm>>
    %dma_start3A_13 = tpu.memref_slice %arg9[%dma_start3A_9] : memref<2x!tpu.dma_semaphore, #tpu.memory_space<semaphore_mem>> -> memref<1x!tpu.dma_semaphore, #tpu.memory_space<semaphore_mem>>
    %dma_start3A_14 = tpu.memref_squeeze %dma_start3A_13 : memref<1x!tpu.dma_semaphore, #tpu.memory_space<semaphore_mem>> -> memref<!tpu.dma_semaphore, #tpu.memory_space<semaphore_mem>>
    %dma_start3A_15 = arith.constant 0 : i32
    %dma_start3A_16 = tpu.memref_slice %arg3[%add3A, %dma_start3A_15] : memref<32x10000xi32, #tpu.memory_space<hbm>> -> memref<1x10000xi32, #tpu.memory_space<hbm>>
    %dma_start3A_17 = tpu.memref_squeeze %dma_start3A_16 : memref<1x10000xi32, #tpu.memory_space<hbm>> -> memref<10000xi32, #tpu.memory_space<hbm>>
    tpu.enqueue_dma source(%dma_start3A_17 : memref<10000xi32, #tpu.memory_space<hbm>>) target(%arg6 : memref<10000xi32, #tpu.memory_space<vmem>>) target_semaphore(%dma_start3A_14 : memref<!tpu.dma_semaphore, #tpu.memory_space<semaphore_mem>>)
    %broadcast_in_dim3A = arith.constant 0.000000e+00 : f32
    %broadcast_in_dim3A_18 = vector.broadcast %broadcast_in_dim3A : f32 to vector<16xf32>
    %scan3A = arith.constant 0 : i32
    %scan3A_19 = arith.constant 0 : i32
    %scan3A_20 = arith.constant 640 : i32
    %scan3A_21 = arith.addi %scan3A_19, %scan3A_20 : i32
    %scan3A_22 = arith.constant 1 : i32
    %scan3A_23 = scf.for %scan3A_61 = %scan3A_19 to %scan3A_21 step %scan3A_22 iter_args(%scan3A_62 = %scan3A) -> (i32)  : i32 {
      %mul3A_63 = arith.constant 16 : i32
      %mul3A_64 = arith.muli %scan3A_61, %mul3A_63 : i32
      %swap3A = arith.index_cast %mul3A_64 : i32 to index
      %swap3A_65 = tpu.vector_load %arg7[%swap3A] {strides = array<i32>} : memref<10240xf32, #tpu.memory_space<vmem>>, vector<16xf32>,
      tpu.vector_store %arg7[%swap3A], %broadcast_in_dim3A_18 {strides = array<i32>} : memref<10240xf32, #tpu.memory_space<vmem>>, vector<16xf32>,
      %scan3A_66 = arith.constant 0 : i32
      scf.yield %scan3A_66 : i32
    }
    %scan3A_24 = arith.constant 640 : i32
    %broadcast_in_dim3A_25 = arith.constant 0.000000e+00 : f32
    %broadcast_in_dim3A_26 = vector.broadcast %broadcast_in_dim3A_25 : f32 to vector<16xf32>
    %scan3A_27 = arith.constant 0 : i32
    %scan3A_28 = arith.constant 0 : i32
    %scan3A_29 = arith.constant 640 : i32
    %scan3A_30 = arith.addi %scan3A_28, %scan3A_29 : i32
    %scan3A_31 = arith.constant 1 : i32
    %scan3A_32 = scf.for %scan3A_61 = %scan3A_28 to %scan3A_30 step %scan3A_31 iter_args(%scan3A_62 = %scan3A_27) -> (i32)  : i32 {
      %mul3A_63 = arith.constant 16 : i32
      %mul3A_64 = arith.muli %scan3A_61, %mul3A_63 : i32
      %swap3A = arith.index_cast %mul3A_64 : i32 to index
      %swap3A_65 = tpu.vector_load %arg8[%swap3A] {strides = array<i32>} : memref<10240xf32, #tpu.memory_space<vmem>>, vector<16xf32>,
      tpu.vector_store %arg8[%swap3A], %broadcast_in_dim3A_26 {strides = array<i32>} : memref<10240xf32, #tpu.memory_space<vmem>>, vector<16xf32>,
      %scan3A_66 = arith.constant 0 : i32
      scf.yield %scan3A_66 : i32
    }
    %scan3A_33 = arith.constant 640 : i32
    %dma_wait3A = arith.constant 0 : i32
    %dma_wait3A_34 = arith.constant 0 : i32
    %dma_wait3A_35 = tpu.memref_slice %arg2[%add3A, %dma_wait3A_34] : memref<32x10000xi32, #tpu.memory_space<hbm>> -> memref<1x10000xi32, #tpu.memory_space<hbm>>
    %dma_wait3A_36 = tpu.memref_squeeze %dma_wait3A_35 : memref<1x10000xi32, #tpu.memory_space<hbm>> -> memref<10000xi32, #tpu.memory_space<hbm>>
    %dma_wait3A_37 = tpu.memref_slice %arg9[%dma_wait3A] : memref<2x!tpu.dma_semaphore, #tpu.memory_space<semaphore_mem>> -> memref<1x!tpu.dma_semaphore, #tpu.memory_space<semaphore_mem>>
    %dma_wait3A_38 = tpu.memref_squeeze %dma_wait3A_37 : memref<1x!tpu.dma_semaphore, #tpu.memory_space<semaphore_mem>> -> memref<!tpu.dma_semaphore, #tpu.memory_space<semaphore_mem>>
    %dma_wait3A_39 = arith.constant 0 : i32
    %dma_wait3A_40 = tpu.memref_slice %arg2[%add3A, %dma_wait3A_39] : memref<32x10000xi32, #tpu.memory_space<hbm>> -> memref<1x10000xi32, #tpu.memory_space<hbm>>
    %dma_wait3A_41 = tpu.memref_squeeze %dma_wait3A_40 : memref<1x10000xi32, #tpu.memory_space<hbm>> -> memref<10000xi32, #tpu.memory_space<hbm>>
    tpu.wait_dma2 semaphore(%dma_wait3A_38 : memref<!tpu.dma_semaphore, #tpu.memory_space<semaphore_mem>>) src(%dma_wait3A_41 : memref<10000xi32, #tpu.memory_space<hbm>>) dst(%arg5 : memref<10000xi32, #tpu.memory_space<vmem>>)
    %dma_wait3A_42 = arith.constant 1 : i32
    %dma_wait3A_43 = arith.constant 0 : i32
    %dma_wait3A_44 = tpu.memref_slice %arg3[%add3A, %dma_wait3A_43] : memref<32x10000xi32, #tpu.memory_space<hbm>> -> memref<1x10000xi32, #tpu.memory_space<hbm>>
    %dma_wait3A_45 = tpu.memref_squeeze %dma_wait3A_44 : memref<1x10000xi32, #tpu.memory_space<hbm>> -> memref<10000xi32, #tpu.memory_space<hbm>>
    %dma_wait3A_46 = tpu.memref_slice %arg9[%dma_wait3A_42] : memref<2x!tpu.dma_semaphore, #tpu.memory_space<semaphore_mem>> -> memref<1x!tpu.dma_semaphore, #tpu.memory_space<semaphore_mem>>
    %dma_wait3A_47 = tpu.memref_squeeze %dma_wait3A_46 : memref<1x!tpu.dma_semaphore, #tpu.memory_space<semaphore_mem>> -> memref<!tpu.dma_semaphore, #tpu.memory_space<semaphore_mem>>
    %dma_wait3A_48 = arith.constant 0 : i32
    %dma_wait3A_49 = tpu.memref_slice %arg3[%add3A, %dma_wait3A_48] : memref<32x10000xi32, #tpu.memory_space<hbm>> -> memref<1x10000xi32, #tpu.memory_space<hbm>>
    %dma_wait3A_50 = tpu.memref_squeeze %dma_wait3A_49 : memref<1x10000xi32, #tpu.memory_space<hbm>> -> memref<10000xi32, #tpu.memory_space<hbm>>
    tpu.wait_dma2 semaphore(%dma_wait3A_47 : memref<!tpu.dma_semaphore, #tpu.memory_space<semaphore_mem>>) src(%dma_wait3A_50 : memref<10000xi32, #tpu.memory_space<hbm>>) dst(%arg6 : memref<10000xi32, #tpu.memory_space<vmem>>)
    %broadcast_in_dim3A_51 = arith.constant 1.000000e+00 : f32
    %broadcast_in_dim3A_52 = vector.broadcast %broadcast_in_dim3A_51 : f32 to vector<16xf32>
    %scan3A_53 = arith.constant 0 : i32
    %scan3A_54 = arith.constant 0 : i32
    %scan3A_55 = arith.constant 625 : i32
    %scan3A_56 = arith.addi %scan3A_54, %scan3A_55 : i32
    %scan3A_57 = arith.constant 1 : i32
    %scan3A_58 = scf.for %scan3A_61 = %scan3A_54 to %scan3A_56 step %scan3A_57 iter_args(%scan3A_62 = %scan3A_53) -> (i32)  : i32 {
      %mul3A_63 = arith.constant 16 : i32
      %mul3A_64 = arith.muli %scan3A_61, %mul3A_63 : i32
      %get3A = arith.index_cast %mul3A_64 : i32 to index
      %get3A_65 = tpu.vector_load %arg5[%get3A] {strides = array<i32>} : memref<10000xi32, #tpu.memory_space<vmem>>, vector<16xi32>,
      tpu.vector_store_idx %arg7[%get3A_65], %broadcast_in_dim3A_52 {add = true} : memref<10240xf32, #tpu.memory_space<vmem>>[vector<16xi32>], vector<16xf32>,
      %mul3A_66 = arith.constant 16 : i32
      %mul3A_67 = arith.muli %scan3A_61, %mul3A_66 : i32
      %get3A_68 = arith.index_cast %mul3A_67 : i32 to index
      %get3A_69 = tpu.vector_load %arg6[%get3A_68] {strides = array<i32>} : memref<10000xi32, #tpu.memory_space<vmem>>, vector<16xi32>,
      tpu.vector_store_idx %arg8[%get3A_69], %broadcast_in_dim3A_52 {add = true} : memref<10240xf32, #tpu.memory_space<vmem>>[vector<16xi32>], vector<16xf32>,
      %scan3A_70 = arith.constant 0 : i32
      scf.yield %scan3A_70 : i32
    }
    %scan3A_59 = arith.constant 625 : i32
    %run_scoped3A = arith.constant 0 : i32
    "tpu.region"() ({
      %run_scoped3A_61 = tpu.sem_alloc : memref<!tpu.dma_semaphore, #tpu.memory_space<semaphore_mem>>
      %dma_start3A_62 = arith.constant 0 : i32
      %dma_start3A_63 = tpu.memref_slice %arg4[%run_scoped3A, %arg0, %arg1, %dma_start3A_62] : memref<2x2x16x10240xf32, #tpu.memory_space<hbm>> -> memref<1x1x1x10240xf32, #tpu.memory_space<hbm>>
      %dma_start3A_64 = tpu.memref_squeeze %dma_start3A_63 : memref<1x1x1x10240xf32, #tpu.memory_space<hbm>> -> memref<10240xf32, #tpu.memory_space<hbm>>
      %dma_start3A_65 = arith.constant 0 : i32
      %dma_start3A_66 = tpu.memref_slice %arg4[%run_scoped3A, %arg0, %arg1, %dma_start3A_65] : memref<2x2x16x10240xf32, #tpu.memory_space<hbm>> -> memref<1x1x1x10240xf32, #tpu.memory_space<hbm>>
      %dma_start3A_67 = tpu.memref_squeeze %dma_start3A_66 : memref<1x1x1x10240xf32, #tpu.memory_space<hbm>> -> memref<10240xf32, #tpu.memory_space<hbm>>
      tpu.enqueue_dma source(%arg7 : memref<10240xf32, #tpu.memory_space<vmem>>) target(%dma_start3A_67 : memref<10240xf32, #tpu.memory_space<hbm>>) target_semaphore(%run_scoped3A_61 : memref<!tpu.dma_semaphore, #tpu.memory_space<semaphore_mem>>)
      %dma_wait3A_68 = arith.constant 0 : i32
      %dma_wait3A_69 = tpu.memref_slice %arg4[%run_scoped3A, %arg0, %arg1, %dma_wait3A_68] : memref<2x2x16x10240xf32, #tpu.memory_space<hbm>> -> memref<1x1x1x10240xf32, #tpu.memory_space<hbm>>
      %dma_wait3A_70 = tpu.memref_squeeze %dma_wait3A_69 : memref<1x1x1x10240xf32, #tpu.memory_space<hbm>> -> memref<10240xf32, #tpu.memory_space<hbm>>
      %dma_wait3A_71 = arith.constant 0 : i32
      %dma_wait3A_72 = tpu.memref_slice %arg4[%run_scoped3A, %arg0, %arg1, %dma_wait3A_71] : memref<2x2x16x10240xf32, #tpu.memory_space<hbm>> -> memref<1x1x1x10240xf32, #tpu.memory_space<hbm>>
      %dma_wait3A_73 = tpu.memref_squeeze %dma_wait3A_72 : memref<1x1x1x10240xf32, #tpu.memory_space<hbm>> -> memref<10240xf32, #tpu.memory_space<hbm>>
      tpu.wait_dma2 semaphore(%run_scoped3A_61 : memref<!tpu.dma_semaphore, #tpu.memory_space<semaphore_mem>>) src(%arg7 : memref<10240xf32, #tpu.memory_space<vmem>>) dst(%dma_wait3A_73 : memref<10240xf32, #tpu.memory_space<hbm>>)
      tpu.yield
    }) : () -> ()
    %run_scoped3A_60 = arith.constant 1 : i32
    "tpu.region"() ({
      %run_scoped3A_61 = tpu.sem_alloc : memref<!tpu.dma_semaphore, #tpu.memory_space<semaphore_mem>>
      %dma_start3A_62 = arith.constant 0 : i32
      %dma_start3A_63 = tpu.memref_slice %arg4[%run_scoped3A_60, %arg0, %arg1, %dma_start3A_62] : memref<2x2x16x10240xf32, #tpu.memory_space<hbm>> -> memref<1x1x1x10240xf32, #tpu.memory_space<hbm>>
      %dma_start3A_64 = tpu.memref_squeeze %dma_start3A_63 : memref<1x1x1x10240xf32, #tpu.memory_space<hbm>> -> memref<10240xf32, #tpu.memory_space<hbm>>
      %dma_start3A_65 = arith.constant 0 : i32
      %dma_start3A_66 = tpu.memref_slice %arg4[%run_scoped3A_60, %arg0, %arg1, %dma_start3A_65] : memref<2x2x16x10240xf32, #tpu.memory_space<hbm>> -> memref<1x1x1x10240xf32, #tpu.memory_space<hbm>>
      %dma_start3A_67 = tpu.memref_squeeze %dma_start3A_66 : memref<1x1x1x10240xf32, #tpu.memory_space<hbm>> -> memref<10240xf32, #tpu.memory_space<hbm>>
      tpu.enqueue_dma source(%arg8 : memref<10240xf32, #tpu.memory_space<vmem>>) target(%dma_start3A_67 : memref<10240xf32, #tpu.memory_space<hbm>>) target_semaphore(%run_scoped3A_61 : memref<!tpu.dma_semaphore, #tpu.memory_space<semaphore_mem>>)
      %dma_wait3A_68 = arith.constant 0 : i32
      %dma_wait3A_69 = tpu.memref_slice %arg4[%run_scoped3A_60, %arg0, %arg1, %dma_wait3A_68] : memref<2x2x16x10240xf32, #tpu.memory_space<hbm>> -> memref<1x1x1x10240xf32, #tpu.memory_space<hbm>>
      %dma_wait3A_70 = tpu.memref_squeeze %dma_wait3A_69 : memref<1x1x1x10240xf32, #tpu.memory_space<hbm>> -> memref<10240xf32, #tpu.memory_space<hbm>>
      %dma_wait3A_71 = arith.constant 0 : i32
      %dma_wait3A_72 = tpu.memref_slice %arg4[%run_scoped3A_60, %arg0, %arg1, %dma_wait3A_71] : memref<2x2x16x10240xf32, #tpu.memory_space<hbm>> -> memref<1x1x1x10240xf32, #tpu.memory_space<hbm>>
      %dma_wait3A_73 = tpu.memref_squeeze %dma_wait3A_72 : memref<1x1x1x10240xf32, #tpu.memory_space<hbm>> -> memref<10240xf32, #tpu.memory_space<hbm>>
      tpu.wait_dma2 semaphore(%run_scoped3A_61 : memref<!tpu.dma_semaphore, #tpu.memory_space<semaphore_mem>>) src(%arg8 : memref<10240xf32, #tpu.memory_space<vmem>>) dst(%dma_wait3A_73 : memref<10240xf32, #tpu.memory_space<hbm>>)
      tpu.yield
    }) : () -> ()
    return
  }
}

#map = affine_map<(d0, d1) -> (0, 0)>
#map1 = affine_map<(d0, d1) -> (0, 0, 0)>
#map2 = affine_map<(d0, d1) -> (0)>
module attributes {stable_mosaic.version = 14 : i64} {
  func.func @_edge_body(%arg0: i32, %arg1: i32, %arg2: memref<10000x128xf32, #tpu.memory_space<hbm>>, %arg3: memref<1280x5x50xi32, #tpu.memory_space<hbm>>, %arg4: memref<1280x5x50xi32, #tpu.memory_space<hbm>>, %arg5: memref<10240xf32, #tpu.memory_space<hbm>>, %arg6: memref<2x10240x128xf32, #tpu.memory_space<hbm>>, %arg7: memref<2x10240xf32, #tpu.memory_space<hbm>>, %arg8: memref<2x5x50xi32, #tpu.memory_space<vmem>>, %arg9: memref<2x5x50xi32, #tpu.memory_space<vmem>>, %arg10: memref<5x50x128xf32, #tpu.memory_space<vmem>>, %arg11: memref<5x50xf32, #tpu.memory_space<vmem>>, %arg12: memref<32x128xf32, #tpu.memory_space<vmem>>, %arg13: memref<10240x128xf32, #tpu.memory_space<vmem_shared>>, %arg14: memref<10240xf32, #tpu.memory_space<vmem_shared>>, %arg15: memref<5x!tpu.dma_semaphore, #tpu.memory_space<semaphore_mem>>, %arg16: memref<5x!tpu.dma_semaphore, #tpu.memory_space<semaphore_mem>>, %arg17: memref<5x!tpu.dma_semaphore, #tpu.memory_space<semaphore_mem>>, %arg18: memref<5x!tpu.dma_semaphore, #tpu.memory_space<semaphore_mem>>, %arg19: memref<4x!tpu.dma_semaphore, #tpu.memory_space<semaphore_mem>>) attributes {dimension_semantics = [#tpu.dimension_semantics<core_parallel>, #tpu.dimension_semantics<subcore_parallel>], iteration_bounds = array<i64: 2, 16>, scalar_prefetch = 0 : i64, scratch_operands = 12 : i64, tpu.core_type = #tpu.core_type<sc_vector_subcore>, window_params = [{transform_indices = #map}, {transform_indices = #map1}, {transform_indices = #map1}, {transform_indices = #map2}, {transform_indices = #map1}, {transform_indices = #map}]} {
    %mul3A = arith.constant 2 : i32
    %mul3A_0 = arith.muli %arg1, %mul3A : i32
    %add3A = arith.addi %mul3A_0, %arg0 : i32
    %mul3A_1 = arith.constant 40 : i32
    %mul3A_2 = arith.muli %add3A, %mul3A_1 : i32
    %dma_start3A = arith.constant 0 : i32
    %dma_start3A_3 = arith.constant 0 : i32
    %dma_start3A_4 = arith.constant 0 : i32
    %dma_start3A_5 = arith.constant 0 : i32
    %dma_start3A_6 = tpu.memref_slice %arg8[%dma_start3A, %dma_start3A_4, %dma_start3A_5] : memref<2x5x50xi32, #tpu.memory_space<vmem>> -> memref<1x5x50xi32, #tpu.memory_space<vmem>>
    %dma_start3A_7 = tpu.memref_squeeze %dma_start3A_6 : memref<1x5x50xi32, #tpu.memory_space<vmem>> -> memref<5x50xi32, #tpu.memory_space<vmem>>
    %dma_start3A_8 = arith.constant 0 : i32
    %dma_start3A_9 = arith.constant 0 : i32
    %dma_start3A_10 = tpu.memref_slice %arg3[%mul3A_2, %dma_start3A_8, %dma_start3A_9] : memref<1280x5x50xi32, #tpu.memory_space<hbm>> -> memref<1x5x50xi32, #tpu.memory_space<hbm>>
    %dma_start3A_11 = tpu.memref_squeeze %dma_start3A_10 : memref<1x5x50xi32, #tpu.memory_space<hbm>> -> memref<5x50xi32, #tpu.memory_space<hbm>>
    %dma_start3A_12 = tpu.memref_slice %arg19[%dma_start3A_3] : memref<4x!tpu.dma_semaphore, #tpu.memory_space<semaphore_mem>> -> memref<1x!tpu.dma_semaphore, #tpu.memory_space<semaphore_mem>>
    %dma_start3A_13 = tpu.memref_squeeze %dma_start3A_12 : memref<1x!tpu.dma_semaphore, #tpu.memory_space<semaphore_mem>> -> memref<!tpu.dma_semaphore, #tpu.memory_space<semaphore_mem>>
    %dma_start3A_14 = arith.constant 0 : i32
    %dma_start3A_15 = arith.constant 0 : i32
    %dma_start3A_16 = tpu.memref_slice %arg8[%dma_start3A, %dma_start3A_14, %dma_start3A_15] : memref<2x5x50xi32, #tpu.memory_space<vmem>> -> memref<1x5x50xi32, #tpu.memory_space<vmem>>
    %dma_start3A_17 = tpu.memref_squeeze %dma_start3A_16 : memref<1x5x50xi32, #tpu.memory_space<vmem>> -> memref<5x50xi32, #tpu.memory_space<vmem>>
    %dma_start3A_18 = arith.constant 0 : i32
    %dma_start3A_19 = arith.constant 0 : i32
    %dma_start3A_20 = tpu.memref_slice %arg3[%mul3A_2, %dma_start3A_18, %dma_start3A_19] : memref<1280x5x50xi32, #tpu.memory_space<hbm>> -> memref<1x5x50xi32, #tpu.memory_space<hbm>>
    %dma_start3A_21 = tpu.memref_squeeze %dma_start3A_20 : memref<1x5x50xi32, #tpu.memory_space<hbm>> -> memref<5x50xi32, #tpu.memory_space<hbm>>
    tpu.enqueue_dma source(%dma_start3A_21 : memref<5x50xi32, #tpu.memory_space<hbm>>) target(%dma_start3A_17 : memref<5x50xi32, #tpu.memory_space<vmem>>) target_semaphore(%dma_start3A_13 : memref<!tpu.dma_semaphore, #tpu.memory_space<semaphore_mem>>)
    %mul3A_22 = arith.constant 40 : i32
    %mul3A_23 = arith.muli %add3A, %mul3A_22 : i32
    %dma_start3A_24 = arith.constant 0 : i32
    %dma_start3A_25 = arith.constant 1 : i32
    %dma_start3A_26 = arith.constant 0 : i32
    %dma_start3A_27 = arith.constant 0 : i32
    %dma_start3A_28 = tpu.memref_slice %arg9[%dma_start3A_24, %dma_start3A_26, %dma_start3A_27] : memref<2x5x50xi32, #tpu.memory_space<vmem>> -> memref<1x5x50xi32, #tpu.memory_space<vmem>>
    %dma_start3A_29 = tpu.memref_squeeze %dma_start3A_28 : memref<1x5x50xi32, #tpu.memory_space<vmem>> -> memref<5x50xi32, #tpu.memory_space<vmem>>
    %dma_start3A_30 = arith.constant 0 : i32
    %dma_start3A_31 = arith.constant 0 : i32
    %dma_start3A_32 = tpu.memref_slice %arg4[%mul3A_23, %dma_start3A_30, %dma_start3A_31] : memref<1280x5x50xi32, #tpu.memory_space<hbm>> -> memref<1x5x50xi32, #tpu.memory_space<hbm>>
    %dma_start3A_33 = tpu.memref_squeeze %dma_start3A_32 : memref<1x5x50xi32, #tpu.memory_space<hbm>> -> memref<5x50xi32, #tpu.memory_space<hbm>>
    %dma_start3A_34 = tpu.memref_slice %arg19[%dma_start3A_25] : memref<4x!tpu.dma_semaphore, #tpu.memory_space<semaphore_mem>> -> memref<1x!tpu.dma_semaphore, #tpu.memory_space<semaphore_mem>>
    %dma_start3A_35 = tpu.memref_squeeze %dma_start3A_34 : memref<1x!tpu.dma_semaphore, #tpu.memory_space<semaphore_mem>> -> memref<!tpu.dma_semaphore, #tpu.memory_space<semaphore_mem>>
    %dma_start3A_36 = arith.constant 0 : i32
    %dma_start3A_37 = arith.constant 0 : i32
    %dma_start3A_38 = tpu.memref_slice %arg9[%dma_start3A_24, %dma_start3A_36, %dma_start3A_37] : memref<2x5x50xi32, #tpu.memory_space<vmem>> -> memref<1x5x50xi32, #tpu.memory_space<vmem>>
    %dma_start3A_39 = tpu.memref_squeeze %dma_start3A_38 : memref<1x5x50xi32, #tpu.memory_space<vmem>> -> memref<5x50xi32, #tpu.memory_space<vmem>>
    %dma_start3A_40 = arith.constant 0 : i32
    %dma_start3A_41 = arith.constant 0 : i32
    %dma_start3A_42 = tpu.memref_slice %arg4[%mul3A_23, %dma_start3A_40, %dma_start3A_41] : memref<1280x5x50xi32, #tpu.memory_space<hbm>> -> memref<1x5x50xi32, #tpu.memory_space<hbm>>
    %dma_start3A_43 = tpu.memref_squeeze %dma_start3A_42 : memref<1x5x50xi32, #tpu.memory_space<hbm>> -> memref<5x50xi32, #tpu.memory_space<hbm>>
    tpu.enqueue_dma source(%dma_start3A_43 : memref<5x50xi32, #tpu.memory_space<hbm>>) target(%dma_start3A_39 : memref<5x50xi32, #tpu.memory_space<vmem>>) target_semaphore(%dma_start3A_35 : memref<!tpu.dma_semaphore, #tpu.memory_space<semaphore_mem>>)
    %scan3A = arith.constant 0 : i32
    %scan3A_44 = arith.constant 0 : i32
    %scan3A_45 = arith.constant 32 : i32
    %scan3A_46 = arith.addi %scan3A_44, %scan3A_45 : i32
    %scan3A_47 = arith.constant 1 : i32
    %scan3A_48 = scf.for %scan3A_1005 = %scan3A_44 to %scan3A_46 step %scan3A_47 iter_args(%scan3A_1006 = %scan3A) -> (i32)  : i32 {
      %scan3A_1007 = arith.constant 0 : i32
      %scan3A_1008 = arith.constant 0 : i32
      %scan3A_1009 = arith.constant 8 : i32
      %scan3A_1010 = arith.addi %scan3A_1008, %scan3A_1009 : i32
      %scan3A_1011 = arith.constant 1 : i32
      %scan3A_1012 = scf.for %scan3A_1015 = %scan3A_1008 to %scan3A_1010 step %scan3A_1011 iter_args(%scan3A_1016 = %scan3A_1007) -> (i32)  : i32 {
        %broadcast_in_dim3A = arith.constant 0.000000e+00 : f32
        %broadcast_in_dim3A_1017 = vector.broadcast %broadcast_in_dim3A : f32 to vector<16xf32>
        %mul3A_1018 = arith.constant 16 : i32
        %mul3A_1019 = arith.muli %scan3A_1015, %mul3A_1018 : i32
        %swap3A = arith.index_cast %scan3A_1005 : i32 to index
        %swap3A_1020 = arith.index_cast %mul3A_1019 : i32 to index
        %swap3A_1021 = tpu.vector_load %arg12[%swap3A, %swap3A_1020] {strides = array<i32>} : memref<32x128xf32, #tpu.memory_space<vmem>>, vector<16xf32>,
        tpu.vector_store %arg12[%swap3A, %swap3A_1020], %broadcast_in_dim3A_1017 {strides = array<i32>} : memref<32x128xf32, #tpu.memory_space<vmem>>, vector<16xf32>,
        %scan3A_1022 = arith.constant 0 : i32
        scf.yield %scan3A_1022 : i32
      }
      %scan3A_1013 = arith.constant 8 : i32
      %scan3A_1014 = arith.constant 0 : i32
      scf.yield %scan3A_1014 : i32
    }
    %scan3A_49 = arith.constant 32 : i32
    %mul3A_50 = arith.constant 640 : i32
    %mul3A_51 = arith.muli %arg1, %mul3A_50 : i32
    %add3A_52 = arith.constant 0 : i32
    %add3A_53 = arith.addi %mul3A_51, %add3A_52 : i32
    %dma_start3A_54 = arith.constant 0 : i32
    %dma_start3A_55 = arith.constant 0 : i32
    %dma_start3A_56 = tpu.memref_slice %arg13[%add3A_53, %dma_start3A_55] : memref<10240x128xf32, #tpu.memory_space<vmem_shared>> -> memref<32x128xf32, #tpu.memory_space<vmem_shared>>
    %dma_start3A_57 = tpu.memref_slice %arg15[%dma_start3A_54] : memref<5x!tpu.dma_semaphore, #tpu.memory_space<semaphore_mem>> -> memref<1x!tpu.dma_semaphore, #tpu.memory_space<semaphore_mem>>
    %dma_start3A_58 = tpu.memref_squeeze %dma_start3A_57 : memref<1x!tpu.dma_semaphore, #tpu.memory_space<semaphore_mem>> -> memref<!tpu.dma_semaphore, #tpu.memory_space<semaphore_mem>>
    %dma_start3A_59 = arith.constant 0 : i32
    %dma_start3A_60 = tpu.memref_slice %arg13[%add3A_53, %dma_start3A_59] : memref<10240x128xf32, #tpu.memory_space<vmem_shared>> -> memref<32x128xf32, #tpu.memory_space<vmem_shared>>
    tpu.enqueue_dma source(%arg12 : memref<32x128xf32, #tpu.memory_space<vmem>>) target(%dma_start3A_60 : memref<32x128xf32, #tpu.memory_space<vmem_shared>>) target_semaphore(%dma_start3A_58 : memref<!tpu.dma_semaphore, #tpu.memory_space<semaphore_mem>>)
    %mul3A_61 = arith.constant 640 : i32
    %mul3A_62 = arith.muli %arg1, %mul3A_61 : i32
    %add3A_63 = arith.constant 32 : i32
    %add3A_64 = arith.addi %mul3A_62, %add3A_63 : i32
    %dma_start3A_65 = arith.constant 1 : i32
    %dma_start3A_66 = arith.constant 0 : i32
    %dma_start3A_67 = tpu.memref_slice %arg13[%add3A_64, %dma_start3A_66] : memref<10240x128xf32, #tpu.memory_space<vmem_shared>> -> memref<32x128xf32, #tpu.memory_space<vmem_shared>>
    %dma_start3A_68 = tpu.memref_slice %arg15[%dma_start3A_65] : memref<5x!tpu.dma_semaphore, #tpu.memory_space<semaphore_mem>> -> memref<1x!tpu.dma_semaphore, #tpu.memory_space<semaphore_mem>>
    %dma_start3A_69 = tpu.memref_squeeze %dma_start3A_68 : memref<1x!tpu.dma_semaphore, #tpu.memory_space<semaphore_mem>> -> memref<!tpu.dma_semaphore, #tpu.memory_space<semaphore_mem>>
    %dma_start3A_70 = arith.constant 0 : i32
    %dma_start3A_71 = tpu.memref_slice %arg13[%add3A_64, %dma_start3A_70] : memref<10240x128xf32, #tpu.memory_space<vmem_shared>> -> memref<32x128xf32, #tpu.memory_space<vmem_shared>>
    tpu.enqueue_dma source(%arg12 : memref<32x128xf32, #tpu.memory_space<vmem>>) target(%dma_start3A_71 : memref<32x128xf32, #tpu.memory_space<vmem_shared>>) target_semaphore(%dma_start3A_69 : memref<!tpu.dma_semaphore, #tpu.memory_space<semaphore_mem>>)
    %mul3A_72 = arith.constant 640 : i32
    %mul3A_73 = arith.muli %arg1, %mul3A_72 : i32
    %add3A_74 = arith.constant 64 : i32
    %add3A_75 = arith.addi %mul3A_73, %add3A_74 : i32
    %dma_start3A_76 = arith.constant 2 : i32
    %dma_start3A_77 = arith.constant 0 : i32
    %dma_start3A_78 = tpu.memref_slice %arg13[%add3A_75, %dma_start3A_77] : memref<10240x128xf32, #tpu.memory_space<vmem_shared>> -> memref<32x128xf32, #tpu.memory_space<vmem_shared>>
    %dma_start3A_79 = tpu.memref_slice %arg15[%dma_start3A_76] : memref<5x!tpu.dma_semaphore, #tpu.memory_space<semaphore_mem>> -> memref<1x!tpu.dma_semaphore, #tpu.memory_space<semaphore_mem>>
    %dma_start3A_80 = tpu.memref_squeeze %dma_start3A_79 : memref<1x!tpu.dma_semaphore, #tpu.memory_space<semaphore_mem>> -> memref<!tpu.dma_semaphore, #tpu.memory_space<semaphore_mem>>
    %dma_start3A_81 = arith.constant 0 : i32
    %dma_start3A_82 = tpu.memref_slice %arg13[%add3A_75, %dma_start3A_81] : memref<10240x128xf32, #tpu.memory_space<vmem_shared>> -> memref<32x128xf32, #tpu.memory_space<vmem_shared>>
    tpu.enqueue_dma source(%arg12 : memref<32x128xf32, #tpu.memory_space<vmem>>) target(%dma_start3A_82 : memref<32x128xf32, #tpu.memory_space<vmem_shared>>) target_semaphore(%dma_start3A_80 : memref<!tpu.dma_semaphore, #tpu.memory_space<semaphore_mem>>)
    %mul3A_83 = arith.constant 640 : i32
    %mul3A_84 = arith.muli %arg1, %mul3A_83 : i32
    %add3A_85 = arith.constant 96 : i32
    %add3A_86 = arith.addi %mul3A_84, %add3A_85 : i32
    %dma_start3A_87 = arith.constant 3 : i32
    %dma_start3A_88 = arith.constant 0 : i32
    %dma_start3A_89 = tpu.memref_slice %arg13[%add3A_86, %dma_start3A_88] : memref<10240x128xf32, #tpu.memory_space<vmem_shared>> -> memref<32x128xf32, #tpu.memory_space<vmem_shared>>
    %dma_start3A_90 = tpu.memref_slice %arg15[%dma_start3A_87] : memref<5x!tpu.dma_semaphore, #tpu.memory_space<semaphore_mem>> -> memref<1x!tpu.dma_semaphore, #tpu.memory_space<semaphore_mem>>
    %dma_start3A_91 = tpu.memref_squeeze %dma_start3A_90 : memref<1x!tpu.dma_semaphore, #tpu.memory_space<semaphore_mem>> -> memref<!tpu.dma_semaphore, #tpu.memory_space<semaphore_mem>>
    %dma_start3A_92 = arith.constant 0 : i32
    %dma_start3A_93 = tpu.memref_slice %arg13[%add3A_86, %dma_start3A_92] : memref<10240x128xf32, #tpu.memory_space<vmem_shared>> -> memref<32x128xf32, #tpu.memory_space<vmem_shared>>
    tpu.enqueue_dma source(%arg12 : memref<32x128xf32, #tpu.memory_space<vmem>>) target(%dma_start3A_93 : memref<32x128xf32, #tpu.memory_space<vmem_shared>>) target_semaphore(%dma_start3A_91 : memref<!tpu.dma_semaphore, #tpu.memory_space<semaphore_mem>>)
    %mul3A_94 = arith.constant 640 : i32
    %mul3A_95 = arith.muli %arg1, %mul3A_94 : i32
    %add3A_96 = arith.constant 128 : i32
    %add3A_97 = arith.addi %mul3A_95, %add3A_96 : i32
    %dma_start3A_98 = arith.constant 4 : i32
    %dma_start3A_99 = arith.constant 0 : i32
    %dma_start3A_100 = tpu.memref_slice %arg13[%add3A_97, %dma_start3A_99] : memref<10240x128xf32, #tpu.memory_space<vmem_shared>> -> memref<32x128xf32, #tpu.memory_space<vmem_shared>>
    %dma_start3A_101 = tpu.memref_slice %arg15[%dma_start3A_98] : memref<5x!tpu.dma_semaphore, #tpu.memory_space<semaphore_mem>> -> memref<1x!tpu.dma_semaphore, #tpu.memory_space<semaphore_mem>>
    %dma_start3A_102 = tpu.memref_squeeze %dma_start3A_101 : memref<1x!tpu.dma_semaphore, #tpu.memory_space<semaphore_mem>> -> memref<!tpu.dma_semaphore, #tpu.memory_space<semaphore_mem>>
    %dma_start3A_103 = arith.constant 0 : i32
    %dma_start3A_104 = tpu.memref_slice %arg13[%add3A_97, %dma_start3A_103] : memref<10240x128xf32, #tpu.memory_space<vmem_shared>> -> memref<32x128xf32, #tpu.memory_space<vmem_shared>>
    tpu.enqueue_dma source(%arg12 : memref<32x128xf32, #tpu.memory_space<vmem>>) target(%dma_start3A_104 : memref<32x128xf32, #tpu.memory_space<vmem_shared>>) target_semaphore(%dma_start3A_102 : memref<!tpu.dma_semaphore, #tpu.memory_space<semaphore_mem>>)
    %mul3A_105 = arith.constant 640 : i32
    %mul3A_106 = arith.muli %arg1, %mul3A_105 : i32
    %add3A_107 = arith.constant 160 : i32
    %add3A_108 = arith.addi %mul3A_106, %add3A_107 : i32
    %dma_start3A_109 = arith.constant 0 : i32
    %dma_start3A_110 = arith.constant 0 : i32
    %dma_start3A_111 = tpu.memref_slice %arg13[%add3A_108, %dma_start3A_110] : memref<10240x128xf32, #tpu.memory_space<vmem_shared>> -> memref<32x128xf32, #tpu.memory_space<vmem_shared>>
    %dma_start3A_112 = tpu.memref_slice %arg15[%dma_start3A_109] : memref<5x!tpu.dma_semaphore, #tpu.memory_space<semaphore_mem>> -> memref<1x!tpu.dma_semaphore, #tpu.memory_space<semaphore_mem>>
    %dma_start3A_113 = tpu.memref_squeeze %dma_start3A_112 : memref<1x!tpu.dma_semaphore, #tpu.memory_space<semaphore_mem>> -> memref<!tpu.dma_semaphore, #tpu.memory_space<semaphore_mem>>
    %dma_start3A_114 = arith.constant 0 : i32
    %dma_start3A_115 = tpu.memref_slice %arg13[%add3A_108, %dma_start3A_114] : memref<10240x128xf32, #tpu.memory_space<vmem_shared>> -> memref<32x128xf32, #tpu.memory_space<vmem_shared>>
    tpu.enqueue_dma source(%arg12 : memref<32x128xf32, #tpu.memory_space<vmem>>) target(%dma_start3A_115 : memref<32x128xf32, #tpu.memory_space<vmem_shared>>) target_semaphore(%dma_start3A_113 : memref<!tpu.dma_semaphore, #tpu.memory_space<semaphore_mem>>)
    %mul3A_116 = arith.constant 640 : i32
    %mul3A_117 = arith.muli %arg1, %mul3A_116 : i32
    %add3A_118 = arith.constant 192 : i32
    %add3A_119 = arith.addi %mul3A_117, %add3A_118 : i32
    %dma_start3A_120 = arith.constant 1 : i32
    %dma_start3A_121 = arith.constant 0 : i32
    %dma_start3A_122 = tpu.memref_slice %arg13[%add3A_119, %dma_start3A_121] : memref<10240x128xf32, #tpu.memory_space<vmem_shared>> -> memref<32x128xf32, #tpu.memory_space<vmem_shared>>
    %dma_start3A_123 = tpu.memref_slice %arg15[%dma_start3A_120] : memref<5x!tpu.dma_semaphore, #tpu.memory_space<semaphore_mem>> -> memref<1x!tpu.dma_semaphore, #tpu.memory_space<semaphore_mem>>
    %dma_start3A_124 = tpu.memref_squeeze %dma_start3A_123 : memref<1x!tpu.dma_semaphore, #tpu.memory_space<semaphore_mem>> -> memref<!tpu.dma_semaphore, #tpu.memory_space<semaphore_mem>>
    %dma_start3A_125 = arith.constant 0 : i32
    %dma_start3A_126 = tpu.memref_slice %arg13[%add3A_119, %dma_start3A_125] : memref<10240x128xf32, #tpu.memory_space<vmem_shared>> -> memref<32x128xf32, #tpu.memory_space<vmem_shared>>
    tpu.enqueue_dma source(%arg12 : memref<32x128xf32, #tpu.memory_space<vmem>>) target(%dma_start3A_126 : memref<32x128xf32, #tpu.memory_space<vmem_shared>>) target_semaphore(%dma_start3A_124 : memref<!tpu.dma_semaphore, #tpu.memory_space<semaphore_mem>>)
    %mul3A_127 = arith.constant 640 : i32
    %mul3A_128 = arith.muli %arg1, %mul3A_127 : i32
    %add3A_129 = arith.constant 224 : i32
    %add3A_130 = arith.addi %mul3A_128, %add3A_129 : i32
    %dma_start3A_131 = arith.constant 2 : i32
    %dma_start3A_132 = arith.constant 0 : i32
    %dma_start3A_133 = tpu.memref_slice %arg13[%add3A_130, %dma_start3A_132] : memref<10240x128xf32, #tpu.memory_space<vmem_shared>> -> memref<32x128xf32, #tpu.memory_space<vmem_shared>>
    %dma_start3A_134 = tpu.memref_slice %arg15[%dma_start3A_131] : memref<5x!tpu.dma_semaphore, #tpu.memory_space<semaphore_mem>> -> memref<1x!tpu.dma_semaphore, #tpu.memory_space<semaphore_mem>>
    %dma_start3A_135 = tpu.memref_squeeze %dma_start3A_134 : memref<1x!tpu.dma_semaphore, #tpu.memory_space<semaphore_mem>> -> memref<!tpu.dma_semaphore, #tpu.memory_space<semaphore_mem>>
    %dma_start3A_136 = arith.constant 0 : i32
    %dma_start3A_137 = tpu.memref_slice %arg13[%add3A_130, %dma_start3A_136] : memref<10240x128xf32, #tpu.memory_space<vmem_shared>> -> memref<32x128xf32, #tpu.memory_space<vmem_shared>>
    tpu.enqueue_dma source(%arg12 : memref<32x128xf32, #tpu.memory_space<vmem>>) target(%dma_start3A_137 : memref<32x128xf32, #tpu.memory_space<vmem_shared>>) target_semaphore(%dma_start3A_135 : memref<!tpu.dma_semaphore, #tpu.memory_space<semaphore_mem>>)
    %mul3A_138 = arith.constant 640 : i32
    %mul3A_139 = arith.muli %arg1, %mul3A_138 : i32
    %add3A_140 = arith.constant 256 : i32
    %add3A_141 = arith.addi %mul3A_139, %add3A_140 : i32
    %dma_start3A_142 = arith.constant 3 : i32
    %dma_start3A_143 = arith.constant 0 : i32
    %dma_start3A_144 = tpu.memref_slice %arg13[%add3A_141, %dma_start3A_143] : memref<10240x128xf32, #tpu.memory_space<vmem_shared>> -> memref<32x128xf32, #tpu.memory_space<vmem_shared>>
    %dma_start3A_145 = tpu.memref_slice %arg15[%dma_start3A_142] : memref<5x!tpu.dma_semaphore, #tpu.memory_space<semaphore_mem>> -> memref<1x!tpu.dma_semaphore, #tpu.memory_space<semaphore_mem>>
    %dma_start3A_146 = tpu.memref_squeeze %dma_start3A_145 : memref<1x!tpu.dma_semaphore, #tpu.memory_space<semaphore_mem>> -> memref<!tpu.dma_semaphore, #tpu.memory_space<semaphore_mem>>
    %dma_start3A_147 = arith.constant 0 : i32
    %dma_start3A_148 = tpu.memref_slice %arg13[%add3A_141, %dma_start3A_147] : memref<10240x128xf32, #tpu.memory_space<vmem_shared>> -> memref<32x128xf32, #tpu.memory_space<vmem_shared>>
    tpu.enqueue_dma source(%arg12 : memref<32x128xf32, #tpu.memory_space<vmem>>) target(%dma_start3A_148 : memref<32x128xf32, #tpu.memory_space<vmem_shared>>) target_semaphore(%dma_start3A_146 : memref<!tpu.dma_semaphore, #tpu.memory_space<semaphore_mem>>)
    %mul3A_149 = arith.constant 640 : i32
    %mul3A_150 = arith.muli %arg1, %mul3A_149 : i32
    %add3A_151 = arith.constant 288 : i32
    %add3A_152 = arith.addi %mul3A_150, %add3A_151 : i32
    %dma_start3A_153 = arith.constant 4 : i32
    %dma_start3A_154 = arith.constant 0 : i32
    %dma_start3A_155 = tpu.memref_slice %arg13[%add3A_152, %dma_start3A_154] : memref<10240x128xf32, #tpu.memory_space<vmem_shared>> -> memref<32x128xf32, #tpu.memory_space<vmem_shared>>
    %dma_start3A_156 = tpu.memref_slice %arg15[%dma_start3A_153] : memref<5x!tpu.dma_semaphore, #tpu.memory_space<semaphore_mem>> -> memref<1x!tpu.dma_semaphore, #tpu.memory_space<semaphore_mem>>
    %dma_start3A_157 = tpu.memref_squeeze %dma_start3A_156 : memref<1x!tpu.dma_semaphore, #tpu.memory_space<semaphore_mem>> -> memref<!tpu.dma_semaphore, #tpu.memory_space<semaphore_mem>>
    %dma_start3A_158 = arith.constant 0 : i32
    %dma_start3A_159 = tpu.memref_slice %arg13[%add3A_152, %dma_start3A_158] : memref<10240x128xf32, #tpu.memory_space<vmem_shared>> -> memref<32x128xf32, #tpu.memory_space<vmem_shared>>
    tpu.enqueue_dma source(%arg12 : memref<32x128xf32, #tpu.memory_space<vmem>>) target(%dma_start3A_159 : memref<32x128xf32, #tpu.memory_space<vmem_shared>>) target_semaphore(%dma_start3A_157 : memref<!tpu.dma_semaphore, #tpu.memory_space<semaphore_mem>>)
    %mul3A_160 = arith.constant 640 : i32
    %mul3A_161 = arith.muli %arg1, %mul3A_160 : i32
    %add3A_162 = arith.constant 320 : i32
    %add3A_163 = arith.addi %mul3A_161, %add3A_162 : i32
    %dma_start3A_164 = arith.constant 0 : i32
    %dma_start3A_165 = arith.constant 0 : i32
    %dma_start3A_166 = tpu.memref_slice %arg13[%add3A_163, %dma_start3A_165] : memref<10240x128xf32, #tpu.memory_space<vmem_shared>> -> memref<32x128xf32, #tpu.memory_space<vmem_shared>>
    %dma_start3A_167 = tpu.memref_slice %arg15[%dma_start3A_164] : memref<5x!tpu.dma_semaphore, #tpu.memory_space<semaphore_mem>> -> memref<1x!tpu.dma_semaphore, #tpu.memory_space<semaphore_mem>>
    %dma_start3A_168 = tpu.memref_squeeze %dma_start3A_167 : memref<1x!tpu.dma_semaphore, #tpu.memory_space<semaphore_mem>> -> memref<!tpu.dma_semaphore, #tpu.memory_space<semaphore_mem>>
    %dma_start3A_169 = arith.constant 0 : i32
    %dma_start3A_170 = tpu.memref_slice %arg13[%add3A_163, %dma_start3A_169] : memref<10240x128xf32, #tpu.memory_space<vmem_shared>> -> memref<32x128xf32, #tpu.memory_space<vmem_shared>>
    tpu.enqueue_dma source(%arg12 : memref<32x128xf32, #tpu.memory_space<vmem>>) target(%dma_start3A_170 : memref<32x128xf32, #tpu.memory_space<vmem_shared>>) target_semaphore(%dma_start3A_168 : memref<!tpu.dma_semaphore, #tpu.memory_space<semaphore_mem>>)
    %mul3A_171 = arith.constant 640 : i32
    %mul3A_172 = arith.muli %arg1, %mul3A_171 : i32
    %add3A_173 = arith.constant 352 : i32
    %add3A_174 = arith.addi %mul3A_172, %add3A_173 : i32
    %dma_start3A_175 = arith.constant 1 : i32
    %dma_start3A_176 = arith.constant 0 : i32
    %dma_start3A_177 = tpu.memref_slice %arg13[%add3A_174, %dma_start3A_176] : memref<10240x128xf32, #tpu.memory_space<vmem_shared>> -> memref<32x128xf32, #tpu.memory_space<vmem_shared>>
    %dma_start3A_178 = tpu.memref_slice %arg15[%dma_start3A_175] : memref<5x!tpu.dma_semaphore, #tpu.memory_space<semaphore_mem>> -> memref<1x!tpu.dma_semaphore, #tpu.memory_space<semaphore_mem>>
    %dma_start3A_179 = tpu.memref_squeeze %dma_start3A_178 : memref<1x!tpu.dma_semaphore, #tpu.memory_space<semaphore_mem>> -> memref<!tpu.dma_semaphore, #tpu.memory_space<semaphore_mem>>
    %dma_start3A_180 = arith.constant 0 : i32
    %dma_start3A_181 = tpu.memref_slice %arg13[%add3A_174, %dma_start3A_180] : memref<10240x128xf32, #tpu.memory_space<vmem_shared>> -> memref<32x128xf32, #tpu.memory_space<vmem_shared>>
    tpu.enqueue_dma source(%arg12 : memref<32x128xf32, #tpu.memory_space<vmem>>) target(%dma_start3A_181 : memref<32x128xf32, #tpu.memory_space<vmem_shared>>) target_semaphore(%dma_start3A_179 : memref<!tpu.dma_semaphore, #tpu.memory_space<semaphore_mem>>)
    %mul3A_182 = arith.constant 640 : i32
    %mul3A_183 = arith.muli %arg1, %mul3A_182 : i32
    %add3A_184 = arith.constant 384 : i32
    %add3A_185 = arith.addi %mul3A_183, %add3A_184 : i32
    %dma_start3A_186 = arith.constant 2 : i32
    %dma_start3A_187 = arith.constant 0 : i32
    %dma_start3A_188 = tpu.memref_slice %arg13[%add3A_185, %dma_start3A_187] : memref<10240x128xf32, #tpu.memory_space<vmem_shared>> -> memref<32x128xf32, #tpu.memory_space<vmem_shared>>
    %dma_start3A_189 = tpu.memref_slice %arg15[%dma_start3A_186] : memref<5x!tpu.dma_semaphore, #tpu.memory_space<semaphore_mem>> -> memref<1x!tpu.dma_semaphore, #tpu.memory_space<semaphore_mem>>
    %dma_start3A_190 = tpu.memref_squeeze %dma_start3A_189 : memref<1x!tpu.dma_semaphore, #tpu.memory_space<semaphore_mem>> -> memref<!tpu.dma_semaphore, #tpu.memory_space<semaphore_mem>>
    %dma_start3A_191 = arith.constant 0 : i32
    %dma_start3A_192 = tpu.memref_slice %arg13[%add3A_185, %dma_start3A_191] : memref<10240x128xf32, #tpu.memory_space<vmem_shared>> -> memref<32x128xf32, #tpu.memory_space<vmem_shared>>
    tpu.enqueue_dma source(%arg12 : memref<32x128xf32, #tpu.memory_space<vmem>>) target(%dma_start3A_192 : memref<32x128xf32, #tpu.memory_space<vmem_shared>>) target_semaphore(%dma_start3A_190 : memref<!tpu.dma_semaphore, #tpu.memory_space<semaphore_mem>>)
    %mul3A_193 = arith.constant 640 : i32
    %mul3A_194 = arith.muli %arg1, %mul3A_193 : i32
    %add3A_195 = arith.constant 416 : i32
    %add3A_196 = arith.addi %mul3A_194, %add3A_195 : i32
    %dma_start3A_197 = arith.constant 3 : i32
    %dma_start3A_198 = arith.constant 0 : i32
    %dma_start3A_199 = tpu.memref_slice %arg13[%add3A_196, %dma_start3A_198] : memref<10240x128xf32, #tpu.memory_space<vmem_shared>> -> memref<32x128xf32, #tpu.memory_space<vmem_shared>>
    %dma_start3A_200 = tpu.memref_slice %arg15[%dma_start3A_197] : memref<5x!tpu.dma_semaphore, #tpu.memory_space<semaphore_mem>> -> memref<1x!tpu.dma_semaphore, #tpu.memory_space<semaphore_mem>>
    %dma_start3A_201 = tpu.memref_squeeze %dma_start3A_200 : memref<1x!tpu.dma_semaphore, #tpu.memory_space<semaphore_mem>> -> memref<!tpu.dma_semaphore, #tpu.memory_space<semaphore_mem>>
    %dma_start3A_202 = arith.constant 0 : i32
    %dma_start3A_203 = tpu.memref_slice %arg13[%add3A_196, %dma_start3A_202] : memref<10240x128xf32, #tpu.memory_space<vmem_shared>> -> memref<32x128xf32, #tpu.memory_space<vmem_shared>>
    tpu.enqueue_dma source(%arg12 : memref<32x128xf32, #tpu.memory_space<vmem>>) target(%dma_start3A_203 : memref<32x128xf32, #tpu.memory_space<vmem_shared>>) target_semaphore(%dma_start3A_201 : memref<!tpu.dma_semaphore, #tpu.memory_space<semaphore_mem>>)
    %mul3A_204 = arith.constant 640 : i32
    %mul3A_205 = arith.muli %arg1, %mul3A_204 : i32
    %add3A_206 = arith.constant 448 : i32
    %add3A_207 = arith.addi %mul3A_205, %add3A_206 : i32
    %dma_start3A_208 = arith.constant 4 : i32
    %dma_start3A_209 = arith.constant 0 : i32
    %dma_start3A_210 = tpu.memref_slice %arg13[%add3A_207, %dma_start3A_209] : memref<10240x128xf32, #tpu.memory_space<vmem_shared>> -> memref<32x128xf32, #tpu.memory_space<vmem_shared>>
    %dma_start3A_211 = tpu.memref_slice %arg15[%dma_start3A_208] : memref<5x!tpu.dma_semaphore, #tpu.memory_space<semaphore_mem>> -> memref<1x!tpu.dma_semaphore, #tpu.memory_space<semaphore_mem>>
    %dma_start3A_212 = tpu.memref_squeeze %dma_start3A_211 : memref<1x!tpu.dma_semaphore, #tpu.memory_space<semaphore_mem>> -> memref<!tpu.dma_semaphore, #tpu.memory_space<semaphore_mem>>
    %dma_start3A_213 = arith.constant 0 : i32
    %dma_start3A_214 = tpu.memref_slice %arg13[%add3A_207, %dma_start3A_213] : memref<10240x128xf32, #tpu.memory_space<vmem_shared>> -> memref<32x128xf32, #tpu.memory_space<vmem_shared>>
    tpu.enqueue_dma source(%arg12 : memref<32x128xf32, #tpu.memory_space<vmem>>) target(%dma_start3A_214 : memref<32x128xf32, #tpu.memory_space<vmem_shared>>) target_semaphore(%dma_start3A_212 : memref<!tpu.dma_semaphore, #tpu.memory_space<semaphore_mem>>)
    %mul3A_215 = arith.constant 640 : i32
    %mul3A_216 = arith.muli %arg1, %mul3A_215 : i32
    %add3A_217 = arith.constant 480 : i32
    %add3A_218 = arith.addi %mul3A_216, %add3A_217 : i32
    %dma_start3A_219 = arith.constant 0 : i32
    %dma_start3A_220 = arith.constant 0 : i32
    %dma_start3A_221 = tpu.memref_slice %arg13[%add3A_218, %dma_start3A_220] : memref<10240x128xf32, #tpu.memory_space<vmem_shared>> -> memref<32x128xf32, #tpu.memory_space<vmem_shared>>
    %dma_start3A_222 = tpu.memref_slice %arg15[%dma_start3A_219] : memref<5x!tpu.dma_semaphore, #tpu.memory_space<semaphore_mem>> -> memref<1x!tpu.dma_semaphore, #tpu.memory_space<semaphore_mem>>
    %dma_start3A_223 = tpu.memref_squeeze %dma_start3A_222 : memref<1x!tpu.dma_semaphore, #tpu.memory_space<semaphore_mem>> -> memref<!tpu.dma_semaphore, #tpu.memory_space<semaphore_mem>>
    %dma_start3A_224 = arith.constant 0 : i32
    %dma_start3A_225 = tpu.memref_slice %arg13[%add3A_218, %dma_start3A_224] : memref<10240x128xf32, #tpu.memory_space<vmem_shared>> -> memref<32x128xf32, #tpu.memory_space<vmem_shared>>
    tpu.enqueue_dma source(%arg12 : memref<32x128xf32, #tpu.memory_space<vmem>>) target(%dma_start3A_225 : memref<32x128xf32, #tpu.memory_space<vmem_shared>>) target_semaphore(%dma_start3A_223 : memref<!tpu.dma_semaphore, #tpu.memory_space<semaphore_mem>>)
    %mul3A_226 = arith.constant 640 : i32
    %mul3A_227 = arith.muli %arg1, %mul3A_226 : i32
    %add3A_228 = arith.constant 512 : i32
    %add3A_229 = arith.addi %mul3A_227, %add3A_228 : i32
    %dma_start3A_230 = arith.constant 1 : i32
    %dma_start3A_231 = arith.constant 0 : i32
    %dma_start3A_232 = tpu.memref_slice %arg13[%add3A_229, %dma_start3A_231] : memref<10240x128xf32, #tpu.memory_space<vmem_shared>> -> memref<32x128xf32, #tpu.memory_space<vmem_shared>>
    %dma_start3A_233 = tpu.memref_slice %arg15[%dma_start3A_230] : memref<5x!tpu.dma_semaphore, #tpu.memory_space<semaphore_mem>> -> memref<1x!tpu.dma_semaphore, #tpu.memory_space<semaphore_mem>>
    %dma_start3A_234 = tpu.memref_squeeze %dma_start3A_233 : memref<1x!tpu.dma_semaphore, #tpu.memory_space<semaphore_mem>> -> memref<!tpu.dma_semaphore, #tpu.memory_space<semaphore_mem>>
    %dma_start3A_235 = arith.constant 0 : i32
    %dma_start3A_236 = tpu.memref_slice %arg13[%add3A_229, %dma_start3A_235] : memref<10240x128xf32, #tpu.memory_space<vmem_shared>> -> memref<32x128xf32, #tpu.memory_space<vmem_shared>>
    tpu.enqueue_dma source(%arg12 : memref<32x128xf32, #tpu.memory_space<vmem>>) target(%dma_start3A_236 : memref<32x128xf32, #tpu.memory_space<vmem_shared>>) target_semaphore(%dma_start3A_234 : memref<!tpu.dma_semaphore, #tpu.memory_space<semaphore_mem>>)
    %mul3A_237 = arith.constant 640 : i32
    %mul3A_238 = arith.muli %arg1, %mul3A_237 : i32
    %add3A_239 = arith.constant 544 : i32
    %add3A_240 = arith.addi %mul3A_238, %add3A_239 : i32
    %dma_start3A_241 = arith.constant 2 : i32
    %dma_start3A_242 = arith.constant 0 : i32
    %dma_start3A_243 = tpu.memref_slice %arg13[%add3A_240, %dma_start3A_242] : memref<10240x128xf32, #tpu.memory_space<vmem_shared>> -> memref<32x128xf32, #tpu.memory_space<vmem_shared>>
    %dma_start3A_244 = tpu.memref_slice %arg15[%dma_start3A_241] : memref<5x!tpu.dma_semaphore, #tpu.memory_space<semaphore_mem>> -> memref<1x!tpu.dma_semaphore, #tpu.memory_space<semaphore_mem>>
    %dma_start3A_245 = tpu.memref_squeeze %dma_start3A_244 : memref<1x!tpu.dma_semaphore, #tpu.memory_space<semaphore_mem>> -> memref<!tpu.dma_semaphore, #tpu.memory_space<semaphore_mem>>
    %dma_start3A_246 = arith.constant 0 : i32
    %dma_start3A_247 = tpu.memref_slice %arg13[%add3A_240, %dma_start3A_246] : memref<10240x128xf32, #tpu.memory_space<vmem_shared>> -> memref<32x128xf32, #tpu.memory_space<vmem_shared>>
    tpu.enqueue_dma source(%arg12 : memref<32x128xf32, #tpu.memory_space<vmem>>) target(%dma_start3A_247 : memref<32x128xf32, #tpu.memory_space<vmem_shared>>) target_semaphore(%dma_start3A_245 : memref<!tpu.dma_semaphore, #tpu.memory_space<semaphore_mem>>)
    %mul3A_248 = arith.constant 640 : i32
    %mul3A_249 = arith.muli %arg1, %mul3A_248 : i32
    %add3A_250 = arith.constant 576 : i32
    %add3A_251 = arith.addi %mul3A_249, %add3A_250 : i32
    %dma_start3A_252 = arith.constant 3 : i32
    %dma_start3A_253 = arith.constant 0 : i32
    %dma_start3A_254 = tpu.memref_slice %arg13[%add3A_251, %dma_start3A_253] : memref<10240x128xf32, #tpu.memory_space<vmem_shared>> -> memref<32x128xf32, #tpu.memory_space<vmem_shared>>
    %dma_start3A_255 = tpu.memref_slice %arg15[%dma_start3A_252] : memref<5x!tpu.dma_semaphore, #tpu.memory_space<semaphore_mem>> -> memref<1x!tpu.dma_semaphore, #tpu.memory_space<semaphore_mem>>
    %dma_start3A_256 = tpu.memref_squeeze %dma_start3A_255 : memref<1x!tpu.dma_semaphore, #tpu.memory_space<semaphore_mem>> -> memref<!tpu.dma_semaphore, #tpu.memory_space<semaphore_mem>>
    %dma_start3A_257 = arith.constant 0 : i32
    %dma_start3A_258 = tpu.memref_slice %arg13[%add3A_251, %dma_start3A_257] : memref<10240x128xf32, #tpu.memory_space<vmem_shared>> -> memref<32x128xf32, #tpu.memory_space<vmem_shared>>
    tpu.enqueue_dma source(%arg12 : memref<32x128xf32, #tpu.memory_space<vmem>>) target(%dma_start3A_258 : memref<32x128xf32, #tpu.memory_space<vmem_shared>>) target_semaphore(%dma_start3A_256 : memref<!tpu.dma_semaphore, #tpu.memory_space<semaphore_mem>>)
    %mul3A_259 = arith.constant 640 : i32
    %mul3A_260 = arith.muli %arg1, %mul3A_259 : i32
    %add3A_261 = arith.constant 608 : i32
    %add3A_262 = arith.addi %mul3A_260, %add3A_261 : i32
    %dma_start3A_263 = arith.constant 4 : i32
    %dma_start3A_264 = arith.constant 0 : i32
    %dma_start3A_265 = tpu.memref_slice %arg13[%add3A_262, %dma_start3A_264] : memref<10240x128xf32, #tpu.memory_space<vmem_shared>> -> memref<32x128xf32, #tpu.memory_space<vmem_shared>>
    %dma_start3A_266 = tpu.memref_slice %arg15[%dma_start3A_263] : memref<5x!tpu.dma_semaphore, #tpu.memory_space<semaphore_mem>> -> memref<1x!tpu.dma_semaphore, #tpu.memory_space<semaphore_mem>>
    %dma_start3A_267 = tpu.memref_squeeze %dma_start3A_266 : memref<1x!tpu.dma_semaphore, #tpu.memory_space<semaphore_mem>> -> memref<!tpu.dma_semaphore, #tpu.memory_space<semaphore_mem>>
    %dma_start3A_268 = arith.constant 0 : i32
    %dma_start3A_269 = tpu.memref_slice %arg13[%add3A_262, %dma_start3A_268] : memref<10240x128xf32, #tpu.memory_space<vmem_shared>> -> memref<32x128xf32, #tpu.memory_space<vmem_shared>>
    tpu.enqueue_dma source(%arg12 : memref<32x128xf32, #tpu.memory_space<vmem>>) target(%dma_start3A_269 : memref<32x128xf32, #tpu.memory_space<vmem_shared>>) target_semaphore(%dma_start3A_267 : memref<!tpu.dma_semaphore, #tpu.memory_space<semaphore_mem>>)
    %mul3A_270 = arith.constant 640 : i32
    %mul3A_271 = arith.muli %arg1, %mul3A_270 : i32
    %add3A_272 = arith.constant 0 : i32
    %add3A_273 = arith.addi %mul3A_271, %add3A_272 : i32
    %dma_start3A_274 = arith.constant 0 : i32
    %dma_start3A_275 = arith.constant 0 : i32
    %dma_start3A_276 = arith.constant 0 : i32
    %dma_start3A_277 = tpu.memref_slice %arg12[%dma_start3A_274, %dma_start3A_276] : memref<32x128xf32, #tpu.memory_space<vmem>> -> memref<1x128xf32, #tpu.memory_space<vmem>>
    %dma_start3A_278 = tpu.memref_squeeze %dma_start3A_277 : memref<1x128xf32, #tpu.memory_space<vmem>> -> memref<128xf32, #tpu.memory_space<vmem>>
    %dma_start3A_279 = tpu.memref_slice %arg14[%add3A_273] : memref<10240xf32, #tpu.memory_space<vmem_shared>> -> memref<128xf32, #tpu.memory_space<vmem_shared>>
    %dma_start3A_280 = tpu.memref_slice %arg17[%dma_start3A_275] : memref<5x!tpu.dma_semaphore, #tpu.memory_space<semaphore_mem>> -> memref<1x!tpu.dma_semaphore, #tpu.memory_space<semaphore_mem>>
    %dma_start3A_281 = tpu.memref_squeeze %dma_start3A_280 : memref<1x!tpu.dma_semaphore, #tpu.memory_space<semaphore_mem>> -> memref<!tpu.dma_semaphore, #tpu.memory_space<semaphore_mem>>
    %dma_start3A_282 = tpu.memref_slice %arg14[%add3A_273] : memref<10240xf32, #tpu.memory_space<vmem_shared>> -> memref<128xf32, #tpu.memory_space<vmem_shared>>
    %dma_start3A_283 = arith.constant 0 : i32
    %dma_start3A_284 = tpu.memref_slice %arg12[%dma_start3A_274, %dma_start3A_283] : memref<32x128xf32, #tpu.memory_space<vmem>> -> memref<1x128xf32, #tpu.memory_space<vmem>>
    %dma_start3A_285 = tpu.memref_squeeze %dma_start3A_284 : memref<1x128xf32, #tpu.memory_space<vmem>> -> memref<128xf32, #tpu.memory_space<vmem>>
    tpu.enqueue_dma source(%dma_start3A_285 : memref<128xf32, #tpu.memory_space<vmem>>) target(%dma_start3A_282 : memref<128xf32, #tpu.memory_space<vmem_shared>>) target_semaphore(%dma_start3A_281 : memref<!tpu.dma_semaphore, #tpu.memory_space<semaphore_mem>>)
    %mul3A_286 = arith.constant 640 : i32
    %mul3A_287 = arith.muli %arg1, %mul3A_286 : i32
    %add3A_288 = arith.constant 128 : i32
    %add3A_289 = arith.addi %mul3A_287, %add3A_288 : i32
    %dma_start3A_290 = arith.constant 0 : i32
    %dma_start3A_291 = arith.constant 1 : i32
    %dma_start3A_292 = arith.constant 0 : i32
    %dma_start3A_293 = tpu.memref_slice %arg12[%dma_start3A_290, %dma_start3A_292] : memref<32x128xf32, #tpu.memory_space<vmem>> -> memref<1x128xf32, #tpu.memory_space<vmem>>
    %dma_start3A_294 = tpu.memref_squeeze %dma_start3A_293 : memref<1x128xf32, #tpu.memory_space<vmem>> -> memref<128xf32, #tpu.memory_space<vmem>>
    %dma_start3A_295 = tpu.memref_slice %arg14[%add3A_289] : memref<10240xf32, #tpu.memory_space<vmem_shared>> -> memref<128xf32, #tpu.memory_space<vmem_shared>>
    %dma_start3A_296 = tpu.memref_slice %arg17[%dma_start3A_291] : memref<5x!tpu.dma_semaphore, #tpu.memory_space<semaphore_mem>> -> memref<1x!tpu.dma_semaphore, #tpu.memory_space<semaphore_mem>>
    %dma_start3A_297 = tpu.memref_squeeze %dma_start3A_296 : memref<1x!tpu.dma_semaphore, #tpu.memory_space<semaphore_mem>> -> memref<!tpu.dma_semaphore, #tpu.memory_space<semaphore_mem>>
    %dma_start3A_298 = tpu.memref_slice %arg14[%add3A_289] : memref<10240xf32, #tpu.memory_space<vmem_shared>> -> memref<128xf32, #tpu.memory_space<vmem_shared>>
    %dma_start3A_299 = arith.constant 0 : i32
    %dma_start3A_300 = tpu.memref_slice %arg12[%dma_start3A_290, %dma_start3A_299] : memref<32x128xf32, #tpu.memory_space<vmem>> -> memref<1x128xf32, #tpu.memory_space<vmem>>
    %dma_start3A_301 = tpu.memref_squeeze %dma_start3A_300 : memref<1x128xf32, #tpu.memory_space<vmem>> -> memref<128xf32, #tpu.memory_space<vmem>>
    tpu.enqueue_dma source(%dma_start3A_301 : memref<128xf32, #tpu.memory_space<vmem>>) target(%dma_start3A_298 : memref<128xf32, #tpu.memory_space<vmem_shared>>) target_semaphore(%dma_start3A_297 : memref<!tpu.dma_semaphore, #tpu.memory_space<semaphore_mem>>)
    %mul3A_302 = arith.constant 640 : i32
    %mul3A_303 = arith.muli %arg1, %mul3A_302 : i32
    %add3A_304 = arith.constant 256 : i32
    %add3A_305 = arith.addi %mul3A_303, %add3A_304 : i32
    %dma_start3A_306 = arith.constant 0 : i32
    %dma_start3A_307 = arith.constant 2 : i32
    %dma_start3A_308 = arith.constant 0 : i32
    %dma_start3A_309 = tpu.memref_slice %arg12[%dma_start3A_306, %dma_start3A_308] : memref<32x128xf32, #tpu.memory_space<vmem>> -> memref<1x128xf32, #tpu.memory_space<vmem>>
    %dma_start3A_310 = tpu.memref_squeeze %dma_start3A_309 : memref<1x128xf32, #tpu.memory_space<vmem>> -> memref<128xf32, #tpu.memory_space<vmem>>
    %dma_start3A_311 = tpu.memref_slice %arg14[%add3A_305] : memref<10240xf32, #tpu.memory_space<vmem_shared>> -> memref<128xf32, #tpu.memory_space<vmem_shared>>
    %dma_start3A_312 = tpu.memref_slice %arg17[%dma_start3A_307] : memref<5x!tpu.dma_semaphore, #tpu.memory_space<semaphore_mem>> -> memref<1x!tpu.dma_semaphore, #tpu.memory_space<semaphore_mem>>
    %dma_start3A_313 = tpu.memref_squeeze %dma_start3A_312 : memref<1x!tpu.dma_semaphore, #tpu.memory_space<semaphore_mem>> -> memref<!tpu.dma_semaphore, #tpu.memory_space<semaphore_mem>>
    %dma_start3A_314 = tpu.memref_slice %arg14[%add3A_305] : memref<10240xf32, #tpu.memory_space<vmem_shared>> -> memref<128xf32, #tpu.memory_space<vmem_shared>>
    %dma_start3A_315 = arith.constant 0 : i32
    %dma_start3A_316 = tpu.memref_slice %arg12[%dma_start3A_306, %dma_start3A_315] : memref<32x128xf32, #tpu.memory_space<vmem>> -> memref<1x128xf32, #tpu.memory_space<vmem>>
    %dma_start3A_317 = tpu.memref_squeeze %dma_start3A_316 : memref<1x128xf32, #tpu.memory_space<vmem>> -> memref<128xf32, #tpu.memory_space<vmem>>
    tpu.enqueue_dma source(%dma_start3A_317 : memref<128xf32, #tpu.memory_space<vmem>>) target(%dma_start3A_314 : memref<128xf32, #tpu.memory_space<vmem_shared>>) target_semaphore(%dma_start3A_313 : memref<!tpu.dma_semaphore, #tpu.memory_space<semaphore_mem>>)
    %mul3A_318 = arith.constant 640 : i32
    %mul3A_319 = arith.muli %arg1, %mul3A_318 : i32
    %add3A_320 = arith.constant 384 : i32
    %add3A_321 = arith.addi %mul3A_319, %add3A_320 : i32
    %dma_start3A_322 = arith.constant 0 : i32
    %dma_start3A_323 = arith.constant 3 : i32
    %dma_start3A_324 = arith.constant 0 : i32
    %dma_start3A_325 = tpu.memref_slice %arg12[%dma_start3A_322, %dma_start3A_324] : memref<32x128xf32, #tpu.memory_space<vmem>> -> memref<1x128xf32, #tpu.memory_space<vmem>>
    %dma_start3A_326 = tpu.memref_squeeze %dma_start3A_325 : memref<1x128xf32, #tpu.memory_space<vmem>> -> memref<128xf32, #tpu.memory_space<vmem>>
    %dma_start3A_327 = tpu.memref_slice %arg14[%add3A_321] : memref<10240xf32, #tpu.memory_space<vmem_shared>> -> memref<128xf32, #tpu.memory_space<vmem_shared>>
    %dma_start3A_328 = tpu.memref_slice %arg17[%dma_start3A_323] : memref<5x!tpu.dma_semaphore, #tpu.memory_space<semaphore_mem>> -> memref<1x!tpu.dma_semaphore, #tpu.memory_space<semaphore_mem>>
    %dma_start3A_329 = tpu.memref_squeeze %dma_start3A_328 : memref<1x!tpu.dma_semaphore, #tpu.memory_space<semaphore_mem>> -> memref<!tpu.dma_semaphore, #tpu.memory_space<semaphore_mem>>
    %dma_start3A_330 = tpu.memref_slice %arg14[%add3A_321] : memref<10240xf32, #tpu.memory_space<vmem_shared>> -> memref<128xf32, #tpu.memory_space<vmem_shared>>
    %dma_start3A_331 = arith.constant 0 : i32
    %dma_start3A_332 = tpu.memref_slice %arg12[%dma_start3A_322, %dma_start3A_331] : memref<32x128xf32, #tpu.memory_space<vmem>> -> memref<1x128xf32, #tpu.memory_space<vmem>>
    %dma_start3A_333 = tpu.memref_squeeze %dma_start3A_332 : memref<1x128xf32, #tpu.memory_space<vmem>> -> memref<128xf32, #tpu.memory_space<vmem>>
    tpu.enqueue_dma source(%dma_start3A_333 : memref<128xf32, #tpu.memory_space<vmem>>) target(%dma_start3A_330 : memref<128xf32, #tpu.memory_space<vmem_shared>>) target_semaphore(%dma_start3A_329 : memref<!tpu.dma_semaphore, #tpu.memory_space<semaphore_mem>>)
    %mul3A_334 = arith.constant 640 : i32
    %mul3A_335 = arith.muli %arg1, %mul3A_334 : i32
    %add3A_336 = arith.constant 512 : i32
    %add3A_337 = arith.addi %mul3A_335, %add3A_336 : i32
    %dma_start3A_338 = arith.constant 0 : i32
    %dma_start3A_339 = arith.constant 4 : i32
    %dma_start3A_340 = arith.constant 0 : i32
    %dma_start3A_341 = tpu.memref_slice %arg12[%dma_start3A_338, %dma_start3A_340] : memref<32x128xf32, #tpu.memory_space<vmem>> -> memref<1x128xf32, #tpu.memory_space<vmem>>
    %dma_start3A_342 = tpu.memref_squeeze %dma_start3A_341 : memref<1x128xf32, #tpu.memory_space<vmem>> -> memref<128xf32, #tpu.memory_space<vmem>>
    %dma_start3A_343 = tpu.memref_slice %arg14[%add3A_337] : memref<10240xf32, #tpu.memory_space<vmem_shared>> -> memref<128xf32, #tpu.memory_space<vmem_shared>>
    %dma_start3A_344 = tpu.memref_slice %arg17[%dma_start3A_339] : memref<5x!tpu.dma_semaphore, #tpu.memory_space<semaphore_mem>> -> memref<1x!tpu.dma_semaphore, #tpu.memory_space<semaphore_mem>>
    %dma_start3A_345 = tpu.memref_squeeze %dma_start3A_344 : memref<1x!tpu.dma_semaphore, #tpu.memory_space<semaphore_mem>> -> memref<!tpu.dma_semaphore, #tpu.memory_space<semaphore_mem>>
    %dma_start3A_346 = tpu.memref_slice %arg14[%add3A_337] : memref<10240xf32, #tpu.memory_space<vmem_shared>> -> memref<128xf32, #tpu.memory_space<vmem_shared>>
    %dma_start3A_347 = arith.constant 0 : i32
    %dma_start3A_348 = tpu.memref_slice %arg12[%dma_start3A_338, %dma_start3A_347] : memref<32x128xf32, #tpu.memory_space<vmem>> -> memref<1x128xf32, #tpu.memory_space<vmem>>
    %dma_start3A_349 = tpu.memref_squeeze %dma_start3A_348 : memref<1x128xf32, #tpu.memory_space<vmem>> -> memref<128xf32, #tpu.memory_space<vmem>>
    tpu.enqueue_dma source(%dma_start3A_349 : memref<128xf32, #tpu.memory_space<vmem>>) target(%dma_start3A_346 : memref<128xf32, #tpu.memory_space<vmem_shared>>) target_semaphore(%dma_start3A_345 : memref<!tpu.dma_semaphore, #tpu.memory_space<semaphore_mem>>)
    %mul3A_350 = arith.constant 640 : i32
    %mul3A_351 = arith.muli %arg1, %mul3A_350 : i32
    %add3A_352 = arith.constant 0 : i32
    %add3A_353 = arith.addi %mul3A_351, %add3A_352 : i32
    %dma_wait3A = arith.constant 0 : i32
    %dma_wait3A_354 = arith.constant 0 : i32
    %dma_wait3A_355 = tpu.memref_slice %arg13[%add3A_353, %dma_wait3A_354] : memref<10240x128xf32, #tpu.memory_space<vmem_shared>> -> memref<32x128xf32, #tpu.memory_space<vmem_shared>>
    %dma_wait3A_356 = tpu.memref_slice %arg15[%dma_wait3A] : memref<5x!tpu.dma_semaphore, #tpu.memory_space<semaphore_mem>> -> memref<1x!tpu.dma_semaphore, #tpu.memory_space<semaphore_mem>>
    %dma_wait3A_357 = tpu.memref_squeeze %dma_wait3A_356 : memref<1x!tpu.dma_semaphore, #tpu.memory_space<semaphore_mem>> -> memref<!tpu.dma_semaphore, #tpu.memory_space<semaphore_mem>>
    %dma_wait3A_358 = arith.constant 0 : i32
    %dma_wait3A_359 = tpu.memref_slice %arg13[%add3A_353, %dma_wait3A_358] : memref<10240x128xf32, #tpu.memory_space<vmem_shared>> -> memref<32x128xf32, #tpu.memory_space<vmem_shared>>
    tpu.wait_dma2 semaphore(%dma_wait3A_357 : memref<!tpu.dma_semaphore, #tpu.memory_space<semaphore_mem>>) src(%arg12 : memref<32x128xf32, #tpu.memory_space<vmem>>) dst(%dma_wait3A_359 : memref<32x128xf32, #tpu.memory_space<vmem_shared>>)
    %mul3A_360 = arith.constant 640 : i32
    %mul3A_361 = arith.muli %arg1, %mul3A_360 : i32
    %add3A_362 = arith.constant 32 : i32
    %add3A_363 = arith.addi %mul3A_361, %add3A_362 : i32
    %dma_wait3A_364 = arith.constant 1 : i32
    %dma_wait3A_365 = arith.constant 0 : i32
    %dma_wait3A_366 = tpu.memref_slice %arg13[%add3A_363, %dma_wait3A_365] : memref<10240x128xf32, #tpu.memory_space<vmem_shared>> -> memref<32x128xf32, #tpu.memory_space<vmem_shared>>
    %dma_wait3A_367 = tpu.memref_slice %arg15[%dma_wait3A_364] : memref<5x!tpu.dma_semaphore, #tpu.memory_space<semaphore_mem>> -> memref<1x!tpu.dma_semaphore, #tpu.memory_space<semaphore_mem>>
    %dma_wait3A_368 = tpu.memref_squeeze %dma_wait3A_367 : memref<1x!tpu.dma_semaphore, #tpu.memory_space<semaphore_mem>> -> memref<!tpu.dma_semaphore, #tpu.memory_space<semaphore_mem>>
    %dma_wait3A_369 = arith.constant 0 : i32
    %dma_wait3A_370 = tpu.memref_slice %arg13[%add3A_363, %dma_wait3A_369] : memref<10240x128xf32, #tpu.memory_space<vmem_shared>> -> memref<32x128xf32, #tpu.memory_space<vmem_shared>>
    tpu.wait_dma2 semaphore(%dma_wait3A_368 : memref<!tpu.dma_semaphore, #tpu.memory_space<semaphore_mem>>) src(%arg12 : memref<32x128xf32, #tpu.memory_space<vmem>>) dst(%dma_wait3A_370 : memref<32x128xf32, #tpu.memory_space<vmem_shared>>)
    %mul3A_371 = arith.constant 640 : i32
    %mul3A_372 = arith.muli %arg1, %mul3A_371 : i32
    %add3A_373 = arith.constant 64 : i32
    %add3A_374 = arith.addi %mul3A_372, %add3A_373 : i32
    %dma_wait3A_375 = arith.constant 2 : i32
    %dma_wait3A_376 = arith.constant 0 : i32
    %dma_wait3A_377 = tpu.memref_slice %arg13[%add3A_374, %dma_wait3A_376] : memref<10240x128xf32, #tpu.memory_space<vmem_shared>> -> memref<32x128xf32, #tpu.memory_space<vmem_shared>>
    %dma_wait3A_378 = tpu.memref_slice %arg15[%dma_wait3A_375] : memref<5x!tpu.dma_semaphore, #tpu.memory_space<semaphore_mem>> -> memref<1x!tpu.dma_semaphore, #tpu.memory_space<semaphore_mem>>
    %dma_wait3A_379 = tpu.memref_squeeze %dma_wait3A_378 : memref<1x!tpu.dma_semaphore, #tpu.memory_space<semaphore_mem>> -> memref<!tpu.dma_semaphore, #tpu.memory_space<semaphore_mem>>
    %dma_wait3A_380 = arith.constant 0 : i32
    %dma_wait3A_381 = tpu.memref_slice %arg13[%add3A_374, %dma_wait3A_380] : memref<10240x128xf32, #tpu.memory_space<vmem_shared>> -> memref<32x128xf32, #tpu.memory_space<vmem_shared>>
    tpu.wait_dma2 semaphore(%dma_wait3A_379 : memref<!tpu.dma_semaphore, #tpu.memory_space<semaphore_mem>>) src(%arg12 : memref<32x128xf32, #tpu.memory_space<vmem>>) dst(%dma_wait3A_381 : memref<32x128xf32, #tpu.memory_space<vmem_shared>>)
    %mul3A_382 = arith.constant 640 : i32
    %mul3A_383 = arith.muli %arg1, %mul3A_382 : i32
    %add3A_384 = arith.constant 96 : i32
    %add3A_385 = arith.addi %mul3A_383, %add3A_384 : i32
    %dma_wait3A_386 = arith.constant 3 : i32
    %dma_wait3A_387 = arith.constant 0 : i32
    %dma_wait3A_388 = tpu.memref_slice %arg13[%add3A_385, %dma_wait3A_387] : memref<10240x128xf32, #tpu.memory_space<vmem_shared>> -> memref<32x128xf32, #tpu.memory_space<vmem_shared>>
    %dma_wait3A_389 = tpu.memref_slice %arg15[%dma_wait3A_386] : memref<5x!tpu.dma_semaphore, #tpu.memory_space<semaphore_mem>> -> memref<1x!tpu.dma_semaphore, #tpu.memory_space<semaphore_mem>>
    %dma_wait3A_390 = tpu.memref_squeeze %dma_wait3A_389 : memref<1x!tpu.dma_semaphore, #tpu.memory_space<semaphore_mem>> -> memref<!tpu.dma_semaphore, #tpu.memory_space<semaphore_mem>>
    %dma_wait3A_391 = arith.constant 0 : i32
    %dma_wait3A_392 = tpu.memref_slice %arg13[%add3A_385, %dma_wait3A_391] : memref<10240x128xf32, #tpu.memory_space<vmem_shared>> -> memref<32x128xf32, #tpu.memory_space<vmem_shared>>
    tpu.wait_dma2 semaphore(%dma_wait3A_390 : memref<!tpu.dma_semaphore, #tpu.memory_space<semaphore_mem>>) src(%arg12 : memref<32x128xf32, #tpu.memory_space<vmem>>) dst(%dma_wait3A_392 : memref<32x128xf32, #tpu.memory_space<vmem_shared>>)
    %mul3A_393 = arith.constant 640 : i32
    %mul3A_394 = arith.muli %arg1, %mul3A_393 : i32
    %add3A_395 = arith.constant 128 : i32
    %add3A_396 = arith.addi %mul3A_394, %add3A_395 : i32
    %dma_wait3A_397 = arith.constant 4 : i32
    %dma_wait3A_398 = arith.constant 0 : i32
    %dma_wait3A_399 = tpu.memref_slice %arg13[%add3A_396, %dma_wait3A_398] : memref<10240x128xf32, #tpu.memory_space<vmem_shared>> -> memref<32x128xf32, #tpu.memory_space<vmem_shared>>
    %dma_wait3A_400 = tpu.memref_slice %arg15[%dma_wait3A_397] : memref<5x!tpu.dma_semaphore, #tpu.memory_space<semaphore_mem>> -> memref<1x!tpu.dma_semaphore, #tpu.memory_space<semaphore_mem>>
    %dma_wait3A_401 = tpu.memref_squeeze %dma_wait3A_400 : memref<1x!tpu.dma_semaphore, #tpu.memory_space<semaphore_mem>> -> memref<!tpu.dma_semaphore, #tpu.memory_space<semaphore_mem>>
    %dma_wait3A_402 = arith.constant 0 : i32
    %dma_wait3A_403 = tpu.memref_slice %arg13[%add3A_396, %dma_wait3A_402] : memref<10240x128xf32, #tpu.memory_space<vmem_shared>> -> memref<32x128xf32, #tpu.memory_space<vmem_shared>>
    tpu.wait_dma2 semaphore(%dma_wait3A_401 : memref<!tpu.dma_semaphore, #tpu.memory_space<semaphore_mem>>) src(%arg12 : memref<32x128xf32, #tpu.memory_space<vmem>>) dst(%dma_wait3A_403 : memref<32x128xf32, #tpu.memory_space<vmem_shared>>)
    %mul3A_404 = arith.constant 640 : i32
    %mul3A_405 = arith.muli %arg1, %mul3A_404 : i32
    %add3A_406 = arith.constant 160 : i32
    %add3A_407 = arith.addi %mul3A_405, %add3A_406 : i32
    %dma_wait3A_408 = arith.constant 0 : i32
    %dma_wait3A_409 = arith.constant 0 : i32
    %dma_wait3A_410 = tpu.memref_slice %arg13[%add3A_407, %dma_wait3A_409] : memref<10240x128xf32, #tpu.memory_space<vmem_shared>> -> memref<32x128xf32, #tpu.memory_space<vmem_shared>>
    %dma_wait3A_411 = tpu.memref_slice %arg15[%dma_wait3A_408] : memref<5x!tpu.dma_semaphore, #tpu.memory_space<semaphore_mem>> -> memref<1x!tpu.dma_semaphore, #tpu.memory_space<semaphore_mem>>
    %dma_wait3A_412 = tpu.memref_squeeze %dma_wait3A_411 : memref<1x!tpu.dma_semaphore, #tpu.memory_space<semaphore_mem>> -> memref<!tpu.dma_semaphore, #tpu.memory_space<semaphore_mem>>
    %dma_wait3A_413 = arith.constant 0 : i32
    %dma_wait3A_414 = tpu.memref_slice %arg13[%add3A_407, %dma_wait3A_413] : memref<10240x128xf32, #tpu.memory_space<vmem_shared>> -> memref<32x128xf32, #tpu.memory_space<vmem_shared>>
    tpu.wait_dma2 semaphore(%dma_wait3A_412 : memref<!tpu.dma_semaphore, #tpu.memory_space<semaphore_mem>>) src(%arg12 : memref<32x128xf32, #tpu.memory_space<vmem>>) dst(%dma_wait3A_414 : memref<32x128xf32, #tpu.memory_space<vmem_shared>>)
    %mul3A_415 = arith.constant 640 : i32
    %mul3A_416 = arith.muli %arg1, %mul3A_415 : i32
    %add3A_417 = arith.constant 192 : i32
    %add3A_418 = arith.addi %mul3A_416, %add3A_417 : i32
    %dma_wait3A_419 = arith.constant 1 : i32
    %dma_wait3A_420 = arith.constant 0 : i32
    %dma_wait3A_421 = tpu.memref_slice %arg13[%add3A_418, %dma_wait3A_420] : memref<10240x128xf32, #tpu.memory_space<vmem_shared>> -> memref<32x128xf32, #tpu.memory_space<vmem_shared>>
    %dma_wait3A_422 = tpu.memref_slice %arg15[%dma_wait3A_419] : memref<5x!tpu.dma_semaphore, #tpu.memory_space<semaphore_mem>> -> memref<1x!tpu.dma_semaphore, #tpu.memory_space<semaphore_mem>>
    %dma_wait3A_423 = tpu.memref_squeeze %dma_wait3A_422 : memref<1x!tpu.dma_semaphore, #tpu.memory_space<semaphore_mem>> -> memref<!tpu.dma_semaphore, #tpu.memory_space<semaphore_mem>>
    %dma_wait3A_424 = arith.constant 0 : i32
    %dma_wait3A_425 = tpu.memref_slice %arg13[%add3A_418, %dma_wait3A_424] : memref<10240x128xf32, #tpu.memory_space<vmem_shared>> -> memref<32x128xf32, #tpu.memory_space<vmem_shared>>
    tpu.wait_dma2 semaphore(%dma_wait3A_423 : memref<!tpu.dma_semaphore, #tpu.memory_space<semaphore_mem>>) src(%arg12 : memref<32x128xf32, #tpu.memory_space<vmem>>) dst(%dma_wait3A_425 : memref<32x128xf32, #tpu.memory_space<vmem_shared>>)
    %mul3A_426 = arith.constant 640 : i32
    %mul3A_427 = arith.muli %arg1, %mul3A_426 : i32
    %add3A_428 = arith.constant 224 : i32
    %add3A_429 = arith.addi %mul3A_427, %add3A_428 : i32
    %dma_wait3A_430 = arith.constant 2 : i32
    %dma_wait3A_431 = arith.constant 0 : i32
    %dma_wait3A_432 = tpu.memref_slice %arg13[%add3A_429, %dma_wait3A_431] : memref<10240x128xf32, #tpu.memory_space<vmem_shared>> -> memref<32x128xf32, #tpu.memory_space<vmem_shared>>
    %dma_wait3A_433 = tpu.memref_slice %arg15[%dma_wait3A_430] : memref<5x!tpu.dma_semaphore, #tpu.memory_space<semaphore_mem>> -> memref<1x!tpu.dma_semaphore, #tpu.memory_space<semaphore_mem>>
    %dma_wait3A_434 = tpu.memref_squeeze %dma_wait3A_433 : memref<1x!tpu.dma_semaphore, #tpu.memory_space<semaphore_mem>> -> memref<!tpu.dma_semaphore, #tpu.memory_space<semaphore_mem>>
    %dma_wait3A_435 = arith.constant 0 : i32
    %dma_wait3A_436 = tpu.memref_slice %arg13[%add3A_429, %dma_wait3A_435] : memref<10240x128xf32, #tpu.memory_space<vmem_shared>> -> memref<32x128xf32, #tpu.memory_space<vmem_shared>>
    tpu.wait_dma2 semaphore(%dma_wait3A_434 : memref<!tpu.dma_semaphore, #tpu.memory_space<semaphore_mem>>) src(%arg12 : memref<32x128xf32, #tpu.memory_space<vmem>>) dst(%dma_wait3A_436 : memref<32x128xf32, #tpu.memory_space<vmem_shared>>)
    %mul3A_437 = arith.constant 640 : i32
    %mul3A_438 = arith.muli %arg1, %mul3A_437 : i32
    %add3A_439 = arith.constant 256 : i32
    %add3A_440 = arith.addi %mul3A_438, %add3A_439 : i32
    %dma_wait3A_441 = arith.constant 3 : i32
    %dma_wait3A_442 = arith.constant 0 : i32
    %dma_wait3A_443 = tpu.memref_slice %arg13[%add3A_440, %dma_wait3A_442] : memref<10240x128xf32, #tpu.memory_space<vmem_shared>> -> memref<32x128xf32, #tpu.memory_space<vmem_shared>>
    %dma_wait3A_444 = tpu.memref_slice %arg15[%dma_wait3A_441] : memref<5x!tpu.dma_semaphore, #tpu.memory_space<semaphore_mem>> -> memref<1x!tpu.dma_semaphore, #tpu.memory_space<semaphore_mem>>
    %dma_wait3A_445 = tpu.memref_squeeze %dma_wait3A_444 : memref<1x!tpu.dma_semaphore, #tpu.memory_space<semaphore_mem>> -> memref<!tpu.dma_semaphore, #tpu.memory_space<semaphore_mem>>
    %dma_wait3A_446 = arith.constant 0 : i32
    %dma_wait3A_447 = tpu.memref_slice %arg13[%add3A_440, %dma_wait3A_446] : memref<10240x128xf32, #tpu.memory_space<vmem_shared>> -> memref<32x128xf32, #tpu.memory_space<vmem_shared>>
    tpu.wait_dma2 semaphore(%dma_wait3A_445 : memref<!tpu.dma_semaphore, #tpu.memory_space<semaphore_mem>>) src(%arg12 : memref<32x128xf32, #tpu.memory_space<vmem>>) dst(%dma_wait3A_447 : memref<32x128xf32, #tpu.memory_space<vmem_shared>>)
    %mul3A_448 = arith.constant 640 : i32
    %mul3A_449 = arith.muli %arg1, %mul3A_448 : i32
    %add3A_450 = arith.constant 288 : i32
    %add3A_451 = arith.addi %mul3A_449, %add3A_450 : i32
    %dma_wait3A_452 = arith.constant 4 : i32
    %dma_wait3A_453 = arith.constant 0 : i32
    %dma_wait3A_454 = tpu.memref_slice %arg13[%add3A_451, %dma_wait3A_453] : memref<10240x128xf32, #tpu.memory_space<vmem_shared>> -> memref<32x128xf32, #tpu.memory_space<vmem_shared>>
    %dma_wait3A_455 = tpu.memref_slice %arg15[%dma_wait3A_452] : memref<5x!tpu.dma_semaphore, #tpu.memory_space<semaphore_mem>> -> memref<1x!tpu.dma_semaphore, #tpu.memory_space<semaphore_mem>>
    %dma_wait3A_456 = tpu.memref_squeeze %dma_wait3A_455 : memref<1x!tpu.dma_semaphore, #tpu.memory_space<semaphore_mem>> -> memref<!tpu.dma_semaphore, #tpu.memory_space<semaphore_mem>>
    %dma_wait3A_457 = arith.constant 0 : i32
    %dma_wait3A_458 = tpu.memref_slice %arg13[%add3A_451, %dma_wait3A_457] : memref<10240x128xf32, #tpu.memory_space<vmem_shared>> -> memref<32x128xf32, #tpu.memory_space<vmem_shared>>
    tpu.wait_dma2 semaphore(%dma_wait3A_456 : memref<!tpu.dma_semaphore, #tpu.memory_space<semaphore_mem>>) src(%arg12 : memref<32x128xf32, #tpu.memory_space<vmem>>) dst(%dma_wait3A_458 : memref<32x128xf32, #tpu.memory_space<vmem_shared>>)
    %mul3A_459 = arith.constant 640 : i32
    %mul3A_460 = arith.muli %arg1, %mul3A_459 : i32
    %add3A_461 = arith.constant 320 : i32
    %add3A_462 = arith.addi %mul3A_460, %add3A_461 : i32
    %dma_wait3A_463 = arith.constant 0 : i32
    %dma_wait3A_464 = arith.constant 0 : i32
    %dma_wait3A_465 = tpu.memref_slice %arg13[%add3A_462, %dma_wait3A_464] : memref<10240x128xf32, #tpu.memory_space<vmem_shared>> -> memref<32x128xf32, #tpu.memory_space<vmem_shared>>
    %dma_wait3A_466 = tpu.memref_slice %arg15[%dma_wait3A_463] : memref<5x!tpu.dma_semaphore, #tpu.memory_space<semaphore_mem>> -> memref<1x!tpu.dma_semaphore, #tpu.memory_space<semaphore_mem>>
    %dma_wait3A_467 = tpu.memref_squeeze %dma_wait3A_466 : memref<1x!tpu.dma_semaphore, #tpu.memory_space<semaphore_mem>> -> memref<!tpu.dma_semaphore, #tpu.memory_space<semaphore_mem>>
    %dma_wait3A_468 = arith.constant 0 : i32
    %dma_wait3A_469 = tpu.memref_slice %arg13[%add3A_462, %dma_wait3A_468] : memref<10240x128xf32, #tpu.memory_space<vmem_shared>> -> memref<32x128xf32, #tpu.memory_space<vmem_shared>>
    tpu.wait_dma2 semaphore(%dma_wait3A_467 : memref<!tpu.dma_semaphore, #tpu.memory_space<semaphore_mem>>) src(%arg12 : memref<32x128xf32, #tpu.memory_space<vmem>>) dst(%dma_wait3A_469 : memref<32x128xf32, #tpu.memory_space<vmem_shared>>)
    %mul3A_470 = arith.constant 640 : i32
    %mul3A_471 = arith.muli %arg1, %mul3A_470 : i32
    %add3A_472 = arith.constant 352 : i32
    %add3A_473 = arith.addi %mul3A_471, %add3A_472 : i32
    %dma_wait3A_474 = arith.constant 1 : i32
    %dma_wait3A_475 = arith.constant 0 : i32
    %dma_wait3A_476 = tpu.memref_slice %arg13[%add3A_473, %dma_wait3A_475] : memref<10240x128xf32, #tpu.memory_space<vmem_shared>> -> memref<32x128xf32, #tpu.memory_space<vmem_shared>>
    %dma_wait3A_477 = tpu.memref_slice %arg15[%dma_wait3A_474] : memref<5x!tpu.dma_semaphore, #tpu.memory_space<semaphore_mem>> -> memref<1x!tpu.dma_semaphore, #tpu.memory_space<semaphore_mem>>
    %dma_wait3A_478 = tpu.memref_squeeze %dma_wait3A_477 : memref<1x!tpu.dma_semaphore, #tpu.memory_space<semaphore_mem>> -> memref<!tpu.dma_semaphore, #tpu.memory_space<semaphore_mem>>
    %dma_wait3A_479 = arith.constant 0 : i32
    %dma_wait3A_480 = tpu.memref_slice %arg13[%add3A_473, %dma_wait3A_479] : memref<10240x128xf32, #tpu.memory_space<vmem_shared>> -> memref<32x128xf32, #tpu.memory_space<vmem_shared>>
    tpu.wait_dma2 semaphore(%dma_wait3A_478 : memref<!tpu.dma_semaphore, #tpu.memory_space<semaphore_mem>>) src(%arg12 : memref<32x128xf32, #tpu.memory_space<vmem>>) dst(%dma_wait3A_480 : memref<32x128xf32, #tpu.memory_space<vmem_shared>>)
    %mul3A_481 = arith.constant 640 : i32
    %mul3A_482 = arith.muli %arg1, %mul3A_481 : i32
    %add3A_483 = arith.constant 384 : i32
    %add3A_484 = arith.addi %mul3A_482, %add3A_483 : i32
    %dma_wait3A_485 = arith.constant 2 : i32
    %dma_wait3A_486 = arith.constant 0 : i32
    %dma_wait3A_487 = tpu.memref_slice %arg13[%add3A_484, %dma_wait3A_486] : memref<10240x128xf32, #tpu.memory_space<vmem_shared>> -> memref<32x128xf32, #tpu.memory_space<vmem_shared>>
    %dma_wait3A_488 = tpu.memref_slice %arg15[%dma_wait3A_485] : memref<5x!tpu.dma_semaphore, #tpu.memory_space<semaphore_mem>> -> memref<1x!tpu.dma_semaphore, #tpu.memory_space<semaphore_mem>>
    %dma_wait3A_489 = tpu.memref_squeeze %dma_wait3A_488 : memref<1x!tpu.dma_semaphore, #tpu.memory_space<semaphore_mem>> -> memref<!tpu.dma_semaphore, #tpu.memory_space<semaphore_mem>>
    %dma_wait3A_490 = arith.constant 0 : i32
    %dma_wait3A_491 = tpu.memref_slice %arg13[%add3A_484, %dma_wait3A_490] : memref<10240x128xf32, #tpu.memory_space<vmem_shared>> -> memref<32x128xf32, #tpu.memory_space<vmem_shared>>
    tpu.wait_dma2 semaphore(%dma_wait3A_489 : memref<!tpu.dma_semaphore, #tpu.memory_space<semaphore_mem>>) src(%arg12 : memref<32x128xf32, #tpu.memory_space<vmem>>) dst(%dma_wait3A_491 : memref<32x128xf32, #tpu.memory_space<vmem_shared>>)
    %mul3A_492 = arith.constant 640 : i32
    %mul3A_493 = arith.muli %arg1, %mul3A_492 : i32
    %add3A_494 = arith.constant 416 : i32
    %add3A_495 = arith.addi %mul3A_493, %add3A_494 : i32
    %dma_wait3A_496 = arith.constant 3 : i32
    %dma_wait3A_497 = arith.constant 0 : i32
    %dma_wait3A_498 = tpu.memref_slice %arg13[%add3A_495, %dma_wait3A_497] : memref<10240x128xf32, #tpu.memory_space<vmem_shared>> -> memref<32x128xf32, #tpu.memory_space<vmem_shared>>
    %dma_wait3A_499 = tpu.memref_slice %arg15[%dma_wait3A_496] : memref<5x!tpu.dma_semaphore, #tpu.memory_space<semaphore_mem>> -> memref<1x!tpu.dma_semaphore, #tpu.memory_space<semaphore_mem>>
    %dma_wait3A_500 = tpu.memref_squeeze %dma_wait3A_499 : memref<1x!tpu.dma_semaphore, #tpu.memory_space<semaphore_mem>> -> memref<!tpu.dma_semaphore, #tpu.memory_space<semaphore_mem>>
    %dma_wait3A_501 = arith.constant 0 : i32
    %dma_wait3A_502 = tpu.memref_slice %arg13[%add3A_495, %dma_wait3A_501] : memref<10240x128xf32, #tpu.memory_space<vmem_shared>> -> memref<32x128xf32, #tpu.memory_space<vmem_shared>>
    tpu.wait_dma2 semaphore(%dma_wait3A_500 : memref<!tpu.dma_semaphore, #tpu.memory_space<semaphore_mem>>) src(%arg12 : memref<32x128xf32, #tpu.memory_space<vmem>>) dst(%dma_wait3A_502 : memref<32x128xf32, #tpu.memory_space<vmem_shared>>)
    %mul3A_503 = arith.constant 640 : i32
    %mul3A_504 = arith.muli %arg1, %mul3A_503 : i32
    %add3A_505 = arith.constant 448 : i32
    %add3A_506 = arith.addi %mul3A_504, %add3A_505 : i32
    %dma_wait3A_507 = arith.constant 4 : i32
    %dma_wait3A_508 = arith.constant 0 : i32
    %dma_wait3A_509 = tpu.memref_slice %arg13[%add3A_506, %dma_wait3A_508] : memref<10240x128xf32, #tpu.memory_space<vmem_shared>> -> memref<32x128xf32, #tpu.memory_space<vmem_shared>>
    %dma_wait3A_510 = tpu.memref_slice %arg15[%dma_wait3A_507] : memref<5x!tpu.dma_semaphore, #tpu.memory_space<semaphore_mem>> -> memref<1x!tpu.dma_semaphore, #tpu.memory_space<semaphore_mem>>
    %dma_wait3A_511 = tpu.memref_squeeze %dma_wait3A_510 : memref<1x!tpu.dma_semaphore, #tpu.memory_space<semaphore_mem>> -> memref<!tpu.dma_semaphore, #tpu.memory_space<semaphore_mem>>
    %dma_wait3A_512 = arith.constant 0 : i32
    %dma_wait3A_513 = tpu.memref_slice %arg13[%add3A_506, %dma_wait3A_512] : memref<10240x128xf32, #tpu.memory_space<vmem_shared>> -> memref<32x128xf32, #tpu.memory_space<vmem_shared>>
    tpu.wait_dma2 semaphore(%dma_wait3A_511 : memref<!tpu.dma_semaphore, #tpu.memory_space<semaphore_mem>>) src(%arg12 : memref<32x128xf32, #tpu.memory_space<vmem>>) dst(%dma_wait3A_513 : memref<32x128xf32, #tpu.memory_space<vmem_shared>>)
    %mul3A_514 = arith.constant 640 : i32
    %mul3A_515 = arith.muli %arg1, %mul3A_514 : i32
    %add3A_516 = arith.constant 480 : i32
    %add3A_517 = arith.addi %mul3A_515, %add3A_516 : i32
    %dma_wait3A_518 = arith.constant 0 : i32
    %dma_wait3A_519 = arith.constant 0 : i32
    %dma_wait3A_520 = tpu.memref_slice %arg13[%add3A_517, %dma_wait3A_519] : memref<10240x128xf32, #tpu.memory_space<vmem_shared>> -> memref<32x128xf32, #tpu.memory_space<vmem_shared>>
    %dma_wait3A_521 = tpu.memref_slice %arg15[%dma_wait3A_518] : memref<5x!tpu.dma_semaphore, #tpu.memory_space<semaphore_mem>> -> memref<1x!tpu.dma_semaphore, #tpu.memory_space<semaphore_mem>>
    %dma_wait3A_522 = tpu.memref_squeeze %dma_wait3A_521 : memref<1x!tpu.dma_semaphore, #tpu.memory_space<semaphore_mem>> -> memref<!tpu.dma_semaphore, #tpu.memory_space<semaphore_mem>>
    %dma_wait3A_523 = arith.constant 0 : i32
    %dma_wait3A_524 = tpu.memref_slice %arg13[%add3A_517, %dma_wait3A_523] : memref<10240x128xf32, #tpu.memory_space<vmem_shared>> -> memref<32x128xf32, #tpu.memory_space<vmem_shared>>
    tpu.wait_dma2 semaphore(%dma_wait3A_522 : memref<!tpu.dma_semaphore, #tpu.memory_space<semaphore_mem>>) src(%arg12 : memref<32x128xf32, #tpu.memory_space<vmem>>) dst(%dma_wait3A_524 : memref<32x128xf32, #tpu.memory_space<vmem_shared>>)
    %mul3A_525 = arith.constant 640 : i32
    %mul3A_526 = arith.muli %arg1, %mul3A_525 : i32
    %add3A_527 = arith.constant 512 : i32
    %add3A_528 = arith.addi %mul3A_526, %add3A_527 : i32
    %dma_wait3A_529 = arith.constant 1 : i32
    %dma_wait3A_530 = arith.constant 0 : i32
    %dma_wait3A_531 = tpu.memref_slice %arg13[%add3A_528, %dma_wait3A_530] : memref<10240x128xf32, #tpu.memory_space<vmem_shared>> -> memref<32x128xf32, #tpu.memory_space<vmem_shared>>
    %dma_wait3A_532 = tpu.memref_slice %arg15[%dma_wait3A_529] : memref<5x!tpu.dma_semaphore, #tpu.memory_space<semaphore_mem>> -> memref<1x!tpu.dma_semaphore, #tpu.memory_space<semaphore_mem>>
    %dma_wait3A_533 = tpu.memref_squeeze %dma_wait3A_532 : memref<1x!tpu.dma_semaphore, #tpu.memory_space<semaphore_mem>> -> memref<!tpu.dma_semaphore, #tpu.memory_space<semaphore_mem>>
    %dma_wait3A_534 = arith.constant 0 : i32
    %dma_wait3A_535 = tpu.memref_slice %arg13[%add3A_528, %dma_wait3A_534] : memref<10240x128xf32, #tpu.memory_space<vmem_shared>> -> memref<32x128xf32, #tpu.memory_space<vmem_shared>>
    tpu.wait_dma2 semaphore(%dma_wait3A_533 : memref<!tpu.dma_semaphore, #tpu.memory_space<semaphore_mem>>) src(%arg12 : memref<32x128xf32, #tpu.memory_space<vmem>>) dst(%dma_wait3A_535 : memref<32x128xf32, #tpu.memory_space<vmem_shared>>)
    %mul3A_536 = arith.constant 640 : i32
    %mul3A_537 = arith.muli %arg1, %mul3A_536 : i32
    %add3A_538 = arith.constant 544 : i32
    %add3A_539 = arith.addi %mul3A_537, %add3A_538 : i32
    %dma_wait3A_540 = arith.constant 2 : i32
    %dma_wait3A_541 = arith.constant 0 : i32
    %dma_wait3A_542 = tpu.memref_slice %arg13[%add3A_539, %dma_wait3A_541] : memref<10240x128xf32, #tpu.memory_space<vmem_shared>> -> memref<32x128xf32, #tpu.memory_space<vmem_shared>>
    %dma_wait3A_543 = tpu.memref_slice %arg15[%dma_wait3A_540] : memref<5x!tpu.dma_semaphore, #tpu.memory_space<semaphore_mem>> -> memref<1x!tpu.dma_semaphore, #tpu.memory_space<semaphore_mem>>
    %dma_wait3A_544 = tpu.memref_squeeze %dma_wait3A_543 : memref<1x!tpu.dma_semaphore, #tpu.memory_space<semaphore_mem>> -> memref<!tpu.dma_semaphore, #tpu.memory_space<semaphore_mem>>
    %dma_wait3A_545 = arith.constant 0 : i32
    %dma_wait3A_546 = tpu.memref_slice %arg13[%add3A_539, %dma_wait3A_545] : memref<10240x128xf32, #tpu.memory_space<vmem_shared>> -> memref<32x128xf32, #tpu.memory_space<vmem_shared>>
    tpu.wait_dma2 semaphore(%dma_wait3A_544 : memref<!tpu.dma_semaphore, #tpu.memory_space<semaphore_mem>>) src(%arg12 : memref<32x128xf32, #tpu.memory_space<vmem>>) dst(%dma_wait3A_546 : memref<32x128xf32, #tpu.memory_space<vmem_shared>>)
    %mul3A_547 = arith.constant 640 : i32
    %mul3A_548 = arith.muli %arg1, %mul3A_547 : i32
    %add3A_549 = arith.constant 576 : i32
    %add3A_550 = arith.addi %mul3A_548, %add3A_549 : i32
    %dma_wait3A_551 = arith.constant 3 : i32
    %dma_wait3A_552 = arith.constant 0 : i32
    %dma_wait3A_553 = tpu.memref_slice %arg13[%add3A_550, %dma_wait3A_552] : memref<10240x128xf32, #tpu.memory_space<vmem_shared>> -> memref<32x128xf32, #tpu.memory_space<vmem_shared>>
    %dma_wait3A_554 = tpu.memref_slice %arg15[%dma_wait3A_551] : memref<5x!tpu.dma_semaphore, #tpu.memory_space<semaphore_mem>> -> memref<1x!tpu.dma_semaphore, #tpu.memory_space<semaphore_mem>>
    %dma_wait3A_555 = tpu.memref_squeeze %dma_wait3A_554 : memref<1x!tpu.dma_semaphore, #tpu.memory_space<semaphore_mem>> -> memref<!tpu.dma_semaphore, #tpu.memory_space<semaphore_mem>>
    %dma_wait3A_556 = arith.constant 0 : i32
    %dma_wait3A_557 = tpu.memref_slice %arg13[%add3A_550, %dma_wait3A_556] : memref<10240x128xf32, #tpu.memory_space<vmem_shared>> -> memref<32x128xf32, #tpu.memory_space<vmem_shared>>
    tpu.wait_dma2 semaphore(%dma_wait3A_555 : memref<!tpu.dma_semaphore, #tpu.memory_space<semaphore_mem>>) src(%arg12 : memref<32x128xf32, #tpu.memory_space<vmem>>) dst(%dma_wait3A_557 : memref<32x128xf32, #tpu.memory_space<vmem_shared>>)
    %mul3A_558 = arith.constant 640 : i32
    %mul3A_559 = arith.muli %arg1, %mul3A_558 : i32
    %add3A_560 = arith.constant 608 : i32
    %add3A_561 = arith.addi %mul3A_559, %add3A_560 : i32
    %dma_wait3A_562 = arith.constant 4 : i32
    %dma_wait3A_563 = arith.constant 0 : i32
    %dma_wait3A_564 = tpu.memref_slice %arg13[%add3A_561, %dma_wait3A_563] : memref<10240x128xf32, #tpu.memory_space<vmem_shared>> -> memref<32x128xf32, #tpu.memory_space<vmem_shared>>
    %dma_wait3A_565 = tpu.memref_slice %arg15[%dma_wait3A_562] : memref<5x!tpu.dma_semaphore, #tpu.memory_space<semaphore_mem>> -> memref<1x!tpu.dma_semaphore, #tpu.memory_space<semaphore_mem>>
    %dma_wait3A_566 = tpu.memref_squeeze %dma_wait3A_565 : memref<1x!tpu.dma_semaphore, #tpu.memory_space<semaphore_mem>> -> memref<!tpu.dma_semaphore, #tpu.memory_space<semaphore_mem>>
    %dma_wait3A_567 = arith.constant 0 : i32
    %dma_wait3A_568 = tpu.memref_slice %arg13[%add3A_561, %dma_wait3A_567] : memref<10240x128xf32, #tpu.memory_space<vmem_shared>> -> memref<32x128xf32, #tpu.memory_space<vmem_shared>>
    tpu.wait_dma2 semaphore(%dma_wait3A_566 : memref<!tpu.dma_semaphore, #tpu.memory_space<semaphore_mem>>) src(%arg12 : memref<32x128xf32, #tpu.memory_space<vmem>>) dst(%dma_wait3A_568 : memref<32x128xf32, #tpu.memory_space<vmem_shared>>)
    %mul3A_569 = arith.constant 640 : i32
    %mul3A_570 = arith.muli %arg1, %mul3A_569 : i32
    %add3A_571 = arith.constant 0 : i32
    %add3A_572 = arith.addi %mul3A_570, %add3A_571 : i32
    %dma_wait3A_573 = arith.constant 0 : i32
    %dma_wait3A_574 = arith.constant 0 : i32
    %dma_wait3A_575 = arith.constant 0 : i32
    %dma_wait3A_576 = tpu.memref_slice %arg12[%dma_wait3A_573, %dma_wait3A_575] : memref<32x128xf32, #tpu.memory_space<vmem>> -> memref<1x128xf32, #tpu.memory_space<vmem>>
    %dma_wait3A_577 = tpu.memref_squeeze %dma_wait3A_576 : memref<1x128xf32, #tpu.memory_space<vmem>> -> memref<128xf32, #tpu.memory_space<vmem>>
    %dma_wait3A_578 = tpu.memref_slice %arg14[%add3A_572] : memref<10240xf32, #tpu.memory_space<vmem_shared>> -> memref<128xf32, #tpu.memory_space<vmem_shared>>
    %dma_wait3A_579 = tpu.memref_slice %arg17[%dma_wait3A_574] : memref<5x!tpu.dma_semaphore, #tpu.memory_space<semaphore_mem>> -> memref<1x!tpu.dma_semaphore, #tpu.memory_space<semaphore_mem>>
    %dma_wait3A_580 = tpu.memref_squeeze %dma_wait3A_579 : memref<1x!tpu.dma_semaphore, #tpu.memory_space<semaphore_mem>> -> memref<!tpu.dma_semaphore, #tpu.memory_space<semaphore_mem>>
    %dma_wait3A_581 = tpu.memref_slice %arg14[%add3A_572] : memref<10240xf32, #tpu.memory_space<vmem_shared>> -> memref<128xf32, #tpu.memory_space<vmem_shared>>
    %dma_wait3A_582 = arith.constant 0 : i32
    %dma_wait3A_583 = tpu.memref_slice %arg12[%dma_wait3A_573, %dma_wait3A_582] : memref<32x128xf32, #tpu.memory_space<vmem>> -> memref<1x128xf32, #tpu.memory_space<vmem>>
    %dma_wait3A_584 = tpu.memref_squeeze %dma_wait3A_583 : memref<1x128xf32, #tpu.memory_space<vmem>> -> memref<128xf32, #tpu.memory_space<vmem>>
    tpu.wait_dma2 semaphore(%dma_wait3A_580 : memref<!tpu.dma_semaphore, #tpu.memory_space<semaphore_mem>>) src(%dma_wait3A_584 : memref<128xf32, #tpu.memory_space<vmem>>) dst(%dma_wait3A_581 : memref<128xf32, #tpu.memory_space<vmem_shared>>)
    %mul3A_585 = arith.constant 640 : i32
    %mul3A_586 = arith.muli %arg1, %mul3A_585 : i32
    %add3A_587 = arith.constant 128 : i32
    %add3A_588 = arith.addi %mul3A_586, %add3A_587 : i32
    %dma_wait3A_589 = arith.constant 0 : i32
    %dma_wait3A_590 = arith.constant 1 : i32
    %dma_wait3A_591 = arith.constant 0 : i32
    %dma_wait3A_592 = tpu.memref_slice %arg12[%dma_wait3A_589, %dma_wait3A_591] : memref<32x128xf32, #tpu.memory_space<vmem>> -> memref<1x128xf32, #tpu.memory_space<vmem>>
    %dma_wait3A_593 = tpu.memref_squeeze %dma_wait3A_592 : memref<1x128xf32, #tpu.memory_space<vmem>> -> memref<128xf32, #tpu.memory_space<vmem>>
    %dma_wait3A_594 = tpu.memref_slice %arg14[%add3A_588] : memref<10240xf32, #tpu.memory_space<vmem_shared>> -> memref<128xf32, #tpu.memory_space<vmem_shared>>
    %dma_wait3A_595 = tpu.memref_slice %arg17[%dma_wait3A_590] : memref<5x!tpu.dma_semaphore, #tpu.memory_space<semaphore_mem>> -> memref<1x!tpu.dma_semaphore, #tpu.memory_space<semaphore_mem>>
    %dma_wait3A_596 = tpu.memref_squeeze %dma_wait3A_595 : memref<1x!tpu.dma_semaphore, #tpu.memory_space<semaphore_mem>> -> memref<!tpu.dma_semaphore, #tpu.memory_space<semaphore_mem>>
    %dma_wait3A_597 = tpu.memref_slice %arg14[%add3A_588] : memref<10240xf32, #tpu.memory_space<vmem_shared>> -> memref<128xf32, #tpu.memory_space<vmem_shared>>
    %dma_wait3A_598 = arith.constant 0 : i32
    %dma_wait3A_599 = tpu.memref_slice %arg12[%dma_wait3A_589, %dma_wait3A_598] : memref<32x128xf32, #tpu.memory_space<vmem>> -> memref<1x128xf32, #tpu.memory_space<vmem>>
    %dma_wait3A_600 = tpu.memref_squeeze %dma_wait3A_599 : memref<1x128xf32, #tpu.memory_space<vmem>> -> memref<128xf32, #tpu.memory_space<vmem>>
    tpu.wait_dma2 semaphore(%dma_wait3A_596 : memref<!tpu.dma_semaphore, #tpu.memory_space<semaphore_mem>>) src(%dma_wait3A_600 : memref<128xf32, #tpu.memory_space<vmem>>) dst(%dma_wait3A_597 : memref<128xf32, #tpu.memory_space<vmem_shared>>)
    %mul3A_601 = arith.constant 640 : i32
    %mul3A_602 = arith.muli %arg1, %mul3A_601 : i32
    %add3A_603 = arith.constant 256 : i32
    %add3A_604 = arith.addi %mul3A_602, %add3A_603 : i32
    %dma_wait3A_605 = arith.constant 0 : i32
    %dma_wait3A_606 = arith.constant 2 : i32
    %dma_wait3A_607 = arith.constant 0 : i32
    %dma_wait3A_608 = tpu.memref_slice %arg12[%dma_wait3A_605, %dma_wait3A_607] : memref<32x128xf32, #tpu.memory_space<vmem>> -> memref<1x128xf32, #tpu.memory_space<vmem>>
    %dma_wait3A_609 = tpu.memref_squeeze %dma_wait3A_608 : memref<1x128xf32, #tpu.memory_space<vmem>> -> memref<128xf32, #tpu.memory_space<vmem>>
    %dma_wait3A_610 = tpu.memref_slice %arg14[%add3A_604] : memref<10240xf32, #tpu.memory_space<vmem_shared>> -> memref<128xf32, #tpu.memory_space<vmem_shared>>
    %dma_wait3A_611 = tpu.memref_slice %arg17[%dma_wait3A_606] : memref<5x!tpu.dma_semaphore, #tpu.memory_space<semaphore_mem>> -> memref<1x!tpu.dma_semaphore, #tpu.memory_space<semaphore_mem>>
    %dma_wait3A_612 = tpu.memref_squeeze %dma_wait3A_611 : memref<1x!tpu.dma_semaphore, #tpu.memory_space<semaphore_mem>> -> memref<!tpu.dma_semaphore, #tpu.memory_space<semaphore_mem>>
    %dma_wait3A_613 = tpu.memref_slice %arg14[%add3A_604] : memref<10240xf32, #tpu.memory_space<vmem_shared>> -> memref<128xf32, #tpu.memory_space<vmem_shared>>
    %dma_wait3A_614 = arith.constant 0 : i32
    %dma_wait3A_615 = tpu.memref_slice %arg12[%dma_wait3A_605, %dma_wait3A_614] : memref<32x128xf32, #tpu.memory_space<vmem>> -> memref<1x128xf32, #tpu.memory_space<vmem>>
    %dma_wait3A_616 = tpu.memref_squeeze %dma_wait3A_615 : memref<1x128xf32, #tpu.memory_space<vmem>> -> memref<128xf32, #tpu.memory_space<vmem>>
    tpu.wait_dma2 semaphore(%dma_wait3A_612 : memref<!tpu.dma_semaphore, #tpu.memory_space<semaphore_mem>>) src(%dma_wait3A_616 : memref<128xf32, #tpu.memory_space<vmem>>) dst(%dma_wait3A_613 : memref<128xf32, #tpu.memory_space<vmem_shared>>)
    %mul3A_617 = arith.constant 640 : i32
    %mul3A_618 = arith.muli %arg1, %mul3A_617 : i32
    %add3A_619 = arith.constant 384 : i32
    %add3A_620 = arith.addi %mul3A_618, %add3A_619 : i32
    %dma_wait3A_621 = arith.constant 0 : i32
    %dma_wait3A_622 = arith.constant 3 : i32
    %dma_wait3A_623 = arith.constant 0 : i32
    %dma_wait3A_624 = tpu.memref_slice %arg12[%dma_wait3A_621, %dma_wait3A_623] : memref<32x128xf32, #tpu.memory_space<vmem>> -> memref<1x128xf32, #tpu.memory_space<vmem>>
    %dma_wait3A_625 = tpu.memref_squeeze %dma_wait3A_624 : memref<1x128xf32, #tpu.memory_space<vmem>> -> memref<128xf32, #tpu.memory_space<vmem>>
    %dma_wait3A_626 = tpu.memref_slice %arg14[%add3A_620] : memref<10240xf32, #tpu.memory_space<vmem_shared>> -> memref<128xf32, #tpu.memory_space<vmem_shared>>
    %dma_wait3A_627 = tpu.memref_slice %arg17[%dma_wait3A_622] : memref<5x!tpu.dma_semaphore, #tpu.memory_space<semaphore_mem>> -> memref<1x!tpu.dma_semaphore, #tpu.memory_space<semaphore_mem>>
    %dma_wait3A_628 = tpu.memref_squeeze %dma_wait3A_627 : memref<1x!tpu.dma_semaphore, #tpu.memory_space<semaphore_mem>> -> memref<!tpu.dma_semaphore, #tpu.memory_space<semaphore_mem>>
    %dma_wait3A_629 = tpu.memref_slice %arg14[%add3A_620] : memref<10240xf32, #tpu.memory_space<vmem_shared>> -> memref<128xf32, #tpu.memory_space<vmem_shared>>
    %dma_wait3A_630 = arith.constant 0 : i32
    %dma_wait3A_631 = tpu.memref_slice %arg12[%dma_wait3A_621, %dma_wait3A_630] : memref<32x128xf32, #tpu.memory_space<vmem>> -> memref<1x128xf32, #tpu.memory_space<vmem>>
    %dma_wait3A_632 = tpu.memref_squeeze %dma_wait3A_631 : memref<1x128xf32, #tpu.memory_space<vmem>> -> memref<128xf32, #tpu.memory_space<vmem>>
    tpu.wait_dma2 semaphore(%dma_wait3A_628 : memref<!tpu.dma_semaphore, #tpu.memory_space<semaphore_mem>>) src(%dma_wait3A_632 : memref<128xf32, #tpu.memory_space<vmem>>) dst(%dma_wait3A_629 : memref<128xf32, #tpu.memory_space<vmem_shared>>)
    %mul3A_633 = arith.constant 640 : i32
    %mul3A_634 = arith.muli %arg1, %mul3A_633 : i32
    %add3A_635 = arith.constant 512 : i32
    %add3A_636 = arith.addi %mul3A_634, %add3A_635 : i32
    %dma_wait3A_637 = arith.constant 0 : i32
    %dma_wait3A_638 = arith.constant 4 : i32
    %dma_wait3A_639 = arith.constant 0 : i32
    %dma_wait3A_640 = tpu.memref_slice %arg12[%dma_wait3A_637, %dma_wait3A_639] : memref<32x128xf32, #tpu.memory_space<vmem>> -> memref<1x128xf32, #tpu.memory_space<vmem>>
    %dma_wait3A_641 = tpu.memref_squeeze %dma_wait3A_640 : memref<1x128xf32, #tpu.memory_space<vmem>> -> memref<128xf32, #tpu.memory_space<vmem>>
    %dma_wait3A_642 = tpu.memref_slice %arg14[%add3A_636] : memref<10240xf32, #tpu.memory_space<vmem_shared>> -> memref<128xf32, #tpu.memory_space<vmem_shared>>
    %dma_wait3A_643 = tpu.memref_slice %arg17[%dma_wait3A_638] : memref<5x!tpu.dma_semaphore, #tpu.memory_space<semaphore_mem>> -> memref<1x!tpu.dma_semaphore, #tpu.memory_space<semaphore_mem>>
    %dma_wait3A_644 = tpu.memref_squeeze %dma_wait3A_643 : memref<1x!tpu.dma_semaphore, #tpu.memory_space<semaphore_mem>> -> memref<!tpu.dma_semaphore, #tpu.memory_space<semaphore_mem>>
    %dma_wait3A_645 = tpu.memref_slice %arg14[%add3A_636] : memref<10240xf32, #tpu.memory_space<vmem_shared>> -> memref<128xf32, #tpu.memory_space<vmem_shared>>
    %dma_wait3A_646 = arith.constant 0 : i32
    %dma_wait3A_647 = tpu.memref_slice %arg12[%dma_wait3A_637, %dma_wait3A_646] : memref<32x128xf32, #tpu.memory_space<vmem>> -> memref<1x128xf32, #tpu.memory_space<vmem>>
    %dma_wait3A_648 = tpu.memref_squeeze %dma_wait3A_647 : memref<1x128xf32, #tpu.memory_space<vmem>> -> memref<128xf32, #tpu.memory_space<vmem>>
    tpu.wait_dma2 semaphore(%dma_wait3A_644 : memref<!tpu.dma_semaphore, #tpu.memory_space<semaphore_mem>>) src(%dma_wait3A_648 : memref<128xf32, #tpu.memory_space<vmem>>) dst(%dma_wait3A_645 : memref<128xf32, #tpu.memory_space<vmem_shared>>)
    %dma_wait3A_649 = arith.constant 0 : i32
    %dma_wait3A_650 = arith.constant 0 : i32
    %dma_wait3A_651 = arith.constant 0 : i32
    %dma_wait3A_652 = arith.constant 0 : i32
    %dma_wait3A_653 = tpu.memref_slice %arg8[%dma_wait3A_649, %dma_wait3A_651, %dma_wait3A_652] : memref<2x5x50xi32, #tpu.memory_space<vmem>> -> memref<1x5x50xi32, #tpu.memory_space<vmem>>
    %dma_wait3A_654 = tpu.memref_squeeze %dma_wait3A_653 : memref<1x5x50xi32, #tpu.memory_space<vmem>> -> memref<5x50xi32, #tpu.memory_space<vmem>>
    %dma_wait3A_655 = arith.constant 0 : i32
    %dma_wait3A_656 = arith.constant 0 : i32
    %dma_wait3A_657 = tpu.memref_slice %arg3[%mul3A_2, %dma_wait3A_655, %dma_wait3A_656] : memref<1280x5x50xi32, #tpu.memory_space<hbm>> -> memref<1x5x50xi32, #tpu.memory_space<hbm>>
    %dma_wait3A_658 = tpu.memref_squeeze %dma_wait3A_657 : memref<1x5x50xi32, #tpu.memory_space<hbm>> -> memref<5x50xi32, #tpu.memory_space<hbm>>
    %dma_wait3A_659 = tpu.memref_slice %arg19[%dma_wait3A_650] : memref<4x!tpu.dma_semaphore, #tpu.memory_space<semaphore_mem>> -> memref<1x!tpu.dma_semaphore, #tpu.memory_space<semaphore_mem>>
    %dma_wait3A_660 = tpu.memref_squeeze %dma_wait3A_659 : memref<1x!tpu.dma_semaphore, #tpu.memory_space<semaphore_mem>> -> memref<!tpu.dma_semaphore, #tpu.memory_space<semaphore_mem>>
    %dma_wait3A_661 = arith.constant 0 : i32
    %dma_wait3A_662 = arith.constant 0 : i32
    %dma_wait3A_663 = tpu.memref_slice %arg8[%dma_wait3A_649, %dma_wait3A_661, %dma_wait3A_662] : memref<2x5x50xi32, #tpu.memory_space<vmem>> -> memref<1x5x50xi32, #tpu.memory_space<vmem>>
    %dma_wait3A_664 = tpu.memref_squeeze %dma_wait3A_663 : memref<1x5x50xi32, #tpu.memory_space<vmem>> -> memref<5x50xi32, #tpu.memory_space<vmem>>
    %dma_wait3A_665 = arith.constant 0 : i32
    %dma_wait3A_666 = arith.constant 0 : i32
    %dma_wait3A_667 = tpu.memref_slice %arg3[%mul3A_2, %dma_wait3A_665, %dma_wait3A_666] : memref<1280x5x50xi32, #tpu.memory_space<hbm>> -> memref<1x5x50xi32, #tpu.memory_space<hbm>>
    %dma_wait3A_668 = tpu.memref_squeeze %dma_wait3A_667 : memref<1x5x50xi32, #tpu.memory_space<hbm>> -> memref<5x50xi32, #tpu.memory_space<hbm>>
    tpu.wait_dma2 semaphore(%dma_wait3A_660 : memref<!tpu.dma_semaphore, #tpu.memory_space<semaphore_mem>>) src(%dma_wait3A_668 : memref<5x50xi32, #tpu.memory_space<hbm>>) dst(%dma_wait3A_664 : memref<5x50xi32, #tpu.memory_space<vmem>>)
    %dma_wait3A_669 = arith.constant 0 : i32
    %dma_wait3A_670 = arith.constant 1 : i32
    %dma_wait3A_671 = arith.constant 0 : i32
    %dma_wait3A_672 = arith.constant 0 : i32
    %dma_wait3A_673 = tpu.memref_slice %arg9[%dma_wait3A_669, %dma_wait3A_671, %dma_wait3A_672] : memref<2x5x50xi32, #tpu.memory_space<vmem>> -> memref<1x5x50xi32, #tpu.memory_space<vmem>>
    %dma_wait3A_674 = tpu.memref_squeeze %dma_wait3A_673 : memref<1x5x50xi32, #tpu.memory_space<vmem>> -> memref<5x50xi32, #tpu.memory_space<vmem>>
    %dma_wait3A_675 = arith.constant 0 : i32
    %dma_wait3A_676 = arith.constant 0 : i32
    %dma_wait3A_677 = tpu.memref_slice %arg4[%mul3A_23, %dma_wait3A_675, %dma_wait3A_676] : memref<1280x5x50xi32, #tpu.memory_space<hbm>> -> memref<1x5x50xi32, #tpu.memory_space<hbm>>
    %dma_wait3A_678 = tpu.memref_squeeze %dma_wait3A_677 : memref<1x5x50xi32, #tpu.memory_space<hbm>> -> memref<5x50xi32, #tpu.memory_space<hbm>>
    %dma_wait3A_679 = tpu.memref_slice %arg19[%dma_wait3A_670] : memref<4x!tpu.dma_semaphore, #tpu.memory_space<semaphore_mem>> -> memref<1x!tpu.dma_semaphore, #tpu.memory_space<semaphore_mem>>
    %dma_wait3A_680 = tpu.memref_squeeze %dma_wait3A_679 : memref<1x!tpu.dma_semaphore, #tpu.memory_space<semaphore_mem>> -> memref<!tpu.dma_semaphore, #tpu.memory_space<semaphore_mem>>
    %dma_wait3A_681 = arith.constant 0 : i32
    %dma_wait3A_682 = arith.constant 0 : i32
    %dma_wait3A_683 = tpu.memref_slice %arg9[%dma_wait3A_669, %dma_wait3A_681, %dma_wait3A_682] : memref<2x5x50xi32, #tpu.memory_space<vmem>> -> memref<1x5x50xi32, #tpu.memory_space<vmem>>
    %dma_wait3A_684 = tpu.memref_squeeze %dma_wait3A_683 : memref<1x5x50xi32, #tpu.memory_space<vmem>> -> memref<5x50xi32, #tpu.memory_space<vmem>>
    %dma_wait3A_685 = arith.constant 0 : i32
    %dma_wait3A_686 = arith.constant 0 : i32
    %dma_wait3A_687 = tpu.memref_slice %arg4[%mul3A_23, %dma_wait3A_685, %dma_wait3A_686] : memref<1280x5x50xi32, #tpu.memory_space<hbm>> -> memref<1x5x50xi32, #tpu.memory_space<hbm>>
    %dma_wait3A_688 = tpu.memref_squeeze %dma_wait3A_687 : memref<1x5x50xi32, #tpu.memory_space<hbm>> -> memref<5x50xi32, #tpu.memory_space<hbm>>
    tpu.wait_dma2 semaphore(%dma_wait3A_680 : memref<!tpu.dma_semaphore, #tpu.memory_space<semaphore_mem>>) src(%dma_wait3A_688 : memref<5x50xi32, #tpu.memory_space<hbm>>) dst(%dma_wait3A_684 : memref<5x50xi32, #tpu.memory_space<vmem>>)
    %barrier3A = arith.constant 0 : index
    tpu.barrier barrier_id(%barrier3A)
    %dma_start3A_689 = arith.constant 0 : i32
    %dma_start3A_690 = arith.constant 0 : i32
    %dma_start3A_691 = arith.constant 0 : i32
    %dma_start3A_692 = arith.constant 0 : i32
    %dma_start3A_693 = arith.constant 0 : i32
    %dma_start3A_694 = arith.constant 0 : i32
    %dma_start3A_695 = tpu.memref_slice %arg10[%dma_start3A_691, %dma_start3A_693, %dma_start3A_694] : memref<5x50x128xf32, #tpu.memory_space<vmem>> -> memref<1x50x128xf32, #tpu.memory_space<vmem>>
    %dma_start3A_696 = tpu.memref_squeeze %dma_start3A_695 : memref<1x50x128xf32, #tpu.memory_space<vmem>> -> memref<50x128xf32, #tpu.memory_space<vmem>>
    %dma_start3A_697 = arith.constant 0 : i32
    %dma_start3A_698 = tpu.memref_slice %arg8[%dma_start3A_689, %dma_start3A_690, %dma_start3A_697] : memref<2x5x50xi32, #tpu.memory_space<vmem>> -> memref<1x1x50xi32, #tpu.memory_space<vmem>>
    %dma_start3A_699 = tpu.memref_squeeze %dma_start3A_698 : memref<1x1x50xi32, #tpu.memory_space<vmem>> -> memref<50xi32, #tpu.memory_space<vmem>>
    %dma_start3A_700 = arith.constant 0 : i32
    %dma_start3A_701 = arith.constant 0 : i32
    %dma_start3A_702 = tpu.memref_slice %arg2[%dma_start3A_700, %dma_start3A_701] : memref<10000x128xf32, #tpu.memory_space<hbm>> -> memref<10000x128xf32, #tpu.memory_space<hbm>>
    %dma_start3A_703 = tpu.memref_slice %arg15[%dma_start3A_692] : memref<5x!tpu.dma_semaphore, #tpu.memory_space<semaphore_mem>> -> memref<1x!tpu.dma_semaphore, #tpu.memory_space<semaphore_mem>>
    %dma_start3A_704 = tpu.memref_squeeze %dma_start3A_703 : memref<1x!tpu.dma_semaphore, #tpu.memory_space<semaphore_mem>> -> memref<!tpu.dma_semaphore, #tpu.memory_space<semaphore_mem>>
    tpu.enqueue_indirect_dma source(%dma_start3A_702 : memref<10000x128xf32, #tpu.memory_space<hbm>>) target(%dma_start3A_696 : memref<50x128xf32, #tpu.memory_space<vmem>>) offsets(%dma_start3A_699 : memref<50xi32, #tpu.memory_space<vmem>>) semaphore(%dma_start3A_704 : memref<!tpu.dma_semaphore, #tpu.memory_space<semaphore_mem>>)
    %dma_start3A_705 = arith.constant 0 : i32
    %dma_start3A_706 = arith.constant 0 : i32
    %dma_start3A_707 = arith.constant 0 : i32
    %dma_start3A_708 = arith.constant 0 : i32
    %dma_start3A_709 = arith.constant 0 : i32
    %dma_start3A_710 = tpu.memref_slice %arg11[%dma_start3A_707, %dma_start3A_709] : memref<5x50xf32, #tpu.memory_space<vmem>> -> memref<1x50xf32, #tpu.memory_space<vmem>>
    %dma_start3A_711 = tpu.memref_squeeze %dma_start3A_710 : memref<1x50xf32, #tpu.memory_space<vmem>> -> memref<50xf32, #tpu.memory_space<vmem>>
    %dma_start3A_712 = arith.constant 0 : i32
    %dma_start3A_713 = tpu.memref_slice %arg9[%dma_start3A_705, %dma_start3A_706, %dma_start3A_712] : memref<2x5x50xi32, #tpu.memory_space<vmem>> -> memref<1x1x50xi32, #tpu.memory_space<vmem>>
    %dma_start3A_714 = tpu.memref_squeeze %dma_start3A_713 : memref<1x1x50xi32, #tpu.memory_space<vmem>> -> memref<50xi32, #tpu.memory_space<vmem>>
    %dma_start3A_715 = arith.constant 0 : i32
    %dma_start3A_716 = tpu.memref_slice %arg5[%dma_start3A_715] : memref<10240xf32, #tpu.memory_space<hbm>> -> memref<10240xf32, #tpu.memory_space<hbm>>
    %dma_start3A_717 = tpu.memref_slice %arg17[%dma_start3A_708] : memref<5x!tpu.dma_semaphore, #tpu.memory_space<semaphore_mem>> -> memref<1x!tpu.dma_semaphore, #tpu.memory_space<semaphore_mem>>
    %dma_start3A_718 = tpu.memref_squeeze %dma_start3A_717 : memref<1x!tpu.dma_semaphore, #tpu.memory_space<semaphore_mem>> -> memref<!tpu.dma_semaphore, #tpu.memory_space<semaphore_mem>>
    tpu.enqueue_indirect_dma source(%dma_start3A_716 : memref<10240xf32, #tpu.memory_space<hbm>>) target(%dma_start3A_711 : memref<50xf32, #tpu.memory_space<vmem>>) offsets(%dma_start3A_714 : memref<50xi32, #tpu.memory_space<vmem>>) semaphore(%dma_start3A_718 : memref<!tpu.dma_semaphore, #tpu.memory_space<semaphore_mem>>)
    %dma_start3A_719 = arith.constant 0 : i32
    %dma_start3A_720 = arith.constant 1 : i32
    %dma_start3A_721 = arith.constant 1 : i32
    %dma_start3A_722 = arith.constant 1 : i32
    %dma_start3A_723 = arith.constant 0 : i32
    %dma_start3A_724 = arith.constant 0 : i32
    %dma_start3A_725 = tpu.memref_slice %arg10[%dma_start3A_721, %dma_start3A_723, %dma_start3A_724] : memref<5x50x128xf32, #tpu.memory_space<vmem>> -> memref<1x50x128xf32, #tpu.memory_space<vmem>>
    %dma_start3A_726 = tpu.memref_squeeze %dma_start3A_725 : memref<1x50x128xf32, #tpu.memory_space<vmem>> -> memref<50x128xf32, #tpu.memory_space<vmem>>
    %dma_start3A_727 = arith.constant 0 : i32
    %dma_start3A_728 = tpu.memref_slice %arg8[%dma_start3A_719, %dma_start3A_720, %dma_start3A_727] : memref<2x5x50xi32, #tpu.memory_space<vmem>> -> memref<1x1x50xi32, #tpu.memory_space<vmem>>
    %dma_start3A_729 = tpu.memref_squeeze %dma_start3A_728 : memref<1x1x50xi32, #tpu.memory_space<vmem>> -> memref<50xi32, #tpu.memory_space<vmem>>
    %dma_start3A_730 = arith.constant 0 : i32
    %dma_start3A_731 = arith.constant 0 : i32
    %dma_start3A_732 = tpu.memref_slice %arg2[%dma_start3A_730, %dma_start3A_731] : memref<10000x128xf32, #tpu.memory_space<hbm>> -> memref<10000x128xf32, #tpu.memory_space<hbm>>
    %dma_start3A_733 = tpu.memref_slice %arg15[%dma_start3A_722] : memref<5x!tpu.dma_semaphore, #tpu.memory_space<semaphore_mem>> -> memref<1x!tpu.dma_semaphore, #tpu.memory_space<semaphore_mem>>
    %dma_start3A_734 = tpu.memref_squeeze %dma_start3A_733 : memref<1x!tpu.dma_semaphore, #tpu.memory_space<semaphore_mem>> -> memref<!tpu.dma_semaphore, #tpu.memory_space<semaphore_mem>>
    tpu.enqueue_indirect_dma source(%dma_start3A_732 : memref<10000x128xf32, #tpu.memory_space<hbm>>) target(%dma_start3A_726 : memref<50x128xf32, #tpu.memory_space<vmem>>) offsets(%dma_start3A_729 : memref<50xi32, #tpu.memory_space<vmem>>) semaphore(%dma_start3A_734 : memref<!tpu.dma_semaphore, #tpu.memory_space<semaphore_mem>>)
    %dma_start3A_735 = arith.constant 0 : i32
    %dma_start3A_736 = arith.constant 1 : i32
    %dma_start3A_737 = arith.constant 1 : i32
    %dma_start3A_738 = arith.constant 1 : i32
    %dma_start3A_739 = arith.constant 0 : i32
    %dma_start3A_740 = tpu.memref_slice %arg11[%dma_start3A_737, %dma_start3A_739] : memref<5x50xf32, #tpu.memory_space<vmem>> -> memref<1x50xf32, #tpu.memory_space<vmem>>
    %dma_start3A_741 = tpu.memref_squeeze %dma_start3A_740 : memref<1x50xf32, #tpu.memory_space<vmem>> -> memref<50xf32, #tpu.memory_space<vmem>>
    %dma_start3A_742 = arith.constant 0 : i32
    %dma_start3A_743 = tpu.memref_slice %arg9[%dma_start3A_735, %dma_start3A_736, %dma_start3A_742] : memref<2x5x50xi32, #tpu.memory_space<vmem>> -> memref<1x1x50xi32, #tpu.memory_space<vmem>>
    %dma_start3A_744 = tpu.memref_squeeze %dma_start3A_743 : memref<1x1x50xi32, #tpu.memory_space<vmem>> -> memref<50xi32, #tpu.memory_space<vmem>>
    %dma_start3A_745 = arith.constant 0 : i32
    %dma_start3A_746 = tpu.memref_slice %arg5[%dma_start3A_745] : memref<10240xf32, #tpu.memory_space<hbm>> -> memref<10240xf32, #tpu.memory_space<hbm>>
    %dma_start3A_747 = tpu.memref_slice %arg17[%dma_start3A_738] : memref<5x!tpu.dma_semaphore, #tpu.memory_space<semaphore_mem>> -> memref<1x!tpu.dma_semaphore, #tpu.memory_space<semaphore_mem>>
    %dma_start3A_748 = tpu.memref_squeeze %dma_start3A_747 : memref<1x!tpu.dma_semaphore, #tpu.memory_space<semaphore_mem>> -> memref<!tpu.dma_semaphore, #tpu.memory_space<semaphore_mem>>
    tpu.enqueue_indirect_dma source(%dma_start3A_746 : memref<10240xf32, #tpu.memory_space<hbm>>) target(%dma_start3A_741 : memref<50xf32, #tpu.memory_space<vmem>>) offsets(%dma_start3A_744 : memref<50xi32, #tpu.memory_space<vmem>>) semaphore(%dma_start3A_748 : memref<!tpu.dma_semaphore, #tpu.memory_space<semaphore_mem>>)
    %dma_start3A_749 = arith.constant 0 : i32
    %dma_start3A_750 = arith.constant 2 : i32
    %dma_start3A_751 = arith.constant 2 : i32
    %dma_start3A_752 = arith.constant 2 : i32
    %dma_start3A_753 = arith.constant 0 : i32
    %dma_start3A_754 = arith.constant 0 : i32
    %dma_start3A_755 = tpu.memref_slice %arg10[%dma_start3A_751, %dma_start3A_753, %dma_start3A_754] : memref<5x50x128xf32, #tpu.memory_space<vmem>> -> memref<1x50x128xf32, #tpu.memory_space<vmem>>
    %dma_start3A_756 = tpu.memref_squeeze %dma_start3A_755 : memref<1x50x128xf32, #tpu.memory_space<vmem>> -> memref<50x128xf32, #tpu.memory_space<vmem>>
    %dma_start3A_757 = arith.constant 0 : i32
    %dma_start3A_758 = tpu.memref_slice %arg8[%dma_start3A_749, %dma_start3A_750, %dma_start3A_757] : memref<2x5x50xi32, #tpu.memory_space<vmem>> -> memref<1x1x50xi32, #tpu.memory_space<vmem>>
    %dma_start3A_759 = tpu.memref_squeeze %dma_start3A_758 : memref<1x1x50xi32, #tpu.memory_space<vmem>> -> memref<50xi32, #tpu.memory_space<vmem>>
    %dma_start3A_760 = arith.constant 0 : i32
    %dma_start3A_761 = arith.constant 0 : i32
    %dma_start3A_762 = tpu.memref_slice %arg2[%dma_start3A_760, %dma_start3A_761] : memref<10000x128xf32, #tpu.memory_space<hbm>> -> memref<10000x128xf32, #tpu.memory_space<hbm>>
    %dma_start3A_763 = tpu.memref_slice %arg15[%dma_start3A_752] : memref<5x!tpu.dma_semaphore, #tpu.memory_space<semaphore_mem>> -> memref<1x!tpu.dma_semaphore, #tpu.memory_space<semaphore_mem>>
    %dma_start3A_764 = tpu.memref_squeeze %dma_start3A_763 : memref<1x!tpu.dma_semaphore, #tpu.memory_space<semaphore_mem>> -> memref<!tpu.dma_semaphore, #tpu.memory_space<semaphore_mem>>
    tpu.enqueue_indirect_dma source(%dma_start3A_762 : memref<10000x128xf32, #tpu.memory_space<hbm>>) target(%dma_start3A_756 : memref<50x128xf32, #tpu.memory_space<vmem>>) offsets(%dma_start3A_759 : memref<50xi32, #tpu.memory_space<vmem>>) semaphore(%dma_start3A_764 : memref<!tpu.dma_semaphore, #tpu.memory_space<semaphore_mem>>)
    %dma_start3A_765 = arith.constant 0 : i32
    %dma_start3A_766 = arith.constant 2 : i32
    %dma_start3A_767 = arith.constant 2 : i32
    %dma_start3A_768 = arith.constant 2 : i32
    %dma_start3A_769 = arith.constant 0 : i32
    %dma_start3A_770 = tpu.memref_slice %arg11[%dma_start3A_767, %dma_start3A_769] : memref<5x50xf32, #tpu.memory_space<vmem>> -> memref<1x50xf32, #tpu.memory_space<vmem>>
    %dma_start3A_771 = tpu.memref_squeeze %dma_start3A_770 : memref<1x50xf32, #tpu.memory_space<vmem>> -> memref<50xf32, #tpu.memory_space<vmem>>
    %dma_start3A_772 = arith.constant 0 : i32
    %dma_start3A_773 = tpu.memref_slice %arg9[%dma_start3A_765, %dma_start3A_766, %dma_start3A_772] : memref<2x5x50xi32, #tpu.memory_space<vmem>> -> memref<1x1x50xi32, #tpu.memory_space<vmem>>
    %dma_start3A_774 = tpu.memref_squeeze %dma_start3A_773 : memref<1x1x50xi32, #tpu.memory_space<vmem>> -> memref<50xi32, #tpu.memory_space<vmem>>
    %dma_start3A_775 = arith.constant 0 : i32
    %dma_start3A_776 = tpu.memref_slice %arg5[%dma_start3A_775] : memref<10240xf32, #tpu.memory_space<hbm>> -> memref<10240xf32, #tpu.memory_space<hbm>>
    %dma_start3A_777 = tpu.memref_slice %arg17[%dma_start3A_768] : memref<5x!tpu.dma_semaphore, #tpu.memory_space<semaphore_mem>> -> memref<1x!tpu.dma_semaphore, #tpu.memory_space<semaphore_mem>>
    %dma_start3A_778 = tpu.memref_squeeze %dma_start3A_777 : memref<1x!tpu.dma_semaphore, #tpu.memory_space<semaphore_mem>> -> memref<!tpu.dma_semaphore, #tpu.memory_space<semaphore_mem>>
    tpu.enqueue_indirect_dma source(%dma_start3A_776 : memref<10240xf32, #tpu.memory_space<hbm>>) target(%dma_start3A_771 : memref<50xf32, #tpu.memory_space<vmem>>) offsets(%dma_start3A_774 : memref<50xi32, #tpu.memory_space<vmem>>) semaphore(%dma_start3A_778 : memref<!tpu.dma_semaphore, #tpu.memory_space<semaphore_mem>>)
    %dma_start3A_779 = arith.constant 0 : i32
    %dma_start3A_780 = arith.constant 3 : i32
    %dma_start3A_781 = arith.constant 3 : i32
    %dma_start3A_782 = arith.constant 3 : i32
    %dma_start3A_783 = arith.constant 0 : i32
    %dma_start3A_784 = arith.constant 0 : i32
    %dma_start3A_785 = tpu.memref_slice %arg10[%dma_start3A_781, %dma_start3A_783, %dma_start3A_784] : memref<5x50x128xf32, #tpu.memory_space<vmem>> -> memref<1x50x128xf32, #tpu.memory_space<vmem>>
    %dma_start3A_786 = tpu.memref_squeeze %dma_start3A_785 : memref<1x50x128xf32, #tpu.memory_space<vmem>> -> memref<50x128xf32, #tpu.memory_space<vmem>>
    %dma_start3A_787 = arith.constant 0 : i32
    %dma_start3A_788 = tpu.memref_slice %arg8[%dma_start3A_779, %dma_start3A_780, %dma_start3A_787] : memref<2x5x50xi32, #tpu.memory_space<vmem>> -> memref<1x1x50xi32, #tpu.memory_space<vmem>>
    %dma_start3A_789 = tpu.memref_squeeze %dma_start3A_788 : memref<1x1x50xi32, #tpu.memory_space<vmem>> -> memref<50xi32, #tpu.memory_space<vmem>>
    %dma_start3A_790 = arith.constant 0 : i32
    %dma_start3A_791 = arith.constant 0 : i32
    %dma_start3A_792 = tpu.memref_slice %arg2[%dma_start3A_790, %dma_start3A_791] : memref<10000x128xf32, #tpu.memory_space<hbm>> -> memref<10000x128xf32, #tpu.memory_space<hbm>>
    %dma_start3A_793 = tpu.memref_slice %arg15[%dma_start3A_782] : memref<5x!tpu.dma_semaphore, #tpu.memory_space<semaphore_mem>> -> memref<1x!tpu.dma_semaphore, #tpu.memory_space<semaphore_mem>>
    %dma_start3A_794 = tpu.memref_squeeze %dma_start3A_793 : memref<1x!tpu.dma_semaphore, #tpu.memory_space<semaphore_mem>> -> memref<!tpu.dma_semaphore, #tpu.memory_space<semaphore_mem>>
    tpu.enqueue_indirect_dma source(%dma_start3A_792 : memref<10000x128xf32, #tpu.memory_space<hbm>>) target(%dma_start3A_786 : memref<50x128xf32, #tpu.memory_space<vmem>>) offsets(%dma_start3A_789 : memref<50xi32, #tpu.memory_space<vmem>>) semaphore(%dma_start3A_794 : memref<!tpu.dma_semaphore, #tpu.memory_space<semaphore_mem>>)
    %dma_start3A_795 = arith.constant 0 : i32
    %dma_start3A_796 = arith.constant 3 : i32
    %dma_start3A_797 = arith.constant 3 : i32
    %dma_start3A_798 = arith.constant 3 : i32
    %dma_start3A_799 = arith.constant 0 : i32
    %dma_start3A_800 = tpu.memref_slice %arg11[%dma_start3A_797, %dma_start3A_799] : memref<5x50xf32, #tpu.memory_space<vmem>> -> memref<1x50xf32, #tpu.memory_space<vmem>>
    %dma_start3A_801 = tpu.memref_squeeze %dma_start3A_800 : memref<1x50xf32, #tpu.memory_space<vmem>> -> memref<50xf32, #tpu.memory_space<vmem>>
    %dma_start3A_802 = arith.constant 0 : i32
    %dma_start3A_803 = tpu.memref_slice %arg9[%dma_start3A_795, %dma_start3A_796, %dma_start3A_802] : memref<2x5x50xi32, #tpu.memory_space<vmem>> -> memref<1x1x50xi32, #tpu.memory_space<vmem>>
    %dma_start3A_804 = tpu.memref_squeeze %dma_start3A_803 : memref<1x1x50xi32, #tpu.memory_space<vmem>> -> memref<50xi32, #tpu.memory_space<vmem>>
    %dma_start3A_805 = arith.constant 0 : i32
    %dma_start3A_806 = tpu.memref_slice %arg5[%dma_start3A_805] : memref<10240xf32, #tpu.memory_space<hbm>> -> memref<10240xf32, #tpu.memory_space<hbm>>
    %dma_start3A_807 = tpu.memref_slice %arg17[%dma_start3A_798] : memref<5x!tpu.dma_semaphore, #tpu.memory_space<semaphore_mem>> -> memref<1x!tpu.dma_semaphore, #tpu.memory_space<semaphore_mem>>
    %dma_start3A_808 = tpu.memref_squeeze %dma_start3A_807 : memref<1x!tpu.dma_semaphore, #tpu.memory_space<semaphore_mem>> -> memref<!tpu.dma_semaphore, #tpu.memory_space<semaphore_mem>>
    tpu.enqueue_indirect_dma source(%dma_start3A_806 : memref<10240xf32, #tpu.memory_space<hbm>>) target(%dma_start3A_801 : memref<50xf32, #tpu.memory_space<vmem>>) offsets(%dma_start3A_804 : memref<50xi32, #tpu.memory_space<vmem>>) semaphore(%dma_start3A_808 : memref<!tpu.dma_semaphore, #tpu.memory_space<semaphore_mem>>)
    %dma_start3A_809 = arith.constant 0 : i32
    %dma_start3A_810 = arith.constant 4 : i32
    %dma_start3A_811 = arith.constant 4 : i32
    %dma_start3A_812 = arith.constant 4 : i32
    %dma_start3A_813 = arith.constant 0 : i32
    %dma_start3A_814 = arith.constant 0 : i32
    %dma_start3A_815 = tpu.memref_slice %arg10[%dma_start3A_811, %dma_start3A_813, %dma_start3A_814] : memref<5x50x128xf32, #tpu.memory_space<vmem>> -> memref<1x50x128xf32, #tpu.memory_space<vmem>>
    %dma_start3A_816 = tpu.memref_squeeze %dma_start3A_815 : memref<1x50x128xf32, #tpu.memory_space<vmem>> -> memref<50x128xf32, #tpu.memory_space<vmem>>
    %dma_start3A_817 = arith.constant 0 : i32
    %dma_start3A_818 = tpu.memref_slice %arg8[%dma_start3A_809, %dma_start3A_810, %dma_start3A_817] : memref<2x5x50xi32, #tpu.memory_space<vmem>> -> memref<1x1x50xi32, #tpu.memory_space<vmem>>
    %dma_start3A_819 = tpu.memref_squeeze %dma_start3A_818 : memref<1x1x50xi32, #tpu.memory_space<vmem>> -> memref<50xi32, #tpu.memory_space<vmem>>
    %dma_start3A_820 = arith.constant 0 : i32
    %dma_start3A_821 = arith.constant 0 : i32
    %dma_start3A_822 = tpu.memref_slice %arg2[%dma_start3A_820, %dma_start3A_821] : memref<10000x128xf32, #tpu.memory_space<hbm>> -> memref<10000x128xf32, #tpu.memory_space<hbm>>
    %dma_start3A_823 = tpu.memref_slice %arg15[%dma_start3A_812] : memref<5x!tpu.dma_semaphore, #tpu.memory_space<semaphore_mem>> -> memref<1x!tpu.dma_semaphore, #tpu.memory_space<semaphore_mem>>
    %dma_start3A_824 = tpu.memref_squeeze %dma_start3A_823 : memref<1x!tpu.dma_semaphore, #tpu.memory_space<semaphore_mem>> -> memref<!tpu.dma_semaphore, #tpu.memory_space<semaphore_mem>>
    tpu.enqueue_indirect_dma source(%dma_start3A_822 : memref<10000x128xf32, #tpu.memory_space<hbm>>) target(%dma_start3A_816 : memref<50x128xf32, #tpu.memory_space<vmem>>) offsets(%dma_start3A_819 : memref<50xi32, #tpu.memory_space<vmem>>) semaphore(%dma_start3A_824 : memref<!tpu.dma_semaphore, #tpu.memory_space<semaphore_mem>>)
    %dma_start3A_825 = arith.constant 0 : i32
    %dma_start3A_826 = arith.constant 4 : i32
    %dma_start3A_827 = arith.constant 4 : i32
    %dma_start3A_828 = arith.constant 4 : i32
    %dma_start3A_829 = arith.constant 0 : i32
    %dma_start3A_830 = tpu.memref_slice %arg11[%dma_start3A_827, %dma_start3A_829] : memref<5x50xf32, #tpu.memory_space<vmem>> -> memref<1x50xf32, #tpu.memory_space<vmem>>
    %dma_start3A_831 = tpu.memref_squeeze %dma_start3A_830 : memref<1x50xf32, #tpu.memory_space<vmem>> -> memref<50xf32, #tpu.memory_space<vmem>>
    %dma_start3A_832 = arith.constant 0 : i32
    %dma_start3A_833 = tpu.memref_slice %arg9[%dma_start3A_825, %dma_start3A_826, %dma_start3A_832] : memref<2x5x50xi32, #tpu.memory_space<vmem>> -> memref<1x1x50xi32, #tpu.memory_space<vmem>>
    %dma_start3A_834 = tpu.memref_squeeze %dma_start3A_833 : memref<1x1x50xi32, #tpu.memory_space<vmem>> -> memref<50xi32, #tpu.memory_space<vmem>>
    %dma_start3A_835 = arith.constant 0 : i32
    %dma_start3A_836 = tpu.memref_slice %arg5[%dma_start3A_835] : memref<10240xf32, #tpu.memory_space<hbm>> -> memref<10240xf32, #tpu.memory_space<hbm>>
    %dma_start3A_837 = tpu.memref_slice %arg17[%dma_start3A_828] : memref<5x!tpu.dma_semaphore, #tpu.memory_space<semaphore_mem>> -> memref<1x!tpu.dma_semaphore, #tpu.memory_space<semaphore_mem>>
    %dma_start3A_838 = tpu.memref_squeeze %dma_start3A_837 : memref<1x!tpu.dma_semaphore, #tpu.memory_space<semaphore_mem>> -> memref<!tpu.dma_semaphore, #tpu.memory_space<semaphore_mem>>
    tpu.enqueue_indirect_dma source(%dma_start3A_836 : memref<10240xf32, #tpu.memory_space<hbm>>) target(%dma_start3A_831 : memref<50xf32, #tpu.memory_space<vmem>>) offsets(%dma_start3A_834 : memref<50xi32, #tpu.memory_space<vmem>>) semaphore(%dma_start3A_838 : memref<!tpu.dma_semaphore, #tpu.memory_space<semaphore_mem>>)
    %scan3A_839 = arith.constant 0 : i32
    %scan3A_840 = arith.constant 0 : i32
    %scan3A_841 = arith.constant 40 : i32
    %scan3A_842 = arith.addi %scan3A_840, %scan3A_841 : i32
    %scan3A_843 = arith.constant 1 : i32
    %scan3A_844 = scf.for %scan3A_1005 = %scan3A_840 to %scan3A_842 step %scan3A_843 iter_args(%scan3A_1006 = %scan3A_839) -> (i32)  : i32 {
      %jit3A = arith.constant 2 : i32
      %eq3A = arith.constant 0 : i32
      %eq3A_1007 = arith.cmpi eq, %jit3A, %eq3A : i32
      %jit3A_1008 = arith.constant 1 : i32
      %select_n3A = arith.select %eq3A_1007, %jit3A_1008, %jit3A : i32
      %rem3A = arith.remsi %scan3A_1005, %select_n3A : i32
      %ne3A = arith.constant 0 : i32
      %ne3A_1009 = arith.cmpi ne, %rem3A, %ne3A : i32
      %lt3A = arith.constant 0 : i32
      %lt3A_1010 = arith.cmpi slt, %rem3A, %lt3A : i32
      %lt3A_1011 = arith.constant 0 : i32
      %lt3A_1012 = arith.cmpi slt, %select_n3A, %lt3A_1011 : i32
      %ne3A_1013 = arith.xori %lt3A_1010, %lt3A_1012 : i1
      %and3A = arith.andi %ne3A_1013, %ne3A_1009 : i1
      %add3A_1014 = arith.addi %rem3A, %select_n3A : i32
      %select_n3A_1015 = arith.select %and3A, %add3A_1014, %rem3A : i32
      %sub3A = arith.constant 1 : i32
      %sub3A_1016 = arith.subi %sub3A, %select_n3A_1015 : i32
      %lt3A_1017 = arith.constant 39 : i32
      %lt3A_1018 = arith.cmpi slt, %scan3A_1005, %lt3A_1017 : i32
      %convert_element_type3A = arith.extui %lt3A_1018 : i1 to i32
      %cond3A = arith.constant 0 : i32
      %cond3A_1019 = arith.cmpi ne, %convert_element_type3A, %cond3A : i32
      scf.if %cond3A_1019 {
        %mul3A_1306 = arith.constant 40 : i32
        %mul3A_1307 = arith.muli %add3A, %mul3A_1306 : i32
        %add3A_1308 = arith.addi %mul3A_1307, %scan3A_1005 : i32
        %add3A_1309 = arith.constant 1 : i32
        %add3A_1310 = arith.addi %add3A_1308, %add3A_1309 : i32
        %mul3A_1311 = arith.constant 2 : i32
        %mul3A_1312 = arith.muli %mul3A_1311, %sub3A_1016 : i32
        %dma_start3A_1313 = arith.constant 0 : i32
        %dma_start3A_1314 = arith.constant 0 : i32
        %dma_start3A_1315 = tpu.memref_slice %arg8[%sub3A_1016, %dma_start3A_1313, %dma_start3A_1314] : memref<2x5x50xi32, #tpu.memory_space<vmem>> -> memref<1x5x50xi32, #tpu.memory_space<vmem>>
        %dma_start3A_1316 = tpu.memref_squeeze %dma_start3A_1315 : memref<1x5x50xi32, #tpu.memory_space<vmem>> -> memref<5x50xi32, #tpu.memory_space<vmem>>
        %dma_start3A_1317 = arith.constant 0 : i32
        %dma_start3A_1318 = arith.constant 0 : i32
        %dma_start3A_1319 = tpu.memref_slice %arg3[%add3A_1310, %dma_start3A_1317, %dma_start3A_1318] : memref<1280x5x50xi32, #tpu.memory_space<hbm>> -> memref<1x5x50xi32, #tpu.memory_space<hbm>>
        %dma_start3A_1320 = tpu.memref_squeeze %dma_start3A_1319 : memref<1x5x50xi32, #tpu.memory_space<hbm>> -> memref<5x50xi32, #tpu.memory_space<hbm>>
        %dma_start3A_1321 = tpu.memref_slice %arg19[%mul3A_1312] : memref<4x!tpu.dma_semaphore, #tpu.memory_space<semaphore_mem>> -> memref<1x!tpu.dma_semaphore, #tpu.memory_space<semaphore_mem>>
        %dma_start3A_1322 = tpu.memref_squeeze %dma_start3A_1321 : memref<1x!tpu.dma_semaphore, #tpu.memory_space<semaphore_mem>> -> memref<!tpu.dma_semaphore, #tpu.memory_space<semaphore_mem>>
        %dma_start3A_1323 = arith.constant 0 : i32
        %dma_start3A_1324 = arith.constant 0 : i32
        %dma_start3A_1325 = tpu.memref_slice %arg8[%sub3A_1016, %dma_start3A_1323, %dma_start3A_1324] : memref<2x5x50xi32, #tpu.memory_space<vmem>> -> memref<1x5x50xi32, #tpu.memory_space<vmem>>
        %dma_start3A_1326 = tpu.memref_squeeze %dma_start3A_1325 : memref<1x5x50xi32, #tpu.memory_space<vmem>> -> memref<5x50xi32, #tpu.memory_space<vmem>>
        %dma_start3A_1327 = arith.constant 0 : i32
        %dma_start3A_1328 = arith.constant 0 : i32
        %dma_start3A_1329 = tpu.memref_slice %arg3[%add3A_1310, %dma_start3A_1327, %dma_start3A_1328] : memref<1280x5x50xi32, #tpu.memory_space<hbm>> -> memref<1x5x50xi32, #tpu.memory_space<hbm>>
        %dma_start3A_1330 = tpu.memref_squeeze %dma_start3A_1329 : memref<1x5x50xi32, #tpu.memory_space<hbm>> -> memref<5x50xi32, #tpu.memory_space<hbm>>
        tpu.enqueue_dma source(%dma_start3A_1330 : memref<5x50xi32, #tpu.memory_space<hbm>>) target(%dma_start3A_1326 : memref<5x50xi32, #tpu.memory_space<vmem>>) target_semaphore(%dma_start3A_1322 : memref<!tpu.dma_semaphore, #tpu.memory_space<semaphore_mem>>)
        %mul3A_1331 = arith.constant 40 : i32
        %mul3A_1332 = arith.muli %add3A, %mul3A_1331 : i32
        %add3A_1333 = arith.addi %mul3A_1332, %scan3A_1005 : i32
        %add3A_1334 = arith.constant 1 : i32
        %add3A_1335 = arith.addi %add3A_1333, %add3A_1334 : i32
        %mul3A_1336 = arith.constant 2 : i32
        %mul3A_1337 = arith.muli %mul3A_1336, %sub3A_1016 : i32
        %add3A_1338 = arith.constant 1 : i32
        %add3A_1339 = arith.addi %mul3A_1337, %add3A_1338 : i32
        %dma_start3A_1340 = arith.constant 0 : i32
        %dma_start3A_1341 = arith.constant 0 : i32
        %dma_start3A_1342 = tpu.memref_slice %arg9[%sub3A_1016, %dma_start3A_1340, %dma_start3A_1341] : memref<2x5x50xi32, #tpu.memory_space<vmem>> -> memref<1x5x50xi32, #tpu.memory_space<vmem>>
        %dma_start3A_1343 = tpu.memref_squeeze %dma_start3A_1342 : memref<1x5x50xi32, #tpu.memory_space<vmem>> -> memref<5x50xi32, #tpu.memory_space<vmem>>
        %dma_start3A_1344 = arith.constant 0 : i32
        %dma_start3A_1345 = arith.constant 0 : i32
        %dma_start3A_1346 = tpu.memref_slice %arg4[%add3A_1335, %dma_start3A_1344, %dma_start3A_1345] : memref<1280x5x50xi32, #tpu.memory_space<hbm>> -> memref<1x5x50xi32, #tpu.memory_space<hbm>>
        %dma_start3A_1347 = tpu.memref_squeeze %dma_start3A_1346 : memref<1x5x50xi32, #tpu.memory_space<hbm>> -> memref<5x50xi32, #tpu.memory_space<hbm>>
        %dma_start3A_1348 = tpu.memref_slice %arg19[%add3A_1339] : memref<4x!tpu.dma_semaphore, #tpu.memory_space<semaphore_mem>> -> memref<1x!tpu.dma_semaphore, #tpu.memory_space<semaphore_mem>>
        %dma_start3A_1349 = tpu.memref_squeeze %dma_start3A_1348 : memref<1x!tpu.dma_semaphore, #tpu.memory_space<semaphore_mem>> -> memref<!tpu.dma_semaphore, #tpu.memory_space<semaphore_mem>>
        %dma_start3A_1350 = arith.constant 0 : i32
        %dma_start3A_1351 = arith.constant 0 : i32
        %dma_start3A_1352 = tpu.memref_slice %arg9[%sub3A_1016, %dma_start3A_1350, %dma_start3A_1351] : memref<2x5x50xi32, #tpu.memory_space<vmem>> -> memref<1x5x50xi32, #tpu.memory_space<vmem>>
        %dma_start3A_1353 = tpu.memref_squeeze %dma_start3A_1352 : memref<1x5x50xi32, #tpu.memory_space<vmem>> -> memref<5x50xi32, #tpu.memory_space<vmem>>
        %dma_start3A_1354 = arith.constant 0 : i32
        %dma_start3A_1355 = arith.constant 0 : i32
        %dma_start3A_1356 = tpu.memref_slice %arg4[%add3A_1335, %dma_start3A_1354, %dma_start3A_1355] : memref<1280x5x50xi32, #tpu.memory_space<hbm>> -> memref<1x5x50xi32, #tpu.memory_space<hbm>>
        %dma_start3A_1357 = tpu.memref_squeeze %dma_start3A_1356 : memref<1x5x50xi32, #tpu.memory_space<hbm>> -> memref<5x50xi32, #tpu.memory_space<hbm>>
        tpu.enqueue_dma source(%dma_start3A_1357 : memref<5x50xi32, #tpu.memory_space<hbm>>) target(%dma_start3A_1353 : memref<5x50xi32, #tpu.memory_space<vmem>>) target_semaphore(%dma_start3A_1349 : memref<!tpu.dma_semaphore, #tpu.memory_space<semaphore_mem>>)
      } else {
      }
      %dma_wait3A_1020 = arith.constant 0 : i32
      %dma_wait3A_1021 = arith.constant 0 : i32
      %dma_wait3A_1022 = arith.constant 0 : i32
      %dma_wait3A_1023 = arith.constant 0 : i32
      %dma_wait3A_1024 = arith.constant 0 : i32
      %dma_wait3A_1025 = tpu.memref_slice %arg10[%dma_wait3A_1021, %dma_wait3A_1023, %dma_wait3A_1024] : memref<5x50x128xf32, #tpu.memory_space<vmem>> -> memref<1x50x128xf32, #tpu.memory_space<vmem>>
      %dma_wait3A_1026 = tpu.memref_squeeze %dma_wait3A_1025 : memref<1x50x128xf32, #tpu.memory_space<vmem>> -> memref<50x128xf32, #tpu.memory_space<vmem>>
      %dma_wait3A_1027 = arith.constant 0 : i32
      %dma_wait3A_1028 = tpu.memref_slice %arg8[%select_n3A_1015, %dma_wait3A_1020, %dma_wait3A_1027] : memref<2x5x50xi32, #tpu.memory_space<vmem>> -> memref<1x1x50xi32, #tpu.memory_space<vmem>>
      %dma_wait3A_1029 = tpu.memref_squeeze %dma_wait3A_1028 : memref<1x1x50xi32, #tpu.memory_space<vmem>> -> memref<50xi32, #tpu.memory_space<vmem>>
      %dma_wait3A_1030 = arith.constant 0 : i32
      %dma_wait3A_1031 = arith.constant 0 : i32
      %dma_wait3A_1032 = tpu.memref_slice %arg2[%dma_wait3A_1030, %dma_wait3A_1031] : memref<10000x128xf32, #tpu.memory_space<hbm>> -> memref<10000x128xf32, #tpu.memory_space<hbm>>
      %dma_wait3A_1033 = tpu.memref_slice %arg15[%dma_wait3A_1022] : memref<5x!tpu.dma_semaphore, #tpu.memory_space<semaphore_mem>> -> memref<1x!tpu.dma_semaphore, #tpu.memory_space<semaphore_mem>>
      %dma_wait3A_1034 = tpu.memref_squeeze %dma_wait3A_1033 : memref<1x!tpu.dma_semaphore, #tpu.memory_space<semaphore_mem>> -> memref<!tpu.dma_semaphore, #tpu.memory_space<semaphore_mem>>
      tpu.wait_indirect_dma semaphore(%dma_wait3A_1034 : memref<!tpu.dma_semaphore, #tpu.memory_space<semaphore_mem>>) src(%dma_wait3A_1032 : memref<10000x128xf32, #tpu.memory_space<hbm>>) dst(%dma_wait3A_1026 : memref<50x128xf32, #tpu.memory_space<vmem>>)
      %dma_wait3A_1035 = arith.constant 0 : i32
      %dma_wait3A_1036 = arith.constant 0 : i32
      %dma_wait3A_1037 = arith.constant 0 : i32
      %dma_wait3A_1038 = arith.constant 0 : i32
      %dma_wait3A_1039 = tpu.memref_slice %arg11[%dma_wait3A_1036, %dma_wait3A_1038] : memref<5x50xf32, #tpu.memory_space<vmem>> -> memref<1x50xf32, #tpu.memory_space<vmem>>
      %dma_wait3A_1040 = tpu.memref_squeeze %dma_wait3A_1039 : memref<1x50xf32, #tpu.memory_space<vmem>> -> memref<50xf32, #tpu.memory_space<vmem>>
      %dma_wait3A_1041 = arith.constant 0 : i32
      %dma_wait3A_1042 = tpu.memref_slice %arg9[%select_n3A_1015, %dma_wait3A_1035, %dma_wait3A_1041] : memref<2x5x50xi32, #tpu.memory_space<vmem>> -> memref<1x1x50xi32, #tpu.memory_space<vmem>>
      %dma_wait3A_1043 = tpu.memref_squeeze %dma_wait3A_1042 : memref<1x1x50xi32, #tpu.memory_space<vmem>> -> memref<50xi32, #tpu.memory_space<vmem>>
      %dma_wait3A_1044 = arith.constant 0 : i32
      %dma_wait3A_1045 = tpu.memref_slice %arg5[%dma_wait3A_1044] : memref<10240xf32, #tpu.memory_space<hbm>> -> memref<10240xf32, #tpu.memory_space<hbm>>
      %dma_wait3A_1046 = tpu.memref_slice %arg17[%dma_wait3A_1037] : memref<5x!tpu.dma_semaphore, #tpu.memory_space<semaphore_mem>> -> memref<1x!tpu.dma_semaphore, #tpu.memory_space<semaphore_mem>>
      %dma_wait3A_1047 = tpu.memref_squeeze %dma_wait3A_1046 : memref<1x!tpu.dma_semaphore, #tpu.memory_space<semaphore_mem>> -> memref<!tpu.dma_semaphore, #tpu.memory_space<semaphore_mem>>
      tpu.wait_indirect_dma semaphore(%dma_wait3A_1047 : memref<!tpu.dma_semaphore, #tpu.memory_space<semaphore_mem>>) src(%dma_wait3A_1045 : memref<10240xf32, #tpu.memory_space<hbm>>) dst(%dma_wait3A_1040 : memref<50xf32, #tpu.memory_space<vmem>>)
      %dma_start3A_1048 = arith.constant 0 : i32
      %dma_start3A_1049 = arith.constant 0 : i32
      %dma_start3A_1050 = arith.constant 0 : i32
      %dma_start3A_1051 = arith.constant 0 : i32
      %dma_start3A_1052 = arith.constant 0 : i32
      %dma_start3A_1053 = tpu.memref_slice %arg10[%dma_start3A_1048, %dma_start3A_1051, %dma_start3A_1052] : memref<5x50x128xf32, #tpu.memory_space<vmem>> -> memref<1x50x128xf32, #tpu.memory_space<vmem>>
      %dma_start3A_1054 = tpu.memref_squeeze %dma_start3A_1053 : memref<1x50x128xf32, #tpu.memory_space<vmem>> -> memref<50x128xf32, #tpu.memory_space<vmem>>
      %dma_start3A_1055 = arith.constant 0 : i32
      %dma_start3A_1056 = tpu.memref_slice %arg9[%select_n3A_1015, %dma_start3A_1049, %dma_start3A_1055] : memref<2x5x50xi32, #tpu.memory_space<vmem>> -> memref<1x1x50xi32, #tpu.memory_space<vmem>>
      %dma_start3A_1057 = tpu.memref_squeeze %dma_start3A_1056 : memref<1x1x50xi32, #tpu.memory_space<vmem>> -> memref<50xi32, #tpu.memory_space<vmem>>
      %dma_start3A_1058 = arith.constant 0 : i32
      %dma_start3A_1059 = arith.constant 0 : i32
      %dma_start3A_1060 = tpu.memref_slice %arg13[%dma_start3A_1058, %dma_start3A_1059] : memref<10240x128xf32, #tpu.memory_space<vmem_shared>> -> memref<10240x128xf32, #tpu.memory_space<vmem_shared>>
      %dma_start3A_1061 = tpu.memref_slice %arg16[%dma_start3A_1050] : memref<5x!tpu.dma_semaphore, #tpu.memory_space<semaphore_mem>> -> memref<1x!tpu.dma_semaphore, #tpu.memory_space<semaphore_mem>>
      %dma_start3A_1062 = tpu.memref_squeeze %dma_start3A_1061 : memref<1x!tpu.dma_semaphore, #tpu.memory_space<semaphore_mem>> -> memref<!tpu.dma_semaphore, #tpu.memory_space<semaphore_mem>>
      tpu.enqueue_indirect_dma source(%dma_start3A_1054 : memref<50x128xf32, #tpu.memory_space<vmem>>) target(%dma_start3A_1060 : memref<10240x128xf32, #tpu.memory_space<vmem_shared>>) offsets(%dma_start3A_1057 : memref<50xi32, #tpu.memory_space<vmem>>) semaphore(%dma_start3A_1062 : memref<!tpu.dma_semaphore, #tpu.memory_space<semaphore_mem>>) {add = true}
      %dma_start3A_1063 = arith.constant 0 : i32
      %dma_start3A_1064 = arith.constant 0 : i32
      %dma_start3A_1065 = arith.constant 0 : i32
      %dma_start3A_1066 = arith.constant 0 : i32
      %dma_start3A_1067 = tpu.memref_slice %arg11[%dma_start3A_1063, %dma_start3A_1066] : memref<5x50xf32, #tpu.memory_space<vmem>> -> memref<1x50xf32, #tpu.memory_space<vmem>>
      %dma_start3A_1068 = tpu.memref_squeeze %dma_start3A_1067 : memref<1x50xf32, #tpu.memory_space<vmem>> -> memref<50xf32, #tpu.memory_space<vmem>>
      %dma_start3A_1069 = arith.constant 0 : i32
      %dma_start3A_1070 = tpu.memref_slice %arg8[%select_n3A_1015, %dma_start3A_1064, %dma_start3A_1069] : memref<2x5x50xi32, #tpu.memory_space<vmem>> -> memref<1x1x50xi32, #tpu.memory_space<vmem>>
      %dma_start3A_1071 = tpu.memref_squeeze %dma_start3A_1070 : memref<1x1x50xi32, #tpu.memory_space<vmem>> -> memref<50xi32, #tpu.memory_space<vmem>>
      %dma_start3A_1072 = arith.constant 0 : i32
      %dma_start3A_1073 = tpu.memref_slice %arg14[%dma_start3A_1072] : memref<10240xf32, #tpu.memory_space<vmem_shared>> -> memref<10240xf32, #tpu.memory_space<vmem_shared>>
      %dma_start3A_1074 = tpu.memref_slice %arg18[%dma_start3A_1065] : memref<5x!tpu.dma_semaphore, #tpu.memory_space<semaphore_mem>> -> memref<1x!tpu.dma_semaphore, #tpu.memory_space<semaphore_mem>>
      %dma_start3A_1075 = tpu.memref_squeeze %dma_start3A_1074 : memref<1x!tpu.dma_semaphore, #tpu.memory_space<semaphore_mem>> -> memref<!tpu.dma_semaphore, #tpu.memory_space<semaphore_mem>>
      tpu.enqueue_indirect_dma source(%dma_start3A_1068 : memref<50xf32, #tpu.memory_space<vmem>>) target(%dma_start3A_1073 : memref<10240xf32, #tpu.memory_space<vmem_shared>>) offsets(%dma_start3A_1071 : memref<50xi32, #tpu.memory_space<vmem>>) semaphore(%dma_start3A_1075 : memref<!tpu.dma_semaphore, #tpu.memory_space<semaphore_mem>>) {add = true}
      %dma_wait3A_1076 = arith.constant 1 : i32
      %dma_wait3A_1077 = arith.constant 1 : i32
      %dma_wait3A_1078 = arith.constant 1 : i32
      %dma_wait3A_1079 = arith.constant 0 : i32
      %dma_wait3A_1080 = arith.constant 0 : i32
      %dma_wait3A_1081 = tpu.memref_slice %arg10[%dma_wait3A_1077, %dma_wait3A_1079, %dma_wait3A_1080] : memref<5x50x128xf32, #tpu.memory_space<vmem>> -> memref<1x50x128xf32, #tpu.memory_space<vmem>>
      %dma_wait3A_1082 = tpu.memref_squeeze %dma_wait3A_1081 : memref<1x50x128xf32, #tpu.memory_space<vmem>> -> memref<50x128xf32, #tpu.memory_space<vmem>>
      %dma_wait3A_1083 = arith.constant 0 : i32
      %dma_wait3A_1084 = tpu.memref_slice %arg8[%select_n3A_1015, %dma_wait3A_1076, %dma_wait3A_1083] : memref<2x5x50xi32, #tpu.memory_space<vmem>> -> memref<1x1x50xi32, #tpu.memory_space<vmem>>
      %dma_wait3A_1085 = tpu.memref_squeeze %dma_wait3A_1084 : memref<1x1x50xi32, #tpu.memory_space<vmem>> -> memref<50xi32, #tpu.memory_space<vmem>>
      %dma_wait3A_1086 = arith.constant 0 : i32
      %dma_wait3A_1087 = arith.constant 0 : i32
      %dma_wait3A_1088 = tpu.memref_slice %arg2[%dma_wait3A_1086, %dma_wait3A_1087] : memref<10000x128xf32, #tpu.memory_space<hbm>> -> memref<10000x128xf32, #tpu.memory_space<hbm>>
      %dma_wait3A_1089 = tpu.memref_slice %arg15[%dma_wait3A_1078] : memref<5x!tpu.dma_semaphore, #tpu.memory_space<semaphore_mem>> -> memref<1x!tpu.dma_semaphore, #tpu.memory_space<semaphore_mem>>
      %dma_wait3A_1090 = tpu.memref_squeeze %dma_wait3A_1089 : memref<1x!tpu.dma_semaphore, #tpu.memory_space<semaphore_mem>> -> memref<!tpu.dma_semaphore, #tpu.memory_space<semaphore_mem>>
      tpu.wait_indirect_dma semaphore(%dma_wait3A_1090 : memref<!tpu.dma_semaphore, #tpu.memory_space<semaphore_mem>>) src(%dma_wait3A_1088 : memref<10000x128xf32, #tpu.memory_space<hbm>>) dst(%dma_wait3A_1082 : memref<50x128xf32, #tpu.memory_space<vmem>>)
      %dma_wait3A_1091 = arith.constant 1 : i32
      %dma_wait3A_1092 = arith.constant 1 : i32
      %dma_wait3A_1093 = arith.constant 1 : i32
      %dma_wait3A_1094 = arith.constant 0 : i32
      %dma_wait3A_1095 = tpu.memref_slice %arg11[%dma_wait3A_1092, %dma_wait3A_1094] : memref<5x50xf32, #tpu.memory_space<vmem>> -> memref<1x50xf32, #tpu.memory_space<vmem>>
      %dma_wait3A_1096 = tpu.memref_squeeze %dma_wait3A_1095 : memref<1x50xf32, #tpu.memory_space<vmem>> -> memref<50xf32, #tpu.memory_space<vmem>>
      %dma_wait3A_1097 = arith.constant 0 : i32
      %dma_wait3A_1098 = tpu.memref_slice %arg9[%select_n3A_1015, %dma_wait3A_1091, %dma_wait3A_1097] : memref<2x5x50xi32, #tpu.memory_space<vmem>> -> memref<1x1x50xi32, #tpu.memory_space<vmem>>
      %dma_wait3A_1099 = tpu.memref_squeeze %dma_wait3A_1098 : memref<1x1x50xi32, #tpu.memory_space<vmem>> -> memref<50xi32, #tpu.memory_space<vmem>>
      %dma_wait3A_1100 = arith.constant 0 : i32
      %dma_wait3A_1101 = tpu.memref_slice %arg5[%dma_wait3A_1100] : memref<10240xf32, #tpu.memory_space<hbm>> -> memref<10240xf32, #tpu.memory_space<hbm>>
      %dma_wait3A_1102 = tpu.memref_slice %arg17[%dma_wait3A_1093] : memref<5x!tpu.dma_semaphore, #tpu.memory_space<semaphore_mem>> -> memref<1x!tpu.dma_semaphore, #tpu.memory_space<semaphore_mem>>
      %dma_wait3A_1103 = tpu.memref_squeeze %dma_wait3A_1102 : memref<1x!tpu.dma_semaphore, #tpu.memory_space<semaphore_mem>> -> memref<!tpu.dma_semaphore, #tpu.memory_space<semaphore_mem>>
      tpu.wait_indirect_dma semaphore(%dma_wait3A_1103 : memref<!tpu.dma_semaphore, #tpu.memory_space<semaphore_mem>>) src(%dma_wait3A_1101 : memref<10240xf32, #tpu.memory_space<hbm>>) dst(%dma_wait3A_1096 : memref<50xf32, #tpu.memory_space<vmem>>)
      %dma_start3A_1104 = arith.constant 1 : i32
      %dma_start3A_1105 = arith.constant 1 : i32
      %dma_start3A_1106 = arith.constant 1 : i32
      %dma_start3A_1107 = arith.constant 0 : i32
      %dma_start3A_1108 = arith.constant 0 : i32
      %dma_start3A_1109 = tpu.memref_slice %arg10[%dma_start3A_1104, %dma_start3A_1107, %dma_start3A_1108] : memref<5x50x128xf32, #tpu.memory_space<vmem>> -> memref<1x50x128xf32, #tpu.memory_space<vmem>>
      %dma_start3A_1110 = tpu.memref_squeeze %dma_start3A_1109 : memref<1x50x128xf32, #tpu.memory_space<vmem>> -> memref<50x128xf32, #tpu.memory_space<vmem>>
      %dma_start3A_1111 = arith.constant 0 : i32
      %dma_start3A_1112 = tpu.memref_slice %arg9[%select_n3A_1015, %dma_start3A_1105, %dma_start3A_1111] : memref<2x5x50xi32, #tpu.memory_space<vmem>> -> memref<1x1x50xi32, #tpu.memory_space<vmem>>
      %dma_start3A_1113 = tpu.memref_squeeze %dma_start3A_1112 : memref<1x1x50xi32, #tpu.memory_space<vmem>> -> memref<50xi32, #tpu.memory_space<vmem>>
      %dma_start3A_1114 = arith.constant 0 : i32
      %dma_start3A_1115 = arith.constant 0 : i32
      %dma_start3A_1116 = tpu.memref_slice %arg13[%dma_start3A_1114, %dma_start3A_1115] : memref<10240x128xf32, #tpu.memory_space<vmem_shared>> -> memref<10240x128xf32, #tpu.memory_space<vmem_shared>>
      %dma_start3A_1117 = tpu.memref_slice %arg16[%dma_start3A_1106] : memref<5x!tpu.dma_semaphore, #tpu.memory_space<semaphore_mem>> -> memref<1x!tpu.dma_semaphore, #tpu.memory_space<semaphore_mem>>
      %dma_start3A_1118 = tpu.memref_squeeze %dma_start3A_1117 : memref<1x!tpu.dma_semaphore, #tpu.memory_space<semaphore_mem>> -> memref<!tpu.dma_semaphore, #tpu.memory_space<semaphore_mem>>
      tpu.enqueue_indirect_dma source(%dma_start3A_1110 : memref<50x128xf32, #tpu.memory_space<vmem>>) target(%dma_start3A_1116 : memref<10240x128xf32, #tpu.memory_space<vmem_shared>>) offsets(%dma_start3A_1113 : memref<50xi32, #tpu.memory_space<vmem>>) semaphore(%dma_start3A_1118 : memref<!tpu.dma_semaphore, #tpu.memory_space<semaphore_mem>>) {add = true}
      %dma_start3A_1119 = arith.constant 1 : i32
      %dma_start3A_1120 = arith.constant 1 : i32
      %dma_start3A_1121 = arith.constant 1 : i32
      %dma_start3A_1122 = arith.constant 0 : i32
      %dma_start3A_1123 = tpu.memref_slice %arg11[%dma_start3A_1119, %dma_start3A_1122] : memref<5x50xf32, #tpu.memory_space<vmem>> -> memref<1x50xf32, #tpu.memory_space<vmem>>
      %dma_start3A_1124 = tpu.memref_squeeze %dma_start3A_1123 : memref<1x50xf32, #tpu.memory_space<vmem>> -> memref<50xf32, #tpu.memory_space<vmem>>
      %dma_start3A_1125 = arith.constant 0 : i32
      %dma_start3A_1126 = tpu.memref_slice %arg8[%select_n3A_1015, %dma_start3A_1120, %dma_start3A_1125] : memref<2x5x50xi32, #tpu.memory_space<vmem>> -> memref<1x1x50xi32, #tpu.memory_space<vmem>>
      %dma_start3A_1127 = tpu.memref_squeeze %dma_start3A_1126 : memref<1x1x50xi32, #tpu.memory_space<vmem>> -> memref<50xi32, #tpu.memory_space<vmem>>
      %dma_start3A_1128 = arith.constant 0 : i32
      %dma_start3A_1129 = tpu.memref_slice %arg14[%dma_start3A_1128] : memref<10240xf32, #tpu.memory_space<vmem_shared>> -> memref<10240xf32, #tpu.memory_space<vmem_shared>>
      %dma_start3A_1130 = tpu.memref_slice %arg18[%dma_start3A_1121] : memref<5x!tpu.dma_semaphore, #tpu.memory_space<semaphore_mem>> -> memref<1x!tpu.dma_semaphore, #tpu.memory_space<semaphore_mem>>
      %dma_start3A_1131 = tpu.memref_squeeze %dma_start3A_1130 : memref<1x!tpu.dma_semaphore, #tpu.memory_space<semaphore_mem>> -> memref<!tpu.dma_semaphore, #tpu.memory_space<semaphore_mem>>
      tpu.enqueue_indirect_dma source(%dma_start3A_1124 : memref<50xf32, #tpu.memory_space<vmem>>) target(%dma_start3A_1129 : memref<10240xf32, #tpu.memory_space<vmem_shared>>) offsets(%dma_start3A_1127 : memref<50xi32, #tpu.memory_space<vmem>>) semaphore(%dma_start3A_1131 : memref<!tpu.dma_semaphore, #tpu.memory_space<semaphore_mem>>) {add = true}
      %dma_wait3A_1132 = arith.constant 2 : i32
      %dma_wait3A_1133 = arith.constant 2 : i32
      %dma_wait3A_1134 = arith.constant 2 : i32
      %dma_wait3A_1135 = arith.constant 0 : i32
      %dma_wait3A_1136 = arith.constant 0 : i32
      %dma_wait3A_1137 = tpu.memref_slice %arg10[%dma_wait3A_1133, %dma_wait3A_1135, %dma_wait3A_1136] : memref<5x50x128xf32, #tpu.memory_space<vmem>> -> memref<1x50x128xf32, #tpu.memory_space<vmem>>
      %dma_wait3A_1138 = tpu.memref_squeeze %dma_wait3A_1137 : memref<1x50x128xf32, #tpu.memory_space<vmem>> -> memref<50x128xf32, #tpu.memory_space<vmem>>
      %dma_wait3A_1139 = arith.constant 0 : i32
      %dma_wait3A_1140 = tpu.memref_slice %arg8[%select_n3A_1015, %dma_wait3A_1132, %dma_wait3A_1139] : memref<2x5x50xi32, #tpu.memory_space<vmem>> -> memref<1x1x50xi32, #tpu.memory_space<vmem>>
      %dma_wait3A_1141 = tpu.memref_squeeze %dma_wait3A_1140 : memref<1x1x50xi32, #tpu.memory_space<vmem>> -> memref<50xi32, #tpu.memory_space<vmem>>
      %dma_wait3A_1142 = arith.constant 0 : i32
      %dma_wait3A_1143 = arith.constant 0 : i32
      %dma_wait3A_1144 = tpu.memref_slice %arg2[%dma_wait3A_1142, %dma_wait3A_1143] : memref<10000x128xf32, #tpu.memory_space<hbm>> -> memref<10000x128xf32, #tpu.memory_space<hbm>>
      %dma_wait3A_1145 = tpu.memref_slice %arg15[%dma_wait3A_1134] : memref<5x!tpu.dma_semaphore, #tpu.memory_space<semaphore_mem>> -> memref<1x!tpu.dma_semaphore, #tpu.memory_space<semaphore_mem>>
      %dma_wait3A_1146 = tpu.memref_squeeze %dma_wait3A_1145 : memref<1x!tpu.dma_semaphore, #tpu.memory_space<semaphore_mem>> -> memref<!tpu.dma_semaphore, #tpu.memory_space<semaphore_mem>>
      tpu.wait_indirect_dma semaphore(%dma_wait3A_1146 : memref<!tpu.dma_semaphore, #tpu.memory_space<semaphore_mem>>) src(%dma_wait3A_1144 : memref<10000x128xf32, #tpu.memory_space<hbm>>) dst(%dma_wait3A_1138 : memref<50x128xf32, #tpu.memory_space<vmem>>)
      %dma_wait3A_1147 = arith.constant 2 : i32
      %dma_wait3A_1148 = arith.constant 2 : i32
      %dma_wait3A_1149 = arith.constant 2 : i32
      %dma_wait3A_1150 = arith.constant 0 : i32
      %dma_wait3A_1151 = tpu.memref_slice %arg11[%dma_wait3A_1148, %dma_wait3A_1150] : memref<5x50xf32, #tpu.memory_space<vmem>> -> memref<1x50xf32, #tpu.memory_space<vmem>>
      %dma_wait3A_1152 = tpu.memref_squeeze %dma_wait3A_1151 : memref<1x50xf32, #tpu.memory_space<vmem>> -> memref<50xf32, #tpu.memory_space<vmem>>
      %dma_wait3A_1153 = arith.constant 0 : i32
      %dma_wait3A_1154 = tpu.memref_slice %arg9[%select_n3A_1015, %dma_wait3A_1147, %dma_wait3A_1153] : memref<2x5x50xi32, #tpu.memory_space<vmem>> -> memref<1x1x50xi32, #tpu.memory_space<vmem>>
      %dma_wait3A_1155 = tpu.memref_squeeze %dma_wait3A_1154 : memref<1x1x50xi32, #tpu.memory_space<vmem>> -> memref<50xi32, #tpu.memory_space<vmem>>
      %dma_wait3A_1156 = arith.constant 0 : i32
      %dma_wait3A_1157 = tpu.memref_slice %arg5[%dma_wait3A_1156] : memref<10240xf32, #tpu.memory_space<hbm>> -> memref<10240xf32, #tpu.memory_space<hbm>>
      %dma_wait3A_1158 = tpu.memref_slice %arg17[%dma_wait3A_1149] : memref<5x!tpu.dma_semaphore, #tpu.memory_space<semaphore_mem>> -> memref<1x!tpu.dma_semaphore, #tpu.memory_space<semaphore_mem>>
      %dma_wait3A_1159 = tpu.memref_squeeze %dma_wait3A_1158 : memref<1x!tpu.dma_semaphore, #tpu.memory_space<semaphore_mem>> -> memref<!tpu.dma_semaphore, #tpu.memory_space<semaphore_mem>>
      tpu.wait_indirect_dma semaphore(%dma_wait3A_1159 : memref<!tpu.dma_semaphore, #tpu.memory_space<semaphore_mem>>) src(%dma_wait3A_1157 : memref<10240xf32, #tpu.memory_space<hbm>>) dst(%dma_wait3A_1152 : memref<50xf32, #tpu.memory_space<vmem>>)
      %dma_start3A_1160 = arith.constant 2 : i32
      %dma_start3A_1161 = arith.constant 2 : i32
      %dma_start3A_1162 = arith.constant 2 : i32
      %dma_start3A_1163 = arith.constant 0 : i32
      %dma_start3A_1164 = arith.constant 0 : i32
      %dma_start3A_1165 = tpu.memref_slice %arg10[%dma_start3A_1160, %dma_start3A_1163, %dma_start3A_1164] : memref<5x50x128xf32, #tpu.memory_space<vmem>> -> memref<1x50x128xf32, #tpu.memory_space<vmem>>
      %dma_start3A_1166 = tpu.memref_squeeze %dma_start3A_1165 : memref<1x50x128xf32, #tpu.memory_space<vmem>> -> memref<50x128xf32, #tpu.memory_space<vmem>>
      %dma_start3A_1167 = arith.constant 0 : i32
      %dma_start3A_1168 = tpu.memref_slice %arg9[%select_n3A_1015, %dma_start3A_1161, %dma_start3A_1167] : memref<2x5x50xi32, #tpu.memory_space<vmem>> -> memref<1x1x50xi32, #tpu.memory_space<vmem>>
      %dma_start3A_1169 = tpu.memref_squeeze %dma_start3A_1168 : memref<1x1x50xi32, #tpu.memory_space<vmem>> -> memref<50xi32, #tpu.memory_space<vmem>>
      %dma_start3A_1170 = arith.constant 0 : i32
      %dma_start3A_1171 = arith.constant 0 : i32
      %dma_start3A_1172 = tpu.memref_slice %arg13[%dma_start3A_1170, %dma_start3A_1171] : memref<10240x128xf32, #tpu.memory_space<vmem_shared>> -> memref<10240x128xf32, #tpu.memory_space<vmem_shared>>
      %dma_start3A_1173 = tpu.memref_slice %arg16[%dma_start3A_1162] : memref<5x!tpu.dma_semaphore, #tpu.memory_space<semaphore_mem>> -> memref<1x!tpu.dma_semaphore, #tpu.memory_space<semaphore_mem>>
      %dma_start3A_1174 = tpu.memref_squeeze %dma_start3A_1173 : memref<1x!tpu.dma_semaphore, #tpu.memory_space<semaphore_mem>> -> memref<!tpu.dma_semaphore, #tpu.memory_space<semaphore_mem>>
      tpu.enqueue_indirect_dma source(%dma_start3A_1166 : memref<50x128xf32, #tpu.memory_space<vmem>>) target(%dma_start3A_1172 : memref<10240x128xf32, #tpu.memory_space<vmem_shared>>) offsets(%dma_start3A_1169 : memref<50xi32, #tpu.memory_space<vmem>>) semaphore(%dma_start3A_1174 : memref<!tpu.dma_semaphore, #tpu.memory_space<semaphore_mem>>) {add = true}
      %dma_start3A_1175 = arith.constant 2 : i32
      %dma_start3A_1176 = arith.constant 2 : i32
      %dma_start3A_1177 = arith.constant 2 : i32
      %dma_start3A_1178 = arith.constant 0 : i32
      %dma_start3A_1179 = tpu.memref_slice %arg11[%dma_start3A_1175, %dma_start3A_1178] : memref<5x50xf32, #tpu.memory_space<vmem>> -> memref<1x50xf32, #tpu.memory_space<vmem>>
      %dma_start3A_1180 = tpu.memref_squeeze %dma_start3A_1179 : memref<1x50xf32, #tpu.memory_space<vmem>> -> memref<50xf32, #tpu.memory_space<vmem>>
      %dma_start3A_1181 = arith.constant 0 : i32
      %dma_start3A_1182 = tpu.memref_slice %arg8[%select_n3A_1015, %dma_start3A_1176, %dma_start3A_1181] : memref<2x5x50xi32, #tpu.memory_space<vmem>> -> memref<1x1x50xi32, #tpu.memory_space<vmem>>
      %dma_start3A_1183 = tpu.memref_squeeze %dma_start3A_1182 : memref<1x1x50xi32, #tpu.memory_space<vmem>> -> memref<50xi32, #tpu.memory_space<vmem>>
      %dma_start3A_1184 = arith.constant 0 : i32
      %dma_start3A_1185 = tpu.memref_slice %arg14[%dma_start3A_1184] : memref<10240xf32, #tpu.memory_space<vmem_shared>> -> memref<10240xf32, #tpu.memory_space<vmem_shared>>
      %dma_start3A_1186 = tpu.memref_slice %arg18[%dma_start3A_1177] : memref<5x!tpu.dma_semaphore, #tpu.memory_space<semaphore_mem>> -> memref<1x!tpu.dma_semaphore, #tpu.memory_space<semaphore_mem>>
      %dma_start3A_1187 = tpu.memref_squeeze %dma_start3A_1186 : memref<1x!tpu.dma_semaphore, #tpu.memory_space<semaphore_mem>> -> memref<!tpu.dma_semaphore, #tpu.memory_space<semaphore_mem>>
      tpu.enqueue_indirect_dma source(%dma_start3A_1180 : memref<50xf32, #tpu.memory_space<vmem>>) target(%dma_start3A_1185 : memref<10240xf32, #tpu.memory_space<vmem_shared>>) offsets(%dma_start3A_1183 : memref<50xi32, #tpu.memory_space<vmem>>) semaphore(%dma_start3A_1187 : memref<!tpu.dma_semaphore, #tpu.memory_space<semaphore_mem>>) {add = true}
      %dma_wait3A_1188 = arith.constant 3 : i32
      %dma_wait3A_1189 = arith.constant 3 : i32
      %dma_wait3A_1190 = arith.constant 3 : i32
      %dma_wait3A_1191 = arith.constant 0 : i32
      %dma_wait3A_1192 = arith.constant 0 : i32
      %dma_wait3A_1193 = tpu.memref_slice %arg10[%dma_wait3A_1189, %dma_wait3A_1191, %dma_wait3A_1192] : memref<5x50x128xf32, #tpu.memory_space<vmem>> -> memref<1x50x128xf32, #tpu.memory_space<vmem>>
      %dma_wait3A_1194 = tpu.memref_squeeze %dma_wait3A_1193 : memref<1x50x128xf32, #tpu.memory_space<vmem>> -> memref<50x128xf32, #tpu.memory_space<vmem>>
      %dma_wait3A_1195 = arith.constant 0 : i32
      %dma_wait3A_1196 = tpu.memref_slice %arg8[%select_n3A_1015, %dma_wait3A_1188, %dma_wait3A_1195] : memref<2x5x50xi32, #tpu.memory_space<vmem>> -> memref<1x1x50xi32, #tpu.memory_space<vmem>>
      %dma_wait3A_1197 = tpu.memref_squeeze %dma_wait3A_1196 : memref<1x1x50xi32, #tpu.memory_space<vmem>> -> memref<50xi32, #tpu.memory_space<vmem>>
      %dma_wait3A_1198 = arith.constant 0 : i32
      %dma_wait3A_1199 = arith.constant 0 : i32
      %dma_wait3A_1200 = tpu.memref_slice %arg2[%dma_wait3A_1198, %dma_wait3A_1199] : memref<10000x128xf32, #tpu.memory_space<hbm>> -> memref<10000x128xf32, #tpu.memory_space<hbm>>
      %dma_wait3A_1201 = tpu.memref_slice %arg15[%dma_wait3A_1190] : memref<5x!tpu.dma_semaphore, #tpu.memory_space<semaphore_mem>> -> memref<1x!tpu.dma_semaphore, #tpu.memory_space<semaphore_mem>>
      %dma_wait3A_1202 = tpu.memref_squeeze %dma_wait3A_1201 : memref<1x!tpu.dma_semaphore, #tpu.memory_space<semaphore_mem>> -> memref<!tpu.dma_semaphore, #tpu.memory_space<semaphore_mem>>
      tpu.wait_indirect_dma semaphore(%dma_wait3A_1202 : memref<!tpu.dma_semaphore, #tpu.memory_space<semaphore_mem>>) src(%dma_wait3A_1200 : memref<10000x128xf32, #tpu.memory_space<hbm>>) dst(%dma_wait3A_1194 : memref<50x128xf32, #tpu.memory_space<vmem>>)
      %dma_wait3A_1203 = arith.constant 3 : i32
      %dma_wait3A_1204 = arith.constant 3 : i32
      %dma_wait3A_1205 = arith.constant 3 : i32
      %dma_wait3A_1206 = arith.constant 0 : i32
      %dma_wait3A_1207 = tpu.memref_slice %arg11[%dma_wait3A_1204, %dma_wait3A_1206] : memref<5x50xf32, #tpu.memory_space<vmem>> -> memref<1x50xf32, #tpu.memory_space<vmem>>
      %dma_wait3A_1208 = tpu.memref_squeeze %dma_wait3A_1207 : memref<1x50xf32, #tpu.memory_space<vmem>> -> memref<50xf32, #tpu.memory_space<vmem>>
      %dma_wait3A_1209 = arith.constant 0 : i32
      %dma_wait3A_1210 = tpu.memref_slice %arg9[%select_n3A_1015, %dma_wait3A_1203, %dma_wait3A_1209] : memref<2x5x50xi32, #tpu.memory_space<vmem>> -> memref<1x1x50xi32, #tpu.memory_space<vmem>>
      %dma_wait3A_1211 = tpu.memref_squeeze %dma_wait3A_1210 : memref<1x1x50xi32, #tpu.memory_space<vmem>> -> memref<50xi32, #tpu.memory_space<vmem>>
      %dma_wait3A_1212 = arith.constant 0 : i32
      %dma_wait3A_1213 = tpu.memref_slice %arg5[%dma_wait3A_1212] : memref<10240xf32, #tpu.memory_space<hbm>> -> memref<10240xf32, #tpu.memory_space<hbm>>
      %dma_wait3A_1214 = tpu.memref_slice %arg17[%dma_wait3A_1205] : memref<5x!tpu.dma_semaphore, #tpu.memory_space<semaphore_mem>> -> memref<1x!tpu.dma_semaphore, #tpu.memory_space<semaphore_mem>>
      %dma_wait3A_1215 = tpu.memref_squeeze %dma_wait3A_1214 : memref<1x!tpu.dma_semaphore, #tpu.memory_space<semaphore_mem>> -> memref<!tpu.dma_semaphore, #tpu.memory_space<semaphore_mem>>
      tpu.wait_indirect_dma semaphore(%dma_wait3A_1215 : memref<!tpu.dma_semaphore, #tpu.memory_space<semaphore_mem>>) src(%dma_wait3A_1213 : memref<10240xf32, #tpu.memory_space<hbm>>) dst(%dma_wait3A_1208 : memref<50xf32, #tpu.memory_space<vmem>>)
      %dma_start3A_1216 = arith.constant 3 : i32
      %dma_start3A_1217 = arith.constant 3 : i32
      %dma_start3A_1218 = arith.constant 3 : i32
      %dma_start3A_1219 = arith.constant 0 : i32
      %dma_start3A_1220 = arith.constant 0 : i32
      %dma_start3A_1221 = tpu.memref_slice %arg10[%dma_start3A_1216, %dma_start3A_1219, %dma_start3A_1220] : memref<5x50x128xf32, #tpu.memory_space<vmem>> -> memref<1x50x128xf32, #tpu.memory_space<vmem>>
      %dma_start3A_1222 = tpu.memref_squeeze %dma_start3A_1221 : memref<1x50x128xf32, #tpu.memory_space<vmem>> -> memref<50x128xf32, #tpu.memory_space<vmem>>
      %dma_start3A_1223 = arith.constant 0 : i32
      %dma_start3A_1224 = tpu.memref_slice %arg9[%select_n3A_1015, %dma_start3A_1217, %dma_start3A_1223] : memref<2x5x50xi32, #tpu.memory_space<vmem>> -> memref<1x1x50xi32, #tpu.memory_space<vmem>>
      %dma_start3A_1225 = tpu.memref_squeeze %dma_start3A_1224 : memref<1x1x50xi32, #tpu.memory_space<vmem>> -> memref<50xi32, #tpu.memory_space<vmem>>
      %dma_start3A_1226 = arith.constant 0 : i32
      %dma_start3A_1227 = arith.constant 0 : i32
      %dma_start3A_1228 = tpu.memref_slice %arg13[%dma_start3A_1226, %dma_start3A_1227] : memref<10240x128xf32, #tpu.memory_space<vmem_shared>> -> memref<10240x128xf32, #tpu.memory_space<vmem_shared>>
      %dma_start3A_1229 = tpu.memref_slice %arg16[%dma_start3A_1218] : memref<5x!tpu.dma_semaphore, #tpu.memory_space<semaphore_mem>> -> memref<1x!tpu.dma_semaphore, #tpu.memory_space<semaphore_mem>>
      %dma_start3A_1230 = tpu.memref_squeeze %dma_start3A_1229 : memref<1x!tpu.dma_semaphore, #tpu.memory_space<semaphore_mem>> -> memref<!tpu.dma_semaphore, #tpu.memory_space<semaphore_mem>>
      tpu.enqueue_indirect_dma source(%dma_start3A_1222 : memref<50x128xf32, #tpu.memory_space<vmem>>) target(%dma_start3A_1228 : memref<10240x128xf32, #tpu.memory_space<vmem_shared>>) offsets(%dma_start3A_1225 : memref<50xi32, #tpu.memory_space<vmem>>) semaphore(%dma_start3A_1230 : memref<!tpu.dma_semaphore, #tpu.memory_space<semaphore_mem>>) {add = true}
      %dma_start3A_1231 = arith.constant 3 : i32
      %dma_start3A_1232 = arith.constant 3 : i32
      %dma_start3A_1233 = arith.constant 3 : i32
      %dma_start3A_1234 = arith.constant 0 : i32
      %dma_start3A_1235 = tpu.memref_slice %arg11[%dma_start3A_1231, %dma_start3A_1234] : memref<5x50xf32, #tpu.memory_space<vmem>> -> memref<1x50xf32, #tpu.memory_space<vmem>>
      %dma_start3A_1236 = tpu.memref_squeeze %dma_start3A_1235 : memref<1x50xf32, #tpu.memory_space<vmem>> -> memref<50xf32, #tpu.memory_space<vmem>>
      %dma_start3A_1237 = arith.constant 0 : i32
      %dma_start3A_1238 = tpu.memref_slice %arg8[%select_n3A_1015, %dma_start3A_1232, %dma_start3A_1237] : memref<2x5x50xi32, #tpu.memory_space<vmem>> -> memref<1x1x50xi32, #tpu.memory_space<vmem>>
      %dma_start3A_1239 = tpu.memref_squeeze %dma_start3A_1238 : memref<1x1x50xi32, #tpu.memory_space<vmem>> -> memref<50xi32, #tpu.memory_space<vmem>>
      %dma_start3A_1240 = arith.constant 0 : i32
      %dma_start3A_1241 = tpu.memref_slice %arg14[%dma_start3A_1240] : memref<10240xf32, #tpu.memory_space<vmem_shared>> -> memref<10240xf32, #tpu.memory_space<vmem_shared>>
      %dma_start3A_1242 = tpu.memref_slice %arg18[%dma_start3A_1233] : memref<5x!tpu.dma_semaphore, #tpu.memory_space<semaphore_mem>> -> memref<1x!tpu.dma_semaphore, #tpu.memory_space<semaphore_mem>>
      %dma_start3A_1243 = tpu.memref_squeeze %dma_start3A_1242 : memref<1x!tpu.dma_semaphore, #tpu.memory_space<semaphore_mem>> -> memref<!tpu.dma_semaphore, #tpu.memory_space<semaphore_mem>>
      tpu.enqueue_indirect_dma source(%dma_start3A_1236 : memref<50xf32, #tpu.memory_space<vmem>>) target(%dma_start3A_1241 : memref<10240xf32, #tpu.memory_space<vmem_shared>>) offsets(%dma_start3A_1239 : memref<50xi32, #tpu.memory_space<vmem>>) semaphore(%dma_start3A_1243 : memref<!tpu.dma_semaphore, #tpu.memory_space<semaphore_mem>>) {add = true}
      %dma_wait3A_1244 = arith.constant 4 : i32
      %dma_wait3A_1245 = arith.constant 4 : i32
      %dma_wait3A_1246 = arith.constant 4 : i32
      %dma_wait3A_1247 = arith.constant 0 : i32
      %dma_wait3A_1248 = arith.constant 0 : i32
      %dma_wait3A_1249 = tpu.memref_slice %arg10[%dma_wait3A_1245, %dma_wait3A_1247, %dma_wait3A_1248] : memref<5x50x128xf32, #tpu.memory_space<vmem>> -> memref<1x50x128xf32, #tpu.memory_space<vmem>>
      %dma_wait3A_1250 = tpu.memref_squeeze %dma_wait3A_1249 : memref<1x50x128xf32, #tpu.memory_space<vmem>> -> memref<50x128xf32, #tpu.memory_space<vmem>>
      %dma_wait3A_1251 = arith.constant 0 : i32
      %dma_wait3A_1252 = tpu.memref_slice %arg8[%select_n3A_1015, %dma_wait3A_1244, %dma_wait3A_1251] : memref<2x5x50xi32, #tpu.memory_space<vmem>> -> memref<1x1x50xi32, #tpu.memory_space<vmem>>
      %dma_wait3A_1253 = tpu.memref_squeeze %dma_wait3A_1252 : memref<1x1x50xi32, #tpu.memory_space<vmem>> -> memref<50xi32, #tpu.memory_space<vmem>>
      %dma_wait3A_1254 = arith.constant 0 : i32
      %dma_wait3A_1255 = arith.constant 0 : i32
      %dma_wait3A_1256 = tpu.memref_slice %arg2[%dma_wait3A_1254, %dma_wait3A_1255] : memref<10000x128xf32, #tpu.memory_space<hbm>> -> memref<10000x128xf32, #tpu.memory_space<hbm>>
      %dma_wait3A_1257 = tpu.memref_slice %arg15[%dma_wait3A_1246] : memref<5x!tpu.dma_semaphore, #tpu.memory_space<semaphore_mem>> -> memref<1x!tpu.dma_semaphore, #tpu.memory_space<semaphore_mem>>
      %dma_wait3A_1258 = tpu.memref_squeeze %dma_wait3A_1257 : memref<1x!tpu.dma_semaphore, #tpu.memory_space<semaphore_mem>> -> memref<!tpu.dma_semaphore, #tpu.memory_space<semaphore_mem>>
      tpu.wait_indirect_dma semaphore(%dma_wait3A_1258 : memref<!tpu.dma_semaphore, #tpu.memory_space<semaphore_mem>>) src(%dma_wait3A_1256 : memref<10000x128xf32, #tpu.memory_space<hbm>>) dst(%dma_wait3A_1250 : memref<50x128xf32, #tpu.memory_space<vmem>>)
      %dma_wait3A_1259 = arith.constant 4 : i32
      %dma_wait3A_1260 = arith.constant 4 : i32
      %dma_wait3A_1261 = arith.constant 4 : i32
      %dma_wait3A_1262 = arith.constant 0 : i32
      %dma_wait3A_1263 = tpu.memref_slice %arg11[%dma_wait3A_1260, %dma_wait3A_1262] : memref<5x50xf32, #tpu.memory_space<vmem>> -> memref<1x50xf32, #tpu.memory_space<vmem>>
      %dma_wait3A_1264 = tpu.memref_squeeze %dma_wait3A_1263 : memref<1x50xf32, #tpu.memory_space<vmem>> -> memref<50xf32, #tpu.memory_space<vmem>>
      %dma_wait3A_1265 = arith.constant 0 : i32
      %dma_wait3A_1266 = tpu.memref_slice %arg9[%select_n3A_1015, %dma_wait3A_1259, %dma_wait3A_1265] : memref<2x5x50xi32, #tpu.memory_space<vmem>> -> memref<1x1x50xi32, #tpu.memory_space<vmem>>
      %dma_wait3A_1267 = tpu.memref_squeeze %dma_wait3A_1266 : memref<1x1x50xi32, #tpu.memory_space<vmem>> -> memref<50xi32, #tpu.memory_space<vmem>>
      %dma_wait3A_1268 = arith.constant 0 : i32
      %dma_wait3A_1269 = tpu.memref_slice %arg5[%dma_wait3A_1268] : memref<10240xf32, #tpu.memory_space<hbm>> -> memref<10240xf32, #tpu.memory_space<hbm>>
      %dma_wait3A_1270 = tpu.memref_slice %arg17[%dma_wait3A_1261] : memref<5x!tpu.dma_semaphore, #tpu.memory_space<semaphore_mem>> -> memref<1x!tpu.dma_semaphore, #tpu.memory_space<semaphore_mem>>
      %dma_wait3A_1271 = tpu.memref_squeeze %dma_wait3A_1270 : memref<1x!tpu.dma_semaphore, #tpu.memory_space<semaphore_mem>> -> memref<!tpu.dma_semaphore, #tpu.memory_space<semaphore_mem>>
      tpu.wait_indirect_dma semaphore(%dma_wait3A_1271 : memref<!tpu.dma_semaphore, #tpu.memory_space<semaphore_mem>>) src(%dma_wait3A_1269 : memref<10240xf32, #tpu.memory_space<hbm>>) dst(%dma_wait3A_1264 : memref<50xf32, #tpu.memory_space<vmem>>)
      %dma_start3A_1272 = arith.constant 4 : i32
      %dma_start3A_1273 = arith.constant 4 : i32
      %dma_start3A_1274 = arith.constant 4 : i32
      %dma_start3A_1275 = arith.constant 0 : i32
      %dma_start3A_1276 = arith.constant 0 : i32
      %dma_start3A_1277 = tpu.memref_slice %arg10[%dma_start3A_1272, %dma_start3A_1275, %dma_start3A_1276] : memref<5x50x128xf32, #tpu.memory_space<vmem>> -> memref<1x50x128xf32, #tpu.memory_space<vmem>>
      %dma_start3A_1278 = tpu.memref_squeeze %dma_start3A_1277 : memref<1x50x128xf32, #tpu.memory_space<vmem>> -> memref<50x128xf32, #tpu.memory_space<vmem>>
      %dma_start3A_1279 = arith.constant 0 : i32
      %dma_start3A_1280 = tpu.memref_slice %arg9[%select_n3A_1015, %dma_start3A_1273, %dma_start3A_1279] : memref<2x5x50xi32, #tpu.memory_space<vmem>> -> memref<1x1x50xi32, #tpu.memory_space<vmem>>
      %dma_start3A_1281 = tpu.memref_squeeze %dma_start3A_1280 : memref<1x1x50xi32, #tpu.memory_space<vmem>> -> memref<50xi32, #tpu.memory_space<vmem>>
      %dma_start3A_1282 = arith.constant 0 : i32
      %dma_start3A_1283 = arith.constant 0 : i32
      %dma_start3A_1284 = tpu.memref_slice %arg13[%dma_start3A_1282, %dma_start3A_1283] : memref<10240x128xf32, #tpu.memory_space<vmem_shared>> -> memref<10240x128xf32, #tpu.memory_space<vmem_shared>>
      %dma_start3A_1285 = tpu.memref_slice %arg16[%dma_start3A_1274] : memref<5x!tpu.dma_semaphore, #tpu.memory_space<semaphore_mem>> -> memref<1x!tpu.dma_semaphore, #tpu.memory_space<semaphore_mem>>
      %dma_start3A_1286 = tpu.memref_squeeze %dma_start3A_1285 : memref<1x!tpu.dma_semaphore, #tpu.memory_space<semaphore_mem>> -> memref<!tpu.dma_semaphore, #tpu.memory_space<semaphore_mem>>
      tpu.enqueue_indirect_dma source(%dma_start3A_1278 : memref<50x128xf32, #tpu.memory_space<vmem>>) target(%dma_start3A_1284 : memref<10240x128xf32, #tpu.memory_space<vmem_shared>>) offsets(%dma_start3A_1281 : memref<50xi32, #tpu.memory_space<vmem>>) semaphore(%dma_start3A_1286 : memref<!tpu.dma_semaphore, #tpu.memory_space<semaphore_mem>>) {add = true}
      %dma_start3A_1287 = arith.constant 4 : i32
      %dma_start3A_1288 = arith.constant 4 : i32
      %dma_start3A_1289 = arith.constant 4 : i32
      %dma_start3A_1290 = arith.constant 0 : i32
      %dma_start3A_1291 = tpu.memref_slice %arg11[%dma_start3A_1287, %dma_start3A_1290] : memref<5x50xf32, #tpu.memory_space<vmem>> -> memref<1x50xf32, #tpu.memory_space<vmem>>
      %dma_start3A_1292 = tpu.memref_squeeze %dma_start3A_1291 : memref<1x50xf32, #tpu.memory_space<vmem>> -> memref<50xf32, #tpu.memory_space<vmem>>
      %dma_start3A_1293 = arith.constant 0 : i32
      %dma_start3A_1294 = tpu.memref_slice %arg8[%select_n3A_1015, %dma_start3A_1288, %dma_start3A_1293] : memref<2x5x50xi32, #tpu.memory_space<vmem>> -> memref<1x1x50xi32, #tpu.memory_space<vmem>>
      %dma_start3A_1295 = tpu.memref_squeeze %dma_start3A_1294 : memref<1x1x50xi32, #tpu.memory_space<vmem>> -> memref<50xi32, #tpu.memory_space<vmem>>
      %dma_start3A_1296 = arith.constant 0 : i32
      %dma_start3A_1297 = tpu.memref_slice %arg14[%dma_start3A_1296] : memref<10240xf32, #tpu.memory_space<vmem_shared>> -> memref<10240xf32, #tpu.memory_space<vmem_shared>>
      %dma_start3A_1298 = tpu.memref_slice %arg18[%dma_start3A_1289] : memref<5x!tpu.dma_semaphore, #tpu.memory_space<semaphore_mem>> -> memref<1x!tpu.dma_semaphore, #tpu.memory_space<semaphore_mem>>
      %dma_start3A_1299 = tpu.memref_squeeze %dma_start3A_1298 : memref<1x!tpu.dma_semaphore, #tpu.memory_space<semaphore_mem>> -> memref<!tpu.dma_semaphore, #tpu.memory_space<semaphore_mem>>
      tpu.enqueue_indirect_dma source(%dma_start3A_1292 : memref<50xf32, #tpu.memory_space<vmem>>) target(%dma_start3A_1297 : memref<10240xf32, #tpu.memory_space<vmem_shared>>) offsets(%dma_start3A_1295 : memref<50xi32, #tpu.memory_space<vmem>>) semaphore(%dma_start3A_1299 : memref<!tpu.dma_semaphore, #tpu.memory_space<semaphore_mem>>) {add = true}
      %lt3A_1300 = arith.constant 39 : i32
      %lt3A_1301 = arith.cmpi slt, %scan3A_1005, %lt3A_1300 : i32
      %convert_element_type3A_1302 = arith.extui %lt3A_1301 : i1 to i32
      %cond3A_1303 = arith.constant 0 : i32
      %cond3A_1304 = arith.cmpi ne, %convert_element_type3A_1302, %cond3A_1303 : i32
      scf.if %cond3A_1304 {
        %mul3A_1306 = arith.constant 40 : i32
        %mul3A_1307 = arith.muli %add3A, %mul3A_1306 : i32
        %add3A_1308 = arith.addi %mul3A_1307, %scan3A_1005 : i32
        %add3A_1309 = arith.constant 1 : i32
        %add3A_1310 = arith.addi %add3A_1308, %add3A_1309 : i32
        %mul3A_1311 = arith.constant 2 : i32
        %mul3A_1312 = arith.muli %mul3A_1311, %sub3A_1016 : i32
        %dma_wait3A_1313 = arith.constant 0 : i32
        %dma_wait3A_1314 = arith.constant 0 : i32
        %dma_wait3A_1315 = tpu.memref_slice %arg8[%sub3A_1016, %dma_wait3A_1313, %dma_wait3A_1314] : memref<2x5x50xi32, #tpu.memory_space<vmem>> -> memref<1x5x50xi32, #tpu.memory_space<vmem>>
        %dma_wait3A_1316 = tpu.memref_squeeze %dma_wait3A_1315 : memref<1x5x50xi32, #tpu.memory_space<vmem>> -> memref<5x50xi32, #tpu.memory_space<vmem>>
        %dma_wait3A_1317 = arith.constant 0 : i32
        %dma_wait3A_1318 = arith.constant 0 : i32
        %dma_wait3A_1319 = tpu.memref_slice %arg3[%add3A_1310, %dma_wait3A_1317, %dma_wait3A_1318] : memref<1280x5x50xi32, #tpu.memory_space<hbm>> -> memref<1x5x50xi32, #tpu.memory_space<hbm>>
        %dma_wait3A_1320 = tpu.memref_squeeze %dma_wait3A_1319 : memref<1x5x50xi32, #tpu.memory_space<hbm>> -> memref<5x50xi32, #tpu.memory_space<hbm>>
        %dma_wait3A_1321 = tpu.memref_slice %arg19[%mul3A_1312] : memref<4x!tpu.dma_semaphore, #tpu.memory_space<semaphore_mem>> -> memref<1x!tpu.dma_semaphore, #tpu.memory_space<semaphore_mem>>
        %dma_wait3A_1322 = tpu.memref_squeeze %dma_wait3A_1321 : memref<1x!tpu.dma_semaphore, #tpu.memory_space<semaphore_mem>> -> memref<!tpu.dma_semaphore, #tpu.memory_space<semaphore_mem>>
        %dma_wait3A_1323 = arith.constant 0 : i32
        %dma_wait3A_1324 = arith.constant 0 : i32
        %dma_wait3A_1325 = tpu.memref_slice %arg8[%sub3A_1016, %dma_wait3A_1323, %dma_wait3A_1324] : memref<2x5x50xi32, #tpu.memory_space<vmem>> -> memref<1x5x50xi32, #tpu.memory_space<vmem>>
        %dma_wait3A_1326 = tpu.memref_squeeze %dma_wait3A_1325 : memref<1x5x50xi32, #tpu.memory_space<vmem>> -> memref<5x50xi32, #tpu.memory_space<vmem>>
        %dma_wait3A_1327 = arith.constant 0 : i32
        %dma_wait3A_1328 = arith.constant 0 : i32
        %dma_wait3A_1329 = tpu.memref_slice %arg3[%add3A_1310, %dma_wait3A_1327, %dma_wait3A_1328] : memref<1280x5x50xi32, #tpu.memory_space<hbm>> -> memref<1x5x50xi32, #tpu.memory_space<hbm>>
        %dma_wait3A_1330 = tpu.memref_squeeze %dma_wait3A_1329 : memref<1x5x50xi32, #tpu.memory_space<hbm>> -> memref<5x50xi32, #tpu.memory_space<hbm>>
        tpu.wait_dma2 semaphore(%dma_wait3A_1322 : memref<!tpu.dma_semaphore, #tpu.memory_space<semaphore_mem>>) src(%dma_wait3A_1330 : memref<5x50xi32, #tpu.memory_space<hbm>>) dst(%dma_wait3A_1326 : memref<5x50xi32, #tpu.memory_space<vmem>>)
        %mul3A_1331 = arith.constant 40 : i32
        %mul3A_1332 = arith.muli %add3A, %mul3A_1331 : i32
        %add3A_1333 = arith.addi %mul3A_1332, %scan3A_1005 : i32
        %add3A_1334 = arith.constant 1 : i32
        %add3A_1335 = arith.addi %add3A_1333, %add3A_1334 : i32
        %mul3A_1336 = arith.constant 2 : i32
        %mul3A_1337 = arith.muli %mul3A_1336, %sub3A_1016 : i32
        %add3A_1338 = arith.constant 1 : i32
        %add3A_1339 = arith.addi %mul3A_1337, %add3A_1338 : i32
        %dma_wait3A_1340 = arith.constant 0 : i32
        %dma_wait3A_1341 = arith.constant 0 : i32
        %dma_wait3A_1342 = tpu.memref_slice %arg9[%sub3A_1016, %dma_wait3A_1340, %dma_wait3A_1341] : memref<2x5x50xi32, #tpu.memory_space<vmem>> -> memref<1x5x50xi32, #tpu.memory_space<vmem>>
        %dma_wait3A_1343 = tpu.memref_squeeze %dma_wait3A_1342 : memref<1x5x50xi32, #tpu.memory_space<vmem>> -> memref<5x50xi32, #tpu.memory_space<vmem>>
        %dma_wait3A_1344 = arith.constant 0 : i32
        %dma_wait3A_1345 = arith.constant 0 : i32
        %dma_wait3A_1346 = tpu.memref_slice %arg4[%add3A_1335, %dma_wait3A_1344, %dma_wait3A_1345] : memref<1280x5x50xi32, #tpu.memory_space<hbm>> -> memref<1x5x50xi32, #tpu.memory_space<hbm>>
        %dma_wait3A_1347 = tpu.memref_squeeze %dma_wait3A_1346 : memref<1x5x50xi32, #tpu.memory_space<hbm>> -> memref<5x50xi32, #tpu.memory_space<hbm>>
        %dma_wait3A_1348 = tpu.memref_slice %arg19[%add3A_1339] : memref<4x!tpu.dma_semaphore, #tpu.memory_space<semaphore_mem>> -> memref<1x!tpu.dma_semaphore, #tpu.memory_space<semaphore_mem>>
        %dma_wait3A_1349 = tpu.memref_squeeze %dma_wait3A_1348 : memref<1x!tpu.dma_semaphore, #tpu.memory_space<semaphore_mem>> -> memref<!tpu.dma_semaphore, #tpu.memory_space<semaphore_mem>>
        %dma_wait3A_1350 = arith.constant 0 : i32
        %dma_wait3A_1351 = arith.constant 0 : i32
        %dma_wait3A_1352 = tpu.memref_slice %arg9[%sub3A_1016, %dma_wait3A_1350, %dma_wait3A_1351] : memref<2x5x50xi32, #tpu.memory_space<vmem>> -> memref<1x5x50xi32, #tpu.memory_space<vmem>>
        %dma_wait3A_1353 = tpu.memref_squeeze %dma_wait3A_1352 : memref<1x5x50xi32, #tpu.memory_space<vmem>> -> memref<5x50xi32, #tpu.memory_space<vmem>>
        %dma_wait3A_1354 = arith.constant 0 : i32
        %dma_wait3A_1355 = arith.constant 0 : i32
        %dma_wait3A_1356 = tpu.memref_slice %arg4[%add3A_1335, %dma_wait3A_1354, %dma_wait3A_1355] : memref<1280x5x50xi32, #tpu.memory_space<hbm>> -> memref<1x5x50xi32, #tpu.memory_space<hbm>>
        %dma_wait3A_1357 = tpu.memref_squeeze %dma_wait3A_1356 : memref<1x5x50xi32, #tpu.memory_space<hbm>> -> memref<5x50xi32, #tpu.memory_space<hbm>>
        tpu.wait_dma2 semaphore(%dma_wait3A_1349 : memref<!tpu.dma_semaphore, #tpu.memory_space<semaphore_mem>>) src(%dma_wait3A_1357 : memref<5x50xi32, #tpu.memory_space<hbm>>) dst(%dma_wait3A_1353 : memref<5x50xi32, #tpu.memory_space<vmem>>)
        %dma_wait3A_1358 = arith.constant 0 : i32
        %dma_wait3A_1359 = arith.constant 0 : i32
        %dma_wait3A_1360 = arith.constant 0 : i32
        %dma_wait3A_1361 = arith.constant 0 : i32
        %dma_wait3A_1362 = arith.constant 0 : i32
        %dma_wait3A_1363 = tpu.memref_slice %arg10[%dma_wait3A_1358, %dma_wait3A_1361, %dma_wait3A_1362] : memref<5x50x128xf32, #tpu.memory_space<vmem>> -> memref<1x50x128xf32, #tpu.memory_space<vmem>>
        %dma_wait3A_1364 = tpu.memref_squeeze %dma_wait3A_1363 : memref<1x50x128xf32, #tpu.memory_space<vmem>> -> memref<50x128xf32, #tpu.memory_space<vmem>>
        %dma_wait3A_1365 = arith.constant 0 : i32
        %dma_wait3A_1366 = tpu.memref_slice %arg9[%select_n3A_1015, %dma_wait3A_1359, %dma_wait3A_1365] : memref<2x5x50xi32, #tpu.memory_space<vmem>> -> memref<1x1x50xi32, #tpu.memory_space<vmem>>
        %dma_wait3A_1367 = tpu.memref_squeeze %dma_wait3A_1366 : memref<1x1x50xi32, #tpu.memory_space<vmem>> -> memref<50xi32, #tpu.memory_space<vmem>>
        %dma_wait3A_1368 = arith.constant 0 : i32
        %dma_wait3A_1369 = arith.constant 0 : i32
        %dma_wait3A_1370 = tpu.memref_slice %arg13[%dma_wait3A_1368, %dma_wait3A_1369] : memref<10240x128xf32, #tpu.memory_space<vmem_shared>> -> memref<10240x128xf32, #tpu.memory_space<vmem_shared>>
        %dma_wait3A_1371 = tpu.memref_slice %arg16[%dma_wait3A_1360] : memref<5x!tpu.dma_semaphore, #tpu.memory_space<semaphore_mem>> -> memref<1x!tpu.dma_semaphore, #tpu.memory_space<semaphore_mem>>
        %dma_wait3A_1372 = tpu.memref_squeeze %dma_wait3A_1371 : memref<1x!tpu.dma_semaphore, #tpu.memory_space<semaphore_mem>> -> memref<!tpu.dma_semaphore, #tpu.memory_space<semaphore_mem>>
        tpu.wait_indirect_dma semaphore(%dma_wait3A_1372 : memref<!tpu.dma_semaphore, #tpu.memory_space<semaphore_mem>>) src(%dma_wait3A_1364 : memref<50x128xf32, #tpu.memory_space<vmem>>) dst(%dma_wait3A_1370 : memref<10240x128xf32, #tpu.memory_space<vmem_shared>>)
        %dma_wait3A_1373 = arith.constant 0 : i32
        %dma_wait3A_1374 = arith.constant 0 : i32
        %dma_wait3A_1375 = arith.constant 0 : i32
        %dma_wait3A_1376 = arith.constant 0 : i32
        %dma_wait3A_1377 = tpu.memref_slice %arg11[%dma_wait3A_1373, %dma_wait3A_1376] : memref<5x50xf32, #tpu.memory_space<vmem>> -> memref<1x50xf32, #tpu.memory_space<vmem>>
        %dma_wait3A_1378 = tpu.memref_squeeze %dma_wait3A_1377 : memref<1x50xf32, #tpu.memory_space<vmem>> -> memref<50xf32, #tpu.memory_space<vmem>>
        %dma_wait3A_1379 = arith.constant 0 : i32
        %dma_wait3A_1380 = tpu.memref_slice %arg8[%select_n3A_1015, %dma_wait3A_1374, %dma_wait3A_1379] : memref<2x5x50xi32, #tpu.memory_space<vmem>> -> memref<1x1x50xi32, #tpu.memory_space<vmem>>
        %dma_wait3A_1381 = tpu.memref_squeeze %dma_wait3A_1380 : memref<1x1x50xi32, #tpu.memory_space<vmem>> -> memref<50xi32, #tpu.memory_space<vmem>>
        %dma_wait3A_1382 = arith.constant 0 : i32
        %dma_wait3A_1383 = tpu.memref_slice %arg14[%dma_wait3A_1382] : memref<10240xf32, #tpu.memory_space<vmem_shared>> -> memref<10240xf32, #tpu.memory_space<vmem_shared>>
        %dma_wait3A_1384 = tpu.memref_slice %arg18[%dma_wait3A_1375] : memref<5x!tpu.dma_semaphore, #tpu.memory_space<semaphore_mem>> -> memref<1x!tpu.dma_semaphore, #tpu.memory_space<semaphore_mem>>
        %dma_wait3A_1385 = tpu.memref_squeeze %dma_wait3A_1384 : memref<1x!tpu.dma_semaphore, #tpu.memory_space<semaphore_mem>> -> memref<!tpu.dma_semaphore, #tpu.memory_space<semaphore_mem>>
        tpu.wait_indirect_dma semaphore(%dma_wait3A_1385 : memref<!tpu.dma_semaphore, #tpu.memory_space<semaphore_mem>>) src(%dma_wait3A_1378 : memref<50xf32, #tpu.memory_space<vmem>>) dst(%dma_wait3A_1383 : memref<10240xf32, #tpu.memory_space<vmem_shared>>)
        %dma_start3A_1386 = arith.constant 0 : i32
        %dma_start3A_1387 = arith.constant 0 : i32
        %dma_start3A_1388 = arith.constant 0 : i32
        %dma_start3A_1389 = arith.constant 0 : i32
        %dma_start3A_1390 = arith.constant 0 : i32
        %dma_start3A_1391 = tpu.memref_slice %arg10[%dma_start3A_1387, %dma_start3A_1389, %dma_start3A_1390] : memref<5x50x128xf32, #tpu.memory_space<vmem>> -> memref<1x50x128xf32, #tpu.memory_space<vmem>>
        %dma_start3A_1392 = tpu.memref_squeeze %dma_start3A_1391 : memref<1x50x128xf32, #tpu.memory_space<vmem>> -> memref<50x128xf32, #tpu.memory_space<vmem>>
        %dma_start3A_1393 = arith.constant 0 : i32
        %dma_start3A_1394 = tpu.memref_slice %arg8[%sub3A_1016, %dma_start3A_1386, %dma_start3A_1393] : memref<2x5x50xi32, #tpu.memory_space<vmem>> -> memref<1x1x50xi32, #tpu.memory_space<vmem>>
        %dma_start3A_1395 = tpu.memref_squeeze %dma_start3A_1394 : memref<1x1x50xi32, #tpu.memory_space<vmem>> -> memref<50xi32, #tpu.memory_space<vmem>>
        %dma_start3A_1396 = arith.constant 0 : i32
        %dma_start3A_1397 = arith.constant 0 : i32
        %dma_start3A_1398 = tpu.memref_slice %arg2[%dma_start3A_1396, %dma_start3A_1397] : memref<10000x128xf32, #tpu.memory_space<hbm>> -> memref<10000x128xf32, #tpu.memory_space<hbm>>
        %dma_start3A_1399 = tpu.memref_slice %arg15[%dma_start3A_1388] : memref<5x!tpu.dma_semaphore, #tpu.memory_space<semaphore_mem>> -> memref<1x!tpu.dma_semaphore, #tpu.memory_space<semaphore_mem>>
        %dma_start3A_1400 = tpu.memref_squeeze %dma_start3A_1399 : memref<1x!tpu.dma_semaphore, #tpu.memory_space<semaphore_mem>> -> memref<!tpu.dma_semaphore, #tpu.memory_space<semaphore_mem>>
        tpu.enqueue_indirect_dma source(%dma_start3A_1398 : memref<10000x128xf32, #tpu.memory_space<hbm>>) target(%dma_start3A_1392 : memref<50x128xf32, #tpu.memory_space<vmem>>) offsets(%dma_start3A_1395 : memref<50xi32, #tpu.memory_space<vmem>>) semaphore(%dma_start3A_1400 : memref<!tpu.dma_semaphore, #tpu.memory_space<semaphore_mem>>)
        %dma_start3A_1401 = arith.constant 0 : i32
        %dma_start3A_1402 = arith.constant 0 : i32
        %dma_start3A_1403 = arith.constant 0 : i32
        %dma_start3A_1404 = arith.constant 0 : i32
        %dma_start3A_1405 = tpu.memref_slice %arg11[%dma_start3A_1402, %dma_start3A_1404] : memref<5x50xf32, #tpu.memory_space<vmem>> -> memref<1x50xf32, #tpu.memory_space<vmem>>
        %dma_start3A_1406 = tpu.memref_squeeze %dma_start3A_1405 : memref<1x50xf32, #tpu.memory_space<vmem>> -> memref<50xf32, #tpu.memory_space<vmem>>
        %dma_start3A_1407 = arith.constant 0 : i32
        %dma_start3A_1408 = tpu.memref_slice %arg9[%sub3A_1016, %dma_start3A_1401, %dma_start3A_1407] : memref<2x5x50xi32, #tpu.memory_space<vmem>> -> memref<1x1x50xi32, #tpu.memory_space<vmem>>
        %dma_start3A_1409 = tpu.memref_squeeze %dma_start3A_1408 : memref<1x1x50xi32, #tpu.memory_space<vmem>> -> memref<50xi32, #tpu.memory_space<vmem>>
        %dma_start3A_1410 = arith.constant 0 : i32
        %dma_start3A_1411 = tpu.memref_slice %arg5[%dma_start3A_1410] : memref<10240xf32, #tpu.memory_space<hbm>> -> memref<10240xf32, #tpu.memory_space<hbm>>
        %dma_start3A_1412 = tpu.memref_slice %arg17[%dma_start3A_1403] : memref<5x!tpu.dma_semaphore, #tpu.memory_space<semaphore_mem>> -> memref<1x!tpu.dma_semaphore, #tpu.memory_space<semaphore_mem>>
        %dma_start3A_1413 = tpu.memref_squeeze %dma_start3A_1412 : memref<1x!tpu.dma_semaphore, #tpu.memory_space<semaphore_mem>> -> memref<!tpu.dma_semaphore, #tpu.memory_space<semaphore_mem>>
        tpu.enqueue_indirect_dma source(%dma_start3A_1411 : memref<10240xf32, #tpu.memory_space<hbm>>) target(%dma_start3A_1406 : memref<50xf32, #tpu.memory_space<vmem>>) offsets(%dma_start3A_1409 : memref<50xi32, #tpu.memory_space<vmem>>) semaphore(%dma_start3A_1413 : memref<!tpu.dma_semaphore, #tpu.memory_space<semaphore_mem>>)
        %dma_wait3A_1414 = arith.constant 1 : i32
        %dma_wait3A_1415 = arith.constant 1 : i32
        %dma_wait3A_1416 = arith.constant 1 : i32
        %dma_wait3A_1417 = arith.constant 0 : i32
        %dma_wait3A_1418 = arith.constant 0 : i32
        %dma_wait3A_1419 = tpu.memref_slice %arg10[%dma_wait3A_1414, %dma_wait3A_1417, %dma_wait3A_1418] : memref<5x50x128xf32, #tpu.memory_space<vmem>> -> memref<1x50x128xf32, #tpu.memory_space<vmem>>
        %dma_wait3A_1420 = tpu.memref_squeeze %dma_wait3A_1419 : memref<1x50x128xf32, #tpu.memory_space<vmem>> -> memref<50x128xf32, #tpu.memory_space<vmem>>
        %dma_wait3A_1421 = arith.constant 0 : i32
        %dma_wait3A_1422 = tpu.memref_slice %arg9[%select_n3A_1015, %dma_wait3A_1415, %dma_wait3A_1421] : memref<2x5x50xi32, #tpu.memory_space<vmem>> -> memref<1x1x50xi32, #tpu.memory_space<vmem>>
        %dma_wait3A_1423 = tpu.memref_squeeze %dma_wait3A_1422 : memref<1x1x50xi32, #tpu.memory_space<vmem>> -> memref<50xi32, #tpu.memory_space<vmem>>
        %dma_wait3A_1424 = arith.constant 0 : i32
        %dma_wait3A_1425 = arith.constant 0 : i32
        %dma_wait3A_1426 = tpu.memref_slice %arg13[%dma_wait3A_1424, %dma_wait3A_1425] : memref<10240x128xf32, #tpu.memory_space<vmem_shared>> -> memref<10240x128xf32, #tpu.memory_space<vmem_shared>>
        %dma_wait3A_1427 = tpu.memref_slice %arg16[%dma_wait3A_1416] : memref<5x!tpu.dma_semaphore, #tpu.memory_space<semaphore_mem>> -> memref<1x!tpu.dma_semaphore, #tpu.memory_space<semaphore_mem>>
        %dma_wait3A_1428 = tpu.memref_squeeze %dma_wait3A_1427 : memref<1x!tpu.dma_semaphore, #tpu.memory_space<semaphore_mem>> -> memref<!tpu.dma_semaphore, #tpu.memory_space<semaphore_mem>>
        tpu.wait_indirect_dma semaphore(%dma_wait3A_1428 : memref<!tpu.dma_semaphore, #tpu.memory_space<semaphore_mem>>) src(%dma_wait3A_1420 : memref<50x128xf32, #tpu.memory_space<vmem>>) dst(%dma_wait3A_1426 : memref<10240x128xf32, #tpu.memory_space<vmem_shared>>)
        %dma_wait3A_1429 = arith.constant 1 : i32
        %dma_wait3A_1430 = arith.constant 1 : i32
        %dma_wait3A_1431 = arith.constant 1 : i32
        %dma_wait3A_1432 = arith.constant 0 : i32
        %dma_wait3A_1433 = tpu.memref_slice %arg11[%dma_wait3A_1429, %dma_wait3A_1432] : memref<5x50xf32, #tpu.memory_space<vmem>> -> memref<1x50xf32, #tpu.memory_space<vmem>>
        %dma_wait3A_1434 = tpu.memref_squeeze %dma_wait3A_1433 : memref<1x50xf32, #tpu.memory_space<vmem>> -> memref<50xf32, #tpu.memory_space<vmem>>
        %dma_wait3A_1435 = arith.constant 0 : i32
        %dma_wait3A_1436 = tpu.memref_slice %arg8[%select_n3A_1015, %dma_wait3A_1430, %dma_wait3A_1435] : memref<2x5x50xi32, #tpu.memory_space<vmem>> -> memref<1x1x50xi32, #tpu.memory_space<vmem>>
        %dma_wait3A_1437 = tpu.memref_squeeze %dma_wait3A_1436 : memref<1x1x50xi32, #tpu.memory_space<vmem>> -> memref<50xi32, #tpu.memory_space<vmem>>
        %dma_wait3A_1438 = arith.constant 0 : i32
        %dma_wait3A_1439 = tpu.memref_slice %arg14[%dma_wait3A_1438] : memref<10240xf32, #tpu.memory_space<vmem_shared>> -> memref<10240xf32, #tpu.memory_space<vmem_shared>>
        %dma_wait3A_1440 = tpu.memref_slice %arg18[%dma_wait3A_1431] : memref<5x!tpu.dma_semaphore, #tpu.memory_space<semaphore_mem>> -> memref<1x!tpu.dma_semaphore, #tpu.memory_space<semaphore_mem>>
        %dma_wait3A_1441 = tpu.memref_squeeze %dma_wait3A_1440 : memref<1x!tpu.dma_semaphore, #tpu.memory_space<semaphore_mem>> -> memref<!tpu.dma_semaphore, #tpu.memory_space<semaphore_mem>>
        tpu.wait_indirect_dma semaphore(%dma_wait3A_1441 : memref<!tpu.dma_semaphore, #tpu.memory_space<semaphore_mem>>) src(%dma_wait3A_1434 : memref<50xf32, #tpu.memory_space<vmem>>) dst(%dma_wait3A_1439 : memref<10240xf32, #tpu.memory_space<vmem_shared>>)
        %dma_start3A_1442 = arith.constant 1 : i32
        %dma_start3A_1443 = arith.constant 1 : i32
        %dma_start3A_1444 = arith.constant 1 : i32
        %dma_start3A_1445 = arith.constant 0 : i32
        %dma_start3A_1446 = arith.constant 0 : i32
        %dma_start3A_1447 = tpu.memref_slice %arg10[%dma_start3A_1443, %dma_start3A_1445, %dma_start3A_1446] : memref<5x50x128xf32, #tpu.memory_space<vmem>> -> memref<1x50x128xf32, #tpu.memory_space<vmem>>
        %dma_start3A_1448 = tpu.memref_squeeze %dma_start3A_1447 : memref<1x50x128xf32, #tpu.memory_space<vmem>> -> memref<50x128xf32, #tpu.memory_space<vmem>>
        %dma_start3A_1449 = arith.constant 0 : i32
        %dma_start3A_1450 = tpu.memref_slice %arg8[%sub3A_1016, %dma_start3A_1442, %dma_start3A_1449] : memref<2x5x50xi32, #tpu.memory_space<vmem>> -> memref<1x1x50xi32, #tpu.memory_space<vmem>>
        %dma_start3A_1451 = tpu.memref_squeeze %dma_start3A_1450 : memref<1x1x50xi32, #tpu.memory_space<vmem>> -> memref<50xi32, #tpu.memory_space<vmem>>
        %dma_start3A_1452 = arith.constant 0 : i32
        %dma_start3A_1453 = arith.constant 0 : i32
        %dma_start3A_1454 = tpu.memref_slice %arg2[%dma_start3A_1452, %dma_start3A_1453] : memref<10000x128xf32, #tpu.memory_space<hbm>> -> memref<10000x128xf32, #tpu.memory_space<hbm>>
        %dma_start3A_1455 = tpu.memref_slice %arg15[%dma_start3A_1444] : memref<5x!tpu.dma_semaphore, #tpu.memory_space<semaphore_mem>> -> memref<1x!tpu.dma_semaphore, #tpu.memory_space<semaphore_mem>>
        %dma_start3A_1456 = tpu.memref_squeeze %dma_start3A_1455 : memref<1x!tpu.dma_semaphore, #tpu.memory_space<semaphore_mem>> -> memref<!tpu.dma_semaphore, #tpu.memory_space<semaphore_mem>>
        tpu.enqueue_indirect_dma source(%dma_start3A_1454 : memref<10000x128xf32, #tpu.memory_space<hbm>>) target(%dma_start3A_1448 : memref<50x128xf32, #tpu.memory_space<vmem>>) offsets(%dma_start3A_1451 : memref<50xi32, #tpu.memory_space<vmem>>) semaphore(%dma_start3A_1456 : memref<!tpu.dma_semaphore, #tpu.memory_space<semaphore_mem>>)
        %dma_start3A_1457 = arith.constant 1 : i32
        %dma_start3A_1458 = arith.constant 1 : i32
        %dma_start3A_1459 = arith.constant 1 : i32
        %dma_start3A_1460 = arith.constant 0 : i32
        %dma_start3A_1461 = tpu.memref_slice %arg11[%dma_start3A_1458, %dma_start3A_1460] : memref<5x50xf32, #tpu.memory_space<vmem>> -> memref<1x50xf32, #tpu.memory_space<vmem>>
        %dma_start3A_1462 = tpu.memref_squeeze %dma_start3A_1461 : memref<1x50xf32, #tpu.memory_space<vmem>> -> memref<50xf32, #tpu.memory_space<vmem>>
        %dma_start3A_1463 = arith.constant 0 : i32
        %dma_start3A_1464 = tpu.memref_slice %arg9[%sub3A_1016, %dma_start3A_1457, %dma_start3A_1463] : memref<2x5x50xi32, #tpu.memory_space<vmem>> -> memref<1x1x50xi32, #tpu.memory_space<vmem>>
        %dma_start3A_1465 = tpu.memref_squeeze %dma_start3A_1464 : memref<1x1x50xi32, #tpu.memory_space<vmem>> -> memref<50xi32, #tpu.memory_space<vmem>>
        %dma_start3A_1466 = arith.constant 0 : i32
        %dma_start3A_1467 = tpu.memref_slice %arg5[%dma_start3A_1466] : memref<10240xf32, #tpu.memory_space<hbm>> -> memref<10240xf32, #tpu.memory_space<hbm>>
        %dma_start3A_1468 = tpu.memref_slice %arg17[%dma_start3A_1459] : memref<5x!tpu.dma_semaphore, #tpu.memory_space<semaphore_mem>> -> memref<1x!tpu.dma_semaphore, #tpu.memory_space<semaphore_mem>>
        %dma_start3A_1469 = tpu.memref_squeeze %dma_start3A_1468 : memref<1x!tpu.dma_semaphore, #tpu.memory_space<semaphore_mem>> -> memref<!tpu.dma_semaphore, #tpu.memory_space<semaphore_mem>>
        tpu.enqueue_indirect_dma source(%dma_start3A_1467 : memref<10240xf32, #tpu.memory_space<hbm>>) target(%dma_start3A_1462 : memref<50xf32, #tpu.memory_space<vmem>>) offsets(%dma_start3A_1465 : memref<50xi32, #tpu.memory_space<vmem>>) semaphore(%dma_start3A_1469 : memref<!tpu.dma_semaphore, #tpu.memory_space<semaphore_mem>>)
        %dma_wait3A_1470 = arith.constant 2 : i32
        %dma_wait3A_1471 = arith.constant 2 : i32
        %dma_wait3A_1472 = arith.constant 2 : i32
        %dma_wait3A_1473 = arith.constant 0 : i32
        %dma_wait3A_1474 = arith.constant 0 : i32
        %dma_wait3A_1475 = tpu.memref_slice %arg10[%dma_wait3A_1470, %dma_wait3A_1473, %dma_wait3A_1474] : memref<5x50x128xf32, #tpu.memory_space<vmem>> -> memref<1x50x128xf32, #tpu.memory_space<vmem>>
        %dma_wait3A_1476 = tpu.memref_squeeze %dma_wait3A_1475 : memref<1x50x128xf32, #tpu.memory_space<vmem>> -> memref<50x128xf32, #tpu.memory_space<vmem>>
        %dma_wait3A_1477 = arith.constant 0 : i32
        %dma_wait3A_1478 = tpu.memref_slice %arg9[%select_n3A_1015, %dma_wait3A_1471, %dma_wait3A_1477] : memref<2x5x50xi32, #tpu.memory_space<vmem>> -> memref<1x1x50xi32, #tpu.memory_space<vmem>>
        %dma_wait3A_1479 = tpu.memref_squeeze %dma_wait3A_1478 : memref<1x1x50xi32, #tpu.memory_space<vmem>> -> memref<50xi32, #tpu.memory_space<vmem>>
        %dma_wait3A_1480 = arith.constant 0 : i32
        %dma_wait3A_1481 = arith.constant 0 : i32
        %dma_wait3A_1482 = tpu.memref_slice %arg13[%dma_wait3A_1480, %dma_wait3A_1481] : memref<10240x128xf32, #tpu.memory_space<vmem_shared>> -> memref<10240x128xf32, #tpu.memory_space<vmem_shared>>
        %dma_wait3A_1483 = tpu.memref_slice %arg16[%dma_wait3A_1472] : memref<5x!tpu.dma_semaphore, #tpu.memory_space<semaphore_mem>> -> memref<1x!tpu.dma_semaphore, #tpu.memory_space<semaphore_mem>>
        %dma_wait3A_1484 = tpu.memref_squeeze %dma_wait3A_1483 : memref<1x!tpu.dma_semaphore, #tpu.memory_space<semaphore_mem>> -> memref<!tpu.dma_semaphore, #tpu.memory_space<semaphore_mem>>
        tpu.wait_indirect_dma semaphore(%dma_wait3A_1484 : memref<!tpu.dma_semaphore, #tpu.memory_space<semaphore_mem>>) src(%dma_wait3A_1476 : memref<50x128xf32, #tpu.memory_space<vmem>>) dst(%dma_wait3A_1482 : memref<10240x128xf32, #tpu.memory_space<vmem_shared>>)
        %dma_wait3A_1485 = arith.constant 2 : i32
        %dma_wait3A_1486 = arith.constant 2 : i32
        %dma_wait3A_1487 = arith.constant 2 : i32
        %dma_wait3A_1488 = arith.constant 0 : i32
        %dma_wait3A_1489 = tpu.memref_slice %arg11[%dma_wait3A_1485, %dma_wait3A_1488] : memref<5x50xf32, #tpu.memory_space<vmem>> -> memref<1x50xf32, #tpu.memory_space<vmem>>
        %dma_wait3A_1490 = tpu.memref_squeeze %dma_wait3A_1489 : memref<1x50xf32, #tpu.memory_space<vmem>> -> memref<50xf32, #tpu.memory_space<vmem>>
        %dma_wait3A_1491 = arith.constant 0 : i32
        %dma_wait3A_1492 = tpu.memref_slice %arg8[%select_n3A_1015, %dma_wait3A_1486, %dma_wait3A_1491] : memref<2x5x50xi32, #tpu.memory_space<vmem>> -> memref<1x1x50xi32, #tpu.memory_space<vmem>>
        %dma_wait3A_1493 = tpu.memref_squeeze %dma_wait3A_1492 : memref<1x1x50xi32, #tpu.memory_space<vmem>> -> memref<50xi32, #tpu.memory_space<vmem>>
        %dma_wait3A_1494 = arith.constant 0 : i32
        %dma_wait3A_1495 = tpu.memref_slice %arg14[%dma_wait3A_1494] : memref<10240xf32, #tpu.memory_space<vmem_shared>> -> memref<10240xf32, #tpu.memory_space<vmem_shared>>
        %dma_wait3A_1496 = tpu.memref_slice %arg18[%dma_wait3A_1487] : memref<5x!tpu.dma_semaphore, #tpu.memory_space<semaphore_mem>> -> memref<1x!tpu.dma_semaphore, #tpu.memory_space<semaphore_mem>>
        %dma_wait3A_1497 = tpu.memref_squeeze %dma_wait3A_1496 : memref<1x!tpu.dma_semaphore, #tpu.memory_space<semaphore_mem>> -> memref<!tpu.dma_semaphore, #tpu.memory_space<semaphore_mem>>
        tpu.wait_indirect_dma semaphore(%dma_wait3A_1497 : memref<!tpu.dma_semaphore, #tpu.memory_space<semaphore_mem>>) src(%dma_wait3A_1490 : memref<50xf32, #tpu.memory_space<vmem>>) dst(%dma_wait3A_1495 : memref<10240xf32, #tpu.memory_space<vmem_shared>>)
        %dma_start3A_1498 = arith.constant 2 : i32
        %dma_start3A_1499 = arith.constant 2 : i32
        %dma_start3A_1500 = arith.constant 2 : i32
        %dma_start3A_1501 = arith.constant 0 : i32
        %dma_start3A_1502 = arith.constant 0 : i32
        %dma_start3A_1503 = tpu.memref_slice %arg10[%dma_start3A_1499, %dma_start3A_1501, %dma_start3A_1502] : memref<5x50x128xf32, #tpu.memory_space<vmem>> -> memref<1x50x128xf32, #tpu.memory_space<vmem>>
        %dma_start3A_1504 = tpu.memref_squeeze %dma_start3A_1503 : memref<1x50x128xf32, #tpu.memory_space<vmem>> -> memref<50x128xf32, #tpu.memory_space<vmem>>
        %dma_start3A_1505 = arith.constant 0 : i32
        %dma_start3A_1506 = tpu.memref_slice %arg8[%sub3A_1016, %dma_start3A_1498, %dma_start3A_1505] : memref<2x5x50xi32, #tpu.memory_space<vmem>> -> memref<1x1x50xi32, #tpu.memory_space<vmem>>
        %dma_start3A_1507 = tpu.memref_squeeze %dma_start3A_1506 : memref<1x1x50xi32, #tpu.memory_space<vmem>> -> memref<50xi32, #tpu.memory_space<vmem>>
        %dma_start3A_1508 = arith.constant 0 : i32
        %dma_start3A_1509 = arith.constant 0 : i32
        %dma_start3A_1510 = tpu.memref_slice %arg2[%dma_start3A_1508, %dma_start3A_1509] : memref<10000x128xf32, #tpu.memory_space<hbm>> -> memref<10000x128xf32, #tpu.memory_space<hbm>>
        %dma_start3A_1511 = tpu.memref_slice %arg15[%dma_start3A_1500] : memref<5x!tpu.dma_semaphore, #tpu.memory_space<semaphore_mem>> -> memref<1x!tpu.dma_semaphore, #tpu.memory_space<semaphore_mem>>
        %dma_start3A_1512 = tpu.memref_squeeze %dma_start3A_1511 : memref<1x!tpu.dma_semaphore, #tpu.memory_space<semaphore_mem>> -> memref<!tpu.dma_semaphore, #tpu.memory_space<semaphore_mem>>
        tpu.enqueue_indirect_dma source(%dma_start3A_1510 : memref<10000x128xf32, #tpu.memory_space<hbm>>) target(%dma_start3A_1504 : memref<50x128xf32, #tpu.memory_space<vmem>>) offsets(%dma_start3A_1507 : memref<50xi32, #tpu.memory_space<vmem>>) semaphore(%dma_start3A_1512 : memref<!tpu.dma_semaphore, #tpu.memory_space<semaphore_mem>>)
        %dma_start3A_1513 = arith.constant 2 : i32
        %dma_start3A_1514 = arith.constant 2 : i32
        %dma_start3A_1515 = arith.constant 2 : i32
        %dma_start3A_1516 = arith.constant 0 : i32
        %dma_start3A_1517 = tpu.memref_slice %arg11[%dma_start3A_1514, %dma_start3A_1516] : memref<5x50xf32, #tpu.memory_space<vmem>> -> memref<1x50xf32, #tpu.memory_space<vmem>>
        %dma_start3A_1518 = tpu.memref_squeeze %dma_start3A_1517 : memref<1x50xf32, #tpu.memory_space<vmem>> -> memref<50xf32, #tpu.memory_space<vmem>>
        %dma_start3A_1519 = arith.constant 0 : i32
        %dma_start3A_1520 = tpu.memref_slice %arg9[%sub3A_1016, %dma_start3A_1513, %dma_start3A_1519] : memref<2x5x50xi32, #tpu.memory_space<vmem>> -> memref<1x1x50xi32, #tpu.memory_space<vmem>>
        %dma_start3A_1521 = tpu.memref_squeeze %dma_start3A_1520 : memref<1x1x50xi32, #tpu.memory_space<vmem>> -> memref<50xi32, #tpu.memory_space<vmem>>
        %dma_start3A_1522 = arith.constant 0 : i32
        %dma_start3A_1523 = tpu.memref_slice %arg5[%dma_start3A_1522] : memref<10240xf32, #tpu.memory_space<hbm>> -> memref<10240xf32, #tpu.memory_space<hbm>>
        %dma_start3A_1524 = tpu.memref_slice %arg17[%dma_start3A_1515] : memref<5x!tpu.dma_semaphore, #tpu.memory_space<semaphore_mem>> -> memref<1x!tpu.dma_semaphore, #tpu.memory_space<semaphore_mem>>
        %dma_start3A_1525 = tpu.memref_squeeze %dma_start3A_1524 : memref<1x!tpu.dma_semaphore, #tpu.memory_space<semaphore_mem>> -> memref<!tpu.dma_semaphore, #tpu.memory_space<semaphore_mem>>
        tpu.enqueue_indirect_dma source(%dma_start3A_1523 : memref<10240xf32, #tpu.memory_space<hbm>>) target(%dma_start3A_1518 : memref<50xf32, #tpu.memory_space<vmem>>) offsets(%dma_start3A_1521 : memref<50xi32, #tpu.memory_space<vmem>>) semaphore(%dma_start3A_1525 : memref<!tpu.dma_semaphore, #tpu.memory_space<semaphore_mem>>)
        %dma_wait3A_1526 = arith.constant 3 : i32
        %dma_wait3A_1527 = arith.constant 3 : i32
        %dma_wait3A_1528 = arith.constant 3 : i32
        %dma_wait3A_1529 = arith.constant 0 : i32
        %dma_wait3A_1530 = arith.constant 0 : i32
        %dma_wait3A_1531 = tpu.memref_slice %arg10[%dma_wait3A_1526, %dma_wait3A_1529, %dma_wait3A_1530] : memref<5x50x128xf32, #tpu.memory_space<vmem>> -> memref<1x50x128xf32, #tpu.memory_space<vmem>>
        %dma_wait3A_1532 = tpu.memref_squeeze %dma_wait3A_1531 : memref<1x50x128xf32, #tpu.memory_space<vmem>> -> memref<50x128xf32, #tpu.memory_space<vmem>>
        %dma_wait3A_1533 = arith.constant 0 : i32
        %dma_wait3A_1534 = tpu.memref_slice %arg9[%select_n3A_1015, %dma_wait3A_1527, %dma_wait3A_1533] : memref<2x5x50xi32, #tpu.memory_space<vmem>> -> memref<1x1x50xi32, #tpu.memory_space<vmem>>
        %dma_wait3A_1535 = tpu.memref_squeeze %dma_wait3A_1534 : memref<1x1x50xi32, #tpu.memory_space<vmem>> -> memref<50xi32, #tpu.memory_space<vmem>>
        %dma_wait3A_1536 = arith.constant 0 : i32
        %dma_wait3A_1537 = arith.constant 0 : i32
        %dma_wait3A_1538 = tpu.memref_slice %arg13[%dma_wait3A_1536, %dma_wait3A_1537] : memref<10240x128xf32, #tpu.memory_space<vmem_shared>> -> memref<10240x128xf32, #tpu.memory_space<vmem_shared>>
        %dma_wait3A_1539 = tpu.memref_slice %arg16[%dma_wait3A_1528] : memref<5x!tpu.dma_semaphore, #tpu.memory_space<semaphore_mem>> -> memref<1x!tpu.dma_semaphore, #tpu.memory_space<semaphore_mem>>
        %dma_wait3A_1540 = tpu.memref_squeeze %dma_wait3A_1539 : memref<1x!tpu.dma_semaphore, #tpu.memory_space<semaphore_mem>> -> memref<!tpu.dma_semaphore, #tpu.memory_space<semaphore_mem>>
        tpu.wait_indirect_dma semaphore(%dma_wait3A_1540 : memref<!tpu.dma_semaphore, #tpu.memory_space<semaphore_mem>>) src(%dma_wait3A_1532 : memref<50x128xf32, #tpu.memory_space<vmem>>) dst(%dma_wait3A_1538 : memref<10240x128xf32, #tpu.memory_space<vmem_shared>>)
        %dma_wait3A_1541 = arith.constant 3 : i32
        %dma_wait3A_1542 = arith.constant 3 : i32
        %dma_wait3A_1543 = arith.constant 3 : i32
        %dma_wait3A_1544 = arith.constant 0 : i32
        %dma_wait3A_1545 = tpu.memref_slice %arg11[%dma_wait3A_1541, %dma_wait3A_1544] : memref<5x50xf32, #tpu.memory_space<vmem>> -> memref<1x50xf32, #tpu.memory_space<vmem>>
        %dma_wait3A_1546 = tpu.memref_squeeze %dma_wait3A_1545 : memref<1x50xf32, #tpu.memory_space<vmem>> -> memref<50xf32, #tpu.memory_space<vmem>>
        %dma_wait3A_1547 = arith.constant 0 : i32
        %dma_wait3A_1548 = tpu.memref_slice %arg8[%select_n3A_1015, %dma_wait3A_1542, %dma_wait3A_1547] : memref<2x5x50xi32, #tpu.memory_space<vmem>> -> memref<1x1x50xi32, #tpu.memory_space<vmem>>
        %dma_wait3A_1549 = tpu.memref_squeeze %dma_wait3A_1548 : memref<1x1x50xi32, #tpu.memory_space<vmem>> -> memref<50xi32, #tpu.memory_space<vmem>>
        %dma_wait3A_1550 = arith.constant 0 : i32
        %dma_wait3A_1551 = tpu.memref_slice %arg14[%dma_wait3A_1550] : memref<10240xf32, #tpu.memory_space<vmem_shared>> -> memref<10240xf32, #tpu.memory_space<vmem_shared>>
        %dma_wait3A_1552 = tpu.memref_slice %arg18[%dma_wait3A_1543] : memref<5x!tpu.dma_semaphore, #tpu.memory_space<semaphore_mem>> -> memref<1x!tpu.dma_semaphore, #tpu.memory_space<semaphore_mem>>
        %dma_wait3A_1553 = tpu.memref_squeeze %dma_wait3A_1552 : memref<1x!tpu.dma_semaphore, #tpu.memory_space<semaphore_mem>> -> memref<!tpu.dma_semaphore, #tpu.memory_space<semaphore_mem>>
        tpu.wait_indirect_dma semaphore(%dma_wait3A_1553 : memref<!tpu.dma_semaphore, #tpu.memory_space<semaphore_mem>>) src(%dma_wait3A_1546 : memref<50xf32, #tpu.memory_space<vmem>>) dst(%dma_wait3A_1551 : memref<10240xf32, #tpu.memory_space<vmem_shared>>)
        %dma_start3A_1554 = arith.constant 3 : i32
        %dma_start3A_1555 = arith.constant 3 : i32
        %dma_start3A_1556 = arith.constant 3 : i32
        %dma_start3A_1557 = arith.constant 0 : i32
        %dma_start3A_1558 = arith.constant 0 : i32
        %dma_start3A_1559 = tpu.memref_slice %arg10[%dma_start3A_1555, %dma_start3A_1557, %dma_start3A_1558] : memref<5x50x128xf32, #tpu.memory_space<vmem>> -> memref<1x50x128xf32, #tpu.memory_space<vmem>>
        %dma_start3A_1560 = tpu.memref_squeeze %dma_start3A_1559 : memref<1x50x128xf32, #tpu.memory_space<vmem>> -> memref<50x128xf32, #tpu.memory_space<vmem>>
        %dma_start3A_1561 = arith.constant 0 : i32
        %dma_start3A_1562 = tpu.memref_slice %arg8[%sub3A_1016, %dma_start3A_1554, %dma_start3A_1561] : memref<2x5x50xi32, #tpu.memory_space<vmem>> -> memref<1x1x50xi32, #tpu.memory_space<vmem>>
        %dma_start3A_1563 = tpu.memref_squeeze %dma_start3A_1562 : memref<1x1x50xi32, #tpu.memory_space<vmem>> -> memref<50xi32, #tpu.memory_space<vmem>>
        %dma_start3A_1564 = arith.constant 0 : i32
        %dma_start3A_1565 = arith.constant 0 : i32
        %dma_start3A_1566 = tpu.memref_slice %arg2[%dma_start3A_1564, %dma_start3A_1565] : memref<10000x128xf32, #tpu.memory_space<hbm>> -> memref<10000x128xf32, #tpu.memory_space<hbm>>
        %dma_start3A_1567 = tpu.memref_slice %arg15[%dma_start3A_1556] : memref<5x!tpu.dma_semaphore, #tpu.memory_space<semaphore_mem>> -> memref<1x!tpu.dma_semaphore, #tpu.memory_space<semaphore_mem>>
        %dma_start3A_1568 = tpu.memref_squeeze %dma_start3A_1567 : memref<1x!tpu.dma_semaphore, #tpu.memory_space<semaphore_mem>> -> memref<!tpu.dma_semaphore, #tpu.memory_space<semaphore_mem>>
        tpu.enqueue_indirect_dma source(%dma_start3A_1566 : memref<10000x128xf32, #tpu.memory_space<hbm>>) target(%dma_start3A_1560 : memref<50x128xf32, #tpu.memory_space<vmem>>) offsets(%dma_start3A_1563 : memref<50xi32, #tpu.memory_space<vmem>>) semaphore(%dma_start3A_1568 : memref<!tpu.dma_semaphore, #tpu.memory_space<semaphore_mem>>)
        %dma_start3A_1569 = arith.constant 3 : i32
        %dma_start3A_1570 = arith.constant 3 : i32
        %dma_start3A_1571 = arith.constant 3 : i32
        %dma_start3A_1572 = arith.constant 0 : i32
        %dma_start3A_1573 = tpu.memref_slice %arg11[%dma_start3A_1570, %dma_start3A_1572] : memref<5x50xf32, #tpu.memory_space<vmem>> -> memref<1x50xf32, #tpu.memory_space<vmem>>
        %dma_start3A_1574 = tpu.memref_squeeze %dma_start3A_1573 : memref<1x50xf32, #tpu.memory_space<vmem>> -> memref<50xf32, #tpu.memory_space<vmem>>
        %dma_start3A_1575 = arith.constant 0 : i32
        %dma_start3A_1576 = tpu.memref_slice %arg9[%sub3A_1016, %dma_start3A_1569, %dma_start3A_1575] : memref<2x5x50xi32, #tpu.memory_space<vmem>> -> memref<1x1x50xi32, #tpu.memory_space<vmem>>
        %dma_start3A_1577 = tpu.memref_squeeze %dma_start3A_1576 : memref<1x1x50xi32, #tpu.memory_space<vmem>> -> memref<50xi32, #tpu.memory_space<vmem>>
        %dma_start3A_1578 = arith.constant 0 : i32
        %dma_start3A_1579 = tpu.memref_slice %arg5[%dma_start3A_1578] : memref<10240xf32, #tpu.memory_space<hbm>> -> memref<10240xf32, #tpu.memory_space<hbm>>
        %dma_start3A_1580 = tpu.memref_slice %arg17[%dma_start3A_1571] : memref<5x!tpu.dma_semaphore, #tpu.memory_space<semaphore_mem>> -> memref<1x!tpu.dma_semaphore, #tpu.memory_space<semaphore_mem>>
        %dma_start3A_1581 = tpu.memref_squeeze %dma_start3A_1580 : memref<1x!tpu.dma_semaphore, #tpu.memory_space<semaphore_mem>> -> memref<!tpu.dma_semaphore, #tpu.memory_space<semaphore_mem>>
        tpu.enqueue_indirect_dma source(%dma_start3A_1579 : memref<10240xf32, #tpu.memory_space<hbm>>) target(%dma_start3A_1574 : memref<50xf32, #tpu.memory_space<vmem>>) offsets(%dma_start3A_1577 : memref<50xi32, #tpu.memory_space<vmem>>) semaphore(%dma_start3A_1581 : memref<!tpu.dma_semaphore, #tpu.memory_space<semaphore_mem>>)
        %dma_wait3A_1582 = arith.constant 4 : i32
        %dma_wait3A_1583 = arith.constant 4 : i32
        %dma_wait3A_1584 = arith.constant 4 : i32
        %dma_wait3A_1585 = arith.constant 0 : i32
        %dma_wait3A_1586 = arith.constant 0 : i32
        %dma_wait3A_1587 = tpu.memref_slice %arg10[%dma_wait3A_1582, %dma_wait3A_1585, %dma_wait3A_1586] : memref<5x50x128xf32, #tpu.memory_space<vmem>> -> memref<1x50x128xf32, #tpu.memory_space<vmem>>
        %dma_wait3A_1588 = tpu.memref_squeeze %dma_wait3A_1587 : memref<1x50x128xf32, #tpu.memory_space<vmem>> -> memref<50x128xf32, #tpu.memory_space<vmem>>
        %dma_wait3A_1589 = arith.constant 0 : i32
        %dma_wait3A_1590 = tpu.memref_slice %arg9[%select_n3A_1015, %dma_wait3A_1583, %dma_wait3A_1589] : memref<2x5x50xi32, #tpu.memory_space<vmem>> -> memref<1x1x50xi32, #tpu.memory_space<vmem>>
        %dma_wait3A_1591 = tpu.memref_squeeze %dma_wait3A_1590 : memref<1x1x50xi32, #tpu.memory_space<vmem>> -> memref<50xi32, #tpu.memory_space<vmem>>
        %dma_wait3A_1592 = arith.constant 0 : i32
        %dma_wait3A_1593 = arith.constant 0 : i32
        %dma_wait3A_1594 = tpu.memref_slice %arg13[%dma_wait3A_1592, %dma_wait3A_1593] : memref<10240x128xf32, #tpu.memory_space<vmem_shared>> -> memref<10240x128xf32, #tpu.memory_space<vmem_shared>>
        %dma_wait3A_1595 = tpu.memref_slice %arg16[%dma_wait3A_1584] : memref<5x!tpu.dma_semaphore, #tpu.memory_space<semaphore_mem>> -> memref<1x!tpu.dma_semaphore, #tpu.memory_space<semaphore_mem>>
        %dma_wait3A_1596 = tpu.memref_squeeze %dma_wait3A_1595 : memref<1x!tpu.dma_semaphore, #tpu.memory_space<semaphore_mem>> -> memref<!tpu.dma_semaphore, #tpu.memory_space<semaphore_mem>>
        tpu.wait_indirect_dma semaphore(%dma_wait3A_1596 : memref<!tpu.dma_semaphore, #tpu.memory_space<semaphore_mem>>) src(%dma_wait3A_1588 : memref<50x128xf32, #tpu.memory_space<vmem>>) dst(%dma_wait3A_1594 : memref<10240x128xf32, #tpu.memory_space<vmem_shared>>)
        %dma_wait3A_1597 = arith.constant 4 : i32
        %dma_wait3A_1598 = arith.constant 4 : i32
        %dma_wait3A_1599 = arith.constant 4 : i32
        %dma_wait3A_1600 = arith.constant 0 : i32
        %dma_wait3A_1601 = tpu.memref_slice %arg11[%dma_wait3A_1597, %dma_wait3A_1600] : memref<5x50xf32, #tpu.memory_space<vmem>> -> memref<1x50xf32, #tpu.memory_space<vmem>>
        %dma_wait3A_1602 = tpu.memref_squeeze %dma_wait3A_1601 : memref<1x50xf32, #tpu.memory_space<vmem>> -> memref<50xf32, #tpu.memory_space<vmem>>
        %dma_wait3A_1603 = arith.constant 0 : i32
        %dma_wait3A_1604 = tpu.memref_slice %arg8[%select_n3A_1015, %dma_wait3A_1598, %dma_wait3A_1603] : memref<2x5x50xi32, #tpu.memory_space<vmem>> -> memref<1x1x50xi32, #tpu.memory_space<vmem>>
        %dma_wait3A_1605 = tpu.memref_squeeze %dma_wait3A_1604 : memref<1x1x50xi32, #tpu.memory_space<vmem>> -> memref<50xi32, #tpu.memory_space<vmem>>
        %dma_wait3A_1606 = arith.constant 0 : i32
        %dma_wait3A_1607 = tpu.memref_slice %arg14[%dma_wait3A_1606] : memref<10240xf32, #tpu.memory_space<vmem_shared>> -> memref<10240xf32, #tpu.memory_space<vmem_shared>>
        %dma_wait3A_1608 = tpu.memref_slice %arg18[%dma_wait3A_1599] : memref<5x!tpu.dma_semaphore, #tpu.memory_space<semaphore_mem>> -> memref<1x!tpu.dma_semaphore, #tpu.memory_space<semaphore_mem>>
        %dma_wait3A_1609 = tpu.memref_squeeze %dma_wait3A_1608 : memref<1x!tpu.dma_semaphore, #tpu.memory_space<semaphore_mem>> -> memref<!tpu.dma_semaphore, #tpu.memory_space<semaphore_mem>>
        tpu.wait_indirect_dma semaphore(%dma_wait3A_1609 : memref<!tpu.dma_semaphore, #tpu.memory_space<semaphore_mem>>) src(%dma_wait3A_1602 : memref<50xf32, #tpu.memory_space<vmem>>) dst(%dma_wait3A_1607 : memref<10240xf32, #tpu.memory_space<vmem_shared>>)
        %dma_start3A_1610 = arith.constant 4 : i32
        %dma_start3A_1611 = arith.constant 4 : i32
        %dma_start3A_1612 = arith.constant 4 : i32
        %dma_start3A_1613 = arith.constant 0 : i32
        %dma_start3A_1614 = arith.constant 0 : i32
        %dma_start3A_1615 = tpu.memref_slice %arg10[%dma_start3A_1611, %dma_start3A_1613, %dma_start3A_1614] : memref<5x50x128xf32, #tpu.memory_space<vmem>> -> memref<1x50x128xf32, #tpu.memory_space<vmem>>
        %dma_start3A_1616 = tpu.memref_squeeze %dma_start3A_1615 : memref<1x50x128xf32, #tpu.memory_space<vmem>> -> memref<50x128xf32, #tpu.memory_space<vmem>>
        %dma_start3A_1617 = arith.constant 0 : i32
        %dma_start3A_1618 = tpu.memref_slice %arg8[%sub3A_1016, %dma_start3A_1610, %dma_start3A_1617] : memref<2x5x50xi32, #tpu.memory_space<vmem>> -> memref<1x1x50xi32, #tpu.memory_space<vmem>>
        %dma_start3A_1619 = tpu.memref_squeeze %dma_start3A_1618 : memref<1x1x50xi32, #tpu.memory_space<vmem>> -> memref<50xi32, #tpu.memory_space<vmem>>
        %dma_start3A_1620 = arith.constant 0 : i32
        %dma_start3A_1621 = arith.constant 0 : i32
        %dma_start3A_1622 = tpu.memref_slice %arg2[%dma_start3A_1620, %dma_start3A_1621] : memref<10000x128xf32, #tpu.memory_space<hbm>> -> memref<10000x128xf32, #tpu.memory_space<hbm>>
        %dma_start3A_1623 = tpu.memref_slice %arg15[%dma_start3A_1612] : memref<5x!tpu.dma_semaphore, #tpu.memory_space<semaphore_mem>> -> memref<1x!tpu.dma_semaphore, #tpu.memory_space<semaphore_mem>>
        %dma_start3A_1624 = tpu.memref_squeeze %dma_start3A_1623 : memref<1x!tpu.dma_semaphore, #tpu.memory_space<semaphore_mem>> -> memref<!tpu.dma_semaphore, #tpu.memory_space<semaphore_mem>>
        tpu.enqueue_indirect_dma source(%dma_start3A_1622 : memref<10000x128xf32, #tpu.memory_space<hbm>>) target(%dma_start3A_1616 : memref<50x128xf32, #tpu.memory_space<vmem>>) offsets(%dma_start3A_1619 : memref<50xi32, #tpu.memory_space<vmem>>) semaphore(%dma_start3A_1624 : memref<!tpu.dma_semaphore, #tpu.memory_space<semaphore_mem>>)
        %dma_start3A_1625 = arith.constant 4 : i32
        %dma_start3A_1626 = arith.constant 4 : i32
        %dma_start3A_1627 = arith.constant 4 : i32
        %dma_start3A_1628 = arith.constant 0 : i32
        %dma_start3A_1629 = tpu.memref_slice %arg11[%dma_start3A_1626, %dma_start3A_1628] : memref<5x50xf32, #tpu.memory_space<vmem>> -> memref<1x50xf32, #tpu.memory_space<vmem>>
        %dma_start3A_1630 = tpu.memref_squeeze %dma_start3A_1629 : memref<1x50xf32, #tpu.memory_space<vmem>> -> memref<50xf32, #tpu.memory_space<vmem>>
        %dma_start3A_1631 = arith.constant 0 : i32
        %dma_start3A_1632 = tpu.memref_slice %arg9[%sub3A_1016, %dma_start3A_1625, %dma_start3A_1631] : memref<2x5x50xi32, #tpu.memory_space<vmem>> -> memref<1x1x50xi32, #tpu.memory_space<vmem>>
        %dma_start3A_1633 = tpu.memref_squeeze %dma_start3A_1632 : memref<1x1x50xi32, #tpu.memory_space<vmem>> -> memref<50xi32, #tpu.memory_space<vmem>>
        %dma_start3A_1634 = arith.constant 0 : i32
        %dma_start3A_1635 = tpu.memref_slice %arg5[%dma_start3A_1634] : memref<10240xf32, #tpu.memory_space<hbm>> -> memref<10240xf32, #tpu.memory_space<hbm>>
        %dma_start3A_1636 = tpu.memref_slice %arg17[%dma_start3A_1627] : memref<5x!tpu.dma_semaphore, #tpu.memory_space<semaphore_mem>> -> memref<1x!tpu.dma_semaphore, #tpu.memory_space<semaphore_mem>>
        %dma_start3A_1637 = tpu.memref_squeeze %dma_start3A_1636 : memref<1x!tpu.dma_semaphore, #tpu.memory_space<semaphore_mem>> -> memref<!tpu.dma_semaphore, #tpu.memory_space<semaphore_mem>>
        tpu.enqueue_indirect_dma source(%dma_start3A_1635 : memref<10240xf32, #tpu.memory_space<hbm>>) target(%dma_start3A_1630 : memref<50xf32, #tpu.memory_space<vmem>>) offsets(%dma_start3A_1633 : memref<50xi32, #tpu.memory_space<vmem>>) semaphore(%dma_start3A_1637 : memref<!tpu.dma_semaphore, #tpu.memory_space<semaphore_mem>>)
      } else {
      }
      %scan3A_1305 = arith.constant 0 : i32
      scf.yield %scan3A_1305 : i32
    }
    %scan3A_845 = arith.constant 40 : i32
    %dma_wait3A_846 = arith.constant 0 : i32
    %dma_wait3A_847 = arith.constant 1 : i32
    %dma_wait3A_848 = arith.constant 0 : i32
    %dma_wait3A_849 = arith.constant 0 : i32
    %dma_wait3A_850 = arith.constant 0 : i32
    %dma_wait3A_851 = arith.constant 0 : i32
    %dma_wait3A_852 = tpu.memref_slice %arg10[%dma_wait3A_846, %dma_wait3A_850, %dma_wait3A_851] : memref<5x50x128xf32, #tpu.memory_space<vmem>> -> memref<1x50x128xf32, #tpu.memory_space<vmem>>
    %dma_wait3A_853 = tpu.memref_squeeze %dma_wait3A_852 : memref<1x50x128xf32, #tpu.memory_space<vmem>> -> memref<50x128xf32, #tpu.memory_space<vmem>>
    %dma_wait3A_854 = arith.constant 0 : i32
    %dma_wait3A_855 = tpu.memref_slice %arg9[%dma_wait3A_847, %dma_wait3A_848, %dma_wait3A_854] : memref<2x5x50xi32, #tpu.memory_space<vmem>> -> memref<1x1x50xi32, #tpu.memory_space<vmem>>
    %dma_wait3A_856 = tpu.memref_squeeze %dma_wait3A_855 : memref<1x1x50xi32, #tpu.memory_space<vmem>> -> memref<50xi32, #tpu.memory_space<vmem>>
    %dma_wait3A_857 = arith.constant 0 : i32
    %dma_wait3A_858 = arith.constant 0 : i32
    %dma_wait3A_859 = tpu.memref_slice %arg13[%dma_wait3A_857, %dma_wait3A_858] : memref<10240x128xf32, #tpu.memory_space<vmem_shared>> -> memref<10240x128xf32, #tpu.memory_space<vmem_shared>>
    %dma_wait3A_860 = tpu.memref_slice %arg16[%dma_wait3A_849] : memref<5x!tpu.dma_semaphore, #tpu.memory_space<semaphore_mem>> -> memref<1x!tpu.dma_semaphore, #tpu.memory_space<semaphore_mem>>
    %dma_wait3A_861 = tpu.memref_squeeze %dma_wait3A_860 : memref<1x!tpu.dma_semaphore, #tpu.memory_space<semaphore_mem>> -> memref<!tpu.dma_semaphore, #tpu.memory_space<semaphore_mem>>
    tpu.wait_indirect_dma semaphore(%dma_wait3A_861 : memref<!tpu.dma_semaphore, #tpu.memory_space<semaphore_mem>>) src(%dma_wait3A_853 : memref<50x128xf32, #tpu.memory_space<vmem>>) dst(%dma_wait3A_859 : memref<10240x128xf32, #tpu.memory_space<vmem_shared>>)
    %dma_wait3A_862 = arith.constant 0 : i32
    %dma_wait3A_863 = arith.constant 1 : i32
    %dma_wait3A_864 = arith.constant 0 : i32
    %dma_wait3A_865 = arith.constant 0 : i32
    %dma_wait3A_866 = arith.constant 0 : i32
    %dma_wait3A_867 = tpu.memref_slice %arg11[%dma_wait3A_862, %dma_wait3A_866] : memref<5x50xf32, #tpu.memory_space<vmem>> -> memref<1x50xf32, #tpu.memory_space<vmem>>
    %dma_wait3A_868 = tpu.memref_squeeze %dma_wait3A_867 : memref<1x50xf32, #tpu.memory_space<vmem>> -> memref<50xf32, #tpu.memory_space<vmem>>
    %dma_wait3A_869 = arith.constant 0 : i32
    %dma_wait3A_870 = tpu.memref_slice %arg8[%dma_wait3A_863, %dma_wait3A_864, %dma_wait3A_869] : memref<2x5x50xi32, #tpu.memory_space<vmem>> -> memref<1x1x50xi32, #tpu.memory_space<vmem>>
    %dma_wait3A_871 = tpu.memref_squeeze %dma_wait3A_870 : memref<1x1x50xi32, #tpu.memory_space<vmem>> -> memref<50xi32, #tpu.memory_space<vmem>>
    %dma_wait3A_872 = arith.constant 0 : i32
    %dma_wait3A_873 = tpu.memref_slice %arg14[%dma_wait3A_872] : memref<10240xf32, #tpu.memory_space<vmem_shared>> -> memref<10240xf32, #tpu.memory_space<vmem_shared>>
    %dma_wait3A_874 = tpu.memref_slice %arg18[%dma_wait3A_865] : memref<5x!tpu.dma_semaphore, #tpu.memory_space<semaphore_mem>> -> memref<1x!tpu.dma_semaphore, #tpu.memory_space<semaphore_mem>>
    %dma_wait3A_875 = tpu.memref_squeeze %dma_wait3A_874 : memref<1x!tpu.dma_semaphore, #tpu.memory_space<semaphore_mem>> -> memref<!tpu.dma_semaphore, #tpu.memory_space<semaphore_mem>>
    tpu.wait_indirect_dma semaphore(%dma_wait3A_875 : memref<!tpu.dma_semaphore, #tpu.memory_space<semaphore_mem>>) src(%dma_wait3A_868 : memref<50xf32, #tpu.memory_space<vmem>>) dst(%dma_wait3A_873 : memref<10240xf32, #tpu.memory_space<vmem_shared>>)
    %dma_wait3A_876 = arith.constant 1 : i32
    %dma_wait3A_877 = arith.constant 1 : i32
    %dma_wait3A_878 = arith.constant 1 : i32
    %dma_wait3A_879 = arith.constant 1 : i32
    %dma_wait3A_880 = arith.constant 0 : i32
    %dma_wait3A_881 = arith.constant 0 : i32
    %dma_wait3A_882 = tpu.memref_slice %arg10[%dma_wait3A_876, %dma_wait3A_880, %dma_wait3A_881] : memref<5x50x128xf32, #tpu.memory_space<vmem>> -> memref<1x50x128xf32, #tpu.memory_space<vmem>>
    %dma_wait3A_883 = tpu.memref_squeeze %dma_wait3A_882 : memref<1x50x128xf32, #tpu.memory_space<vmem>> -> memref<50x128xf32, #tpu.memory_space<vmem>>
    %dma_wait3A_884 = arith.constant 0 : i32
    %dma_wait3A_885 = tpu.memref_slice %arg9[%dma_wait3A_877, %dma_wait3A_878, %dma_wait3A_884] : memref<2x5x50xi32, #tpu.memory_space<vmem>> -> memref<1x1x50xi32, #tpu.memory_space<vmem>>
    %dma_wait3A_886 = tpu.memref_squeeze %dma_wait3A_885 : memref<1x1x50xi32, #tpu.memory_space<vmem>> -> memref<50xi32, #tpu.memory_space<vmem>>
    %dma_wait3A_887 = arith.constant 0 : i32
    %dma_wait3A_888 = arith.constant 0 : i32
    %dma_wait3A_889 = tpu.memref_slice %arg13[%dma_wait3A_887, %dma_wait3A_888] : memref<10240x128xf32, #tpu.memory_space<vmem_shared>> -> memref<10240x128xf32, #tpu.memory_space<vmem_shared>>
    %dma_wait3A_890 = tpu.memref_slice %arg16[%dma_wait3A_879] : memref<5x!tpu.dma_semaphore, #tpu.memory_space<semaphore_mem>> -> memref<1x!tpu.dma_semaphore, #tpu.memory_space<semaphore_mem>>
    %dma_wait3A_891 = tpu.memref_squeeze %dma_wait3A_890 : memref<1x!tpu.dma_semaphore, #tpu.memory_space<semaphore_mem>> -> memref<!tpu.dma_semaphore, #tpu.memory_space<semaphore_mem>>
    tpu.wait_indirect_dma semaphore(%dma_wait3A_891 : memref<!tpu.dma_semaphore, #tpu.memory_space<semaphore_mem>>) src(%dma_wait3A_883 : memref<50x128xf32, #tpu.memory_space<vmem>>) dst(%dma_wait3A_889 : memref<10240x128xf32, #tpu.memory_space<vmem_shared>>)
    %dma_wait3A_892 = arith.constant 1 : i32
    %dma_wait3A_893 = arith.constant 1 : i32
    %dma_wait3A_894 = arith.constant 1 : i32
    %dma_wait3A_895 = arith.constant 1 : i32
    %dma_wait3A_896 = arith.constant 0 : i32
    %dma_wait3A_897 = tpu.memref_slice %arg11[%dma_wait3A_892, %dma_wait3A_896] : memref<5x50xf32, #tpu.memory_space<vmem>> -> memref<1x50xf32, #tpu.memory_space<vmem>>
    %dma_wait3A_898 = tpu.memref_squeeze %dma_wait3A_897 : memref<1x50xf32, #tpu.memory_space<vmem>> -> memref<50xf32, #tpu.memory_space<vmem>>
    %dma_wait3A_899 = arith.constant 0 : i32
    %dma_wait3A_900 = tpu.memref_slice %arg8[%dma_wait3A_893, %dma_wait3A_894, %dma_wait3A_899] : memref<2x5x50xi32, #tpu.memory_space<vmem>> -> memref<1x1x50xi32, #tpu.memory_space<vmem>>
    %dma_wait3A_901 = tpu.memref_squeeze %dma_wait3A_900 : memref<1x1x50xi32, #tpu.memory_space<vmem>> -> memref<50xi32, #tpu.memory_space<vmem>>
    %dma_wait3A_902 = arith.constant 0 : i32
    %dma_wait3A_903 = tpu.memref_slice %arg14[%dma_wait3A_902] : memref<10240xf32, #tpu.memory_space<vmem_shared>> -> memref<10240xf32, #tpu.memory_space<vmem_shared>>
    %dma_wait3A_904 = tpu.memref_slice %arg18[%dma_wait3A_895] : memref<5x!tpu.dma_semaphore, #tpu.memory_space<semaphore_mem>> -> memref<1x!tpu.dma_semaphore, #tpu.memory_space<semaphore_mem>>
    %dma_wait3A_905 = tpu.memref_squeeze %dma_wait3A_904 : memref<1x!tpu.dma_semaphore, #tpu.memory_space<semaphore_mem>> -> memref<!tpu.dma_semaphore, #tpu.memory_space<semaphore_mem>>
    tpu.wait_indirect_dma semaphore(%dma_wait3A_905 : memref<!tpu.dma_semaphore, #tpu.memory_space<semaphore_mem>>) src(%dma_wait3A_898 : memref<50xf32, #tpu.memory_space<vmem>>) dst(%dma_wait3A_903 : memref<10240xf32, #tpu.memory_space<vmem_shared>>)
    %dma_wait3A_906 = arith.constant 2 : i32
    %dma_wait3A_907 = arith.constant 1 : i32
    %dma_wait3A_908 = arith.constant 2 : i32
    %dma_wait3A_909 = arith.constant 2 : i32
    %dma_wait3A_910 = arith.constant 0 : i32
    %dma_wait3A_911 = arith.constant 0 : i32
    %dma_wait3A_912 = tpu.memref_slice %arg10[%dma_wait3A_906, %dma_wait3A_910, %dma_wait3A_911] : memref<5x50x128xf32, #tpu.memory_space<vmem>> -> memref<1x50x128xf32, #tpu.memory_space<vmem>>
    %dma_wait3A_913 = tpu.memref_squeeze %dma_wait3A_912 : memref<1x50x128xf32, #tpu.memory_space<vmem>> -> memref<50x128xf32, #tpu.memory_space<vmem>>
    %dma_wait3A_914 = arith.constant 0 : i32
    %dma_wait3A_915 = tpu.memref_slice %arg9[%dma_wait3A_907, %dma_wait3A_908, %dma_wait3A_914] : memref<2x5x50xi32, #tpu.memory_space<vmem>> -> memref<1x1x50xi32, #tpu.memory_space<vmem>>
    %dma_wait3A_916 = tpu.memref_squeeze %dma_wait3A_915 : memref<1x1x50xi32, #tpu.memory_space<vmem>> -> memref<50xi32, #tpu.memory_space<vmem>>
    %dma_wait3A_917 = arith.constant 0 : i32
    %dma_wait3A_918 = arith.constant 0 : i32
    %dma_wait3A_919 = tpu.memref_slice %arg13[%dma_wait3A_917, %dma_wait3A_918] : memref<10240x128xf32, #tpu.memory_space<vmem_shared>> -> memref<10240x128xf32, #tpu.memory_space<vmem_shared>>
    %dma_wait3A_920 = tpu.memref_slice %arg16[%dma_wait3A_909] : memref<5x!tpu.dma_semaphore, #tpu.memory_space<semaphore_mem>> -> memref<1x!tpu.dma_semaphore, #tpu.memory_space<semaphore_mem>>
    %dma_wait3A_921 = tpu.memref_squeeze %dma_wait3A_920 : memref<1x!tpu.dma_semaphore, #tpu.memory_space<semaphore_mem>> -> memref<!tpu.dma_semaphore, #tpu.memory_space<semaphore_mem>>
    tpu.wait_indirect_dma semaphore(%dma_wait3A_921 : memref<!tpu.dma_semaphore, #tpu.memory_space<semaphore_mem>>) src(%dma_wait3A_913 : memref<50x128xf32, #tpu.memory_space<vmem>>) dst(%dma_wait3A_919 : memref<10240x128xf32, #tpu.memory_space<vmem_shared>>)
    %dma_wait3A_922 = arith.constant 2 : i32
    %dma_wait3A_923 = arith.constant 1 : i32
    %dma_wait3A_924 = arith.constant 2 : i32
    %dma_wait3A_925 = arith.constant 2 : i32
    %dma_wait3A_926 = arith.constant 0 : i32
    %dma_wait3A_927 = tpu.memref_slice %arg11[%dma_wait3A_922, %dma_wait3A_926] : memref<5x50xf32, #tpu.memory_space<vmem>> -> memref<1x50xf32, #tpu.memory_space<vmem>>
    %dma_wait3A_928 = tpu.memref_squeeze %dma_wait3A_927 : memref<1x50xf32, #tpu.memory_space<vmem>> -> memref<50xf32, #tpu.memory_space<vmem>>
    %dma_wait3A_929 = arith.constant 0 : i32
    %dma_wait3A_930 = tpu.memref_slice %arg8[%dma_wait3A_923, %dma_wait3A_924, %dma_wait3A_929] : memref<2x5x50xi32, #tpu.memory_space<vmem>> -> memref<1x1x50xi32, #tpu.memory_space<vmem>>
    %dma_wait3A_931 = tpu.memref_squeeze %dma_wait3A_930 : memref<1x1x50xi32, #tpu.memory_space<vmem>> -> memref<50xi32, #tpu.memory_space<vmem>>
    %dma_wait3A_932 = arith.constant 0 : i32
    %dma_wait3A_933 = tpu.memref_slice %arg14[%dma_wait3A_932] : memref<10240xf32, #tpu.memory_space<vmem_shared>> -> memref<10240xf32, #tpu.memory_space<vmem_shared>>
    %dma_wait3A_934 = tpu.memref_slice %arg18[%dma_wait3A_925] : memref<5x!tpu.dma_semaphore, #tpu.memory_space<semaphore_mem>> -> memref<1x!tpu.dma_semaphore, #tpu.memory_space<semaphore_mem>>
    %dma_wait3A_935 = tpu.memref_squeeze %dma_wait3A_934 : memref<1x!tpu.dma_semaphore, #tpu.memory_space<semaphore_mem>> -> memref<!tpu.dma_semaphore, #tpu.memory_space<semaphore_mem>>
    tpu.wait_indirect_dma semaphore(%dma_wait3A_935 : memref<!tpu.dma_semaphore, #tpu.memory_space<semaphore_mem>>) src(%dma_wait3A_928 : memref<50xf32, #tpu.memory_space<vmem>>) dst(%dma_wait3A_933 : memref<10240xf32, #tpu.memory_space<vmem_shared>>)
    %dma_wait3A_936 = arith.constant 3 : i32
    %dma_wait3A_937 = arith.constant 1 : i32
    %dma_wait3A_938 = arith.constant 3 : i32
    %dma_wait3A_939 = arith.constant 3 : i32
    %dma_wait3A_940 = arith.constant 0 : i32
    %dma_wait3A_941 = arith.constant 0 : i32
    %dma_wait3A_942 = tpu.memref_slice %arg10[%dma_wait3A_936, %dma_wait3A_940, %dma_wait3A_941] : memref<5x50x128xf32, #tpu.memory_space<vmem>> -> memref<1x50x128xf32, #tpu.memory_space<vmem>>
    %dma_wait3A_943 = tpu.memref_squeeze %dma_wait3A_942 : memref<1x50x128xf32, #tpu.memory_space<vmem>> -> memref<50x128xf32, #tpu.memory_space<vmem>>
    %dma_wait3A_944 = arith.constant 0 : i32
    %dma_wait3A_945 = tpu.memref_slice %arg9[%dma_wait3A_937, %dma_wait3A_938, %dma_wait3A_944] : memref<2x5x50xi32, #tpu.memory_space<vmem>> -> memref<1x1x50xi32, #tpu.memory_space<vmem>>
    %dma_wait3A_946 = tpu.memref_squeeze %dma_wait3A_945 : memref<1x1x50xi32, #tpu.memory_space<vmem>> -> memref<50xi32, #tpu.memory_space<vmem>>
    %dma_wait3A_947 = arith.constant 0 : i32
    %dma_wait3A_948 = arith.constant 0 : i32
    %dma_wait3A_949 = tpu.memref_slice %arg13[%dma_wait3A_947, %dma_wait3A_948] : memref<10240x128xf32, #tpu.memory_space<vmem_shared>> -> memref<10240x128xf32, #tpu.memory_space<vmem_shared>>
    %dma_wait3A_950 = tpu.memref_slice %arg16[%dma_wait3A_939] : memref<5x!tpu.dma_semaphore, #tpu.memory_space<semaphore_mem>> -> memref<1x!tpu.dma_semaphore, #tpu.memory_space<semaphore_mem>>
    %dma_wait3A_951 = tpu.memref_squeeze %dma_wait3A_950 : memref<1x!tpu.dma_semaphore, #tpu.memory_space<semaphore_mem>> -> memref<!tpu.dma_semaphore, #tpu.memory_space<semaphore_mem>>
    tpu.wait_indirect_dma semaphore(%dma_wait3A_951 : memref<!tpu.dma_semaphore, #tpu.memory_space<semaphore_mem>>) src(%dma_wait3A_943 : memref<50x128xf32, #tpu.memory_space<vmem>>) dst(%dma_wait3A_949 : memref<10240x128xf32, #tpu.memory_space<vmem_shared>>)
    %dma_wait3A_952 = arith.constant 3 : i32
    %dma_wait3A_953 = arith.constant 1 : i32
    %dma_wait3A_954 = arith.constant 3 : i32
    %dma_wait3A_955 = arith.constant 3 : i32
    %dma_wait3A_956 = arith.constant 0 : i32
    %dma_wait3A_957 = tpu.memref_slice %arg11[%dma_wait3A_952, %dma_wait3A_956] : memref<5x50xf32, #tpu.memory_space<vmem>> -> memref<1x50xf32, #tpu.memory_space<vmem>>
    %dma_wait3A_958 = tpu.memref_squeeze %dma_wait3A_957 : memref<1x50xf32, #tpu.memory_space<vmem>> -> memref<50xf32, #tpu.memory_space<vmem>>
    %dma_wait3A_959 = arith.constant 0 : i32
    %dma_wait3A_960 = tpu.memref_slice %arg8[%dma_wait3A_953, %dma_wait3A_954, %dma_wait3A_959] : memref<2x5x50xi32, #tpu.memory_space<vmem>> -> memref<1x1x50xi32, #tpu.memory_space<vmem>>
    %dma_wait3A_961 = tpu.memref_squeeze %dma_wait3A_960 : memref<1x1x50xi32, #tpu.memory_space<vmem>> -> memref<50xi32, #tpu.memory_space<vmem>>
    %dma_wait3A_962 = arith.constant 0 : i32
    %dma_wait3A_963 = tpu.memref_slice %arg14[%dma_wait3A_962] : memref<10240xf32, #tpu.memory_space<vmem_shared>> -> memref<10240xf32, #tpu.memory_space<vmem_shared>>
    %dma_wait3A_964 = tpu.memref_slice %arg18[%dma_wait3A_955] : memref<5x!tpu.dma_semaphore, #tpu.memory_space<semaphore_mem>> -> memref<1x!tpu.dma_semaphore, #tpu.memory_space<semaphore_mem>>
    %dma_wait3A_965 = tpu.memref_squeeze %dma_wait3A_964 : memref<1x!tpu.dma_semaphore, #tpu.memory_space<semaphore_mem>> -> memref<!tpu.dma_semaphore, #tpu.memory_space<semaphore_mem>>
    tpu.wait_indirect_dma semaphore(%dma_wait3A_965 : memref<!tpu.dma_semaphore, #tpu.memory_space<semaphore_mem>>) src(%dma_wait3A_958 : memref<50xf32, #tpu.memory_space<vmem>>) dst(%dma_wait3A_963 : memref<10240xf32, #tpu.memory_space<vmem_shared>>)
    %dma_wait3A_966 = arith.constant 4 : i32
    %dma_wait3A_967 = arith.constant 1 : i32
    %dma_wait3A_968 = arith.constant 4 : i32
    %dma_wait3A_969 = arith.constant 4 : i32
    %dma_wait3A_970 = arith.constant 0 : i32
    %dma_wait3A_971 = arith.constant 0 : i32
    %dma_wait3A_972 = tpu.memref_slice %arg10[%dma_wait3A_966, %dma_wait3A_970, %dma_wait3A_971] : memref<5x50x128xf32, #tpu.memory_space<vmem>> -> memref<1x50x128xf32, #tpu.memory_space<vmem>>
    %dma_wait3A_973 = tpu.memref_squeeze %dma_wait3A_972 : memref<1x50x128xf32, #tpu.memory_space<vmem>> -> memref<50x128xf32, #tpu.memory_space<vmem>>
    %dma_wait3A_974 = arith.constant 0 : i32
    %dma_wait3A_975 = tpu.memref_slice %arg9[%dma_wait3A_967, %dma_wait3A_968, %dma_wait3A_974] : memref<2x5x50xi32, #tpu.memory_space<vmem>> -> memref<1x1x50xi32, #tpu.memory_space<vmem>>
    %dma_wait3A_976 = tpu.memref_squeeze %dma_wait3A_975 : memref<1x1x50xi32, #tpu.memory_space<vmem>> -> memref<50xi32, #tpu.memory_space<vmem>>
    %dma_wait3A_977 = arith.constant 0 : i32
    %dma_wait3A_978 = arith.constant 0 : i32
    %dma_wait3A_979 = tpu.memref_slice %arg13[%dma_wait3A_977, %dma_wait3A_978] : memref<10240x128xf32, #tpu.memory_space<vmem_shared>> -> memref<10240x128xf32, #tpu.memory_space<vmem_shared>>
    %dma_wait3A_980 = tpu.memref_slice %arg16[%dma_wait3A_969] : memref<5x!tpu.dma_semaphore, #tpu.memory_space<semaphore_mem>> -> memref<1x!tpu.dma_semaphore, #tpu.memory_space<semaphore_mem>>
    %dma_wait3A_981 = tpu.memref_squeeze %dma_wait3A_980 : memref<1x!tpu.dma_semaphore, #tpu.memory_space<semaphore_mem>> -> memref<!tpu.dma_semaphore, #tpu.memory_space<semaphore_mem>>
    tpu.wait_indirect_dma semaphore(%dma_wait3A_981 : memref<!tpu.dma_semaphore, #tpu.memory_space<semaphore_mem>>) src(%dma_wait3A_973 : memref<50x128xf32, #tpu.memory_space<vmem>>) dst(%dma_wait3A_979 : memref<10240x128xf32, #tpu.memory_space<vmem_shared>>)
    %dma_wait3A_982 = arith.constant 4 : i32
    %dma_wait3A_983 = arith.constant 1 : i32
    %dma_wait3A_984 = arith.constant 4 : i32
    %dma_wait3A_985 = arith.constant 4 : i32
    %dma_wait3A_986 = arith.constant 0 : i32
    %dma_wait3A_987 = tpu.memref_slice %arg11[%dma_wait3A_982, %dma_wait3A_986] : memref<5x50xf32, #tpu.memory_space<vmem>> -> memref<1x50xf32, #tpu.memory_space<vmem>>
    %dma_wait3A_988 = tpu.memref_squeeze %dma_wait3A_987 : memref<1x50xf32, #tpu.memory_space<vmem>> -> memref<50xf32, #tpu.memory_space<vmem>>
    %dma_wait3A_989 = arith.constant 0 : i32
    %dma_wait3A_990 = tpu.memref_slice %arg8[%dma_wait3A_983, %dma_wait3A_984, %dma_wait3A_989] : memref<2x5x50xi32, #tpu.memory_space<vmem>> -> memref<1x1x50xi32, #tpu.memory_space<vmem>>
    %dma_wait3A_991 = tpu.memref_squeeze %dma_wait3A_990 : memref<1x1x50xi32, #tpu.memory_space<vmem>> -> memref<50xi32, #tpu.memory_space<vmem>>
    %dma_wait3A_992 = arith.constant 0 : i32
    %dma_wait3A_993 = tpu.memref_slice %arg14[%dma_wait3A_992] : memref<10240xf32, #tpu.memory_space<vmem_shared>> -> memref<10240xf32, #tpu.memory_space<vmem_shared>>
    %dma_wait3A_994 = tpu.memref_slice %arg18[%dma_wait3A_985] : memref<5x!tpu.dma_semaphore, #tpu.memory_space<semaphore_mem>> -> memref<1x!tpu.dma_semaphore, #tpu.memory_space<semaphore_mem>>
    %dma_wait3A_995 = tpu.memref_squeeze %dma_wait3A_994 : memref<1x!tpu.dma_semaphore, #tpu.memory_space<semaphore_mem>> -> memref<!tpu.dma_semaphore, #tpu.memory_space<semaphore_mem>>
    tpu.wait_indirect_dma semaphore(%dma_wait3A_995 : memref<!tpu.dma_semaphore, #tpu.memory_space<semaphore_mem>>) src(%dma_wait3A_988 : memref<50xf32, #tpu.memory_space<vmem>>) dst(%dma_wait3A_993 : memref<10240xf32, #tpu.memory_space<vmem_shared>>)
    %barrier3A_996 = arith.constant 0 : index
    tpu.barrier barrier_id(%barrier3A_996)
    %mul3A_997 = arith.constant 640 : i32
    %mul3A_998 = arith.muli %arg1, %mul3A_997 : i32
    %mul3A_999 = arith.constant 640 : i32
    %mul3A_1000 = arith.muli %arg1, %mul3A_999 : i32
    "tpu.region"() ({
      %run_scoped3A = tpu.sem_alloc : memref<!tpu.dma_semaphore, #tpu.memory_space<semaphore_mem>>
      %dma_start3A_1005 = arith.constant 0 : i32
      %dma_start3A_1006 = tpu.memref_slice %arg6[%arg0, %mul3A_1000, %dma_start3A_1005] : memref<2x10240x128xf32, #tpu.memory_space<hbm>> -> memref<1x640x128xf32, #tpu.memory_space<hbm>>
      %dma_start3A_1007 = tpu.memref_squeeze %dma_start3A_1006 : memref<1x640x128xf32, #tpu.memory_space<hbm>> -> memref<640x128xf32, #tpu.memory_space<hbm>>
      %dma_start3A_1008 = arith.constant 0 : i32
      %dma_start3A_1009 = tpu.memref_slice %arg13[%mul3A_998, %dma_start3A_1008] : memref<10240x128xf32, #tpu.memory_space<vmem_shared>> -> memref<640x128xf32, #tpu.memory_space<vmem_shared>>
      tpu.enqueue_dma source(%dma_start3A_1009 : memref<640x128xf32, #tpu.memory_space<vmem_shared>>) target(%dma_start3A_1007 : memref<640x128xf32, #tpu.memory_space<hbm>>) target_semaphore(%run_scoped3A : memref<!tpu.dma_semaphore, #tpu.memory_space<semaphore_mem>>)
      %dma_wait3A_1010 = arith.constant 0 : i32
      %dma_wait3A_1011 = tpu.memref_slice %arg6[%arg0, %mul3A_1000, %dma_wait3A_1010] : memref<2x10240x128xf32, #tpu.memory_space<hbm>> -> memref<1x640x128xf32, #tpu.memory_space<hbm>>
      %dma_wait3A_1012 = tpu.memref_squeeze %dma_wait3A_1011 : memref<1x640x128xf32, #tpu.memory_space<hbm>> -> memref<640x128xf32, #tpu.memory_space<hbm>>
      %dma_wait3A_1013 = arith.constant 0 : i32
      %dma_wait3A_1014 = tpu.memref_slice %arg13[%mul3A_998, %dma_wait3A_1013] : memref<10240x128xf32, #tpu.memory_space<vmem_shared>> -> memref<640x128xf32, #tpu.memory_space<vmem_shared>>
      tpu.wait_dma2 semaphore(%run_scoped3A : memref<!tpu.dma_semaphore, #tpu.memory_space<semaphore_mem>>) src(%dma_wait3A_1014 : memref<640x128xf32, #tpu.memory_space<vmem_shared>>) dst(%dma_wait3A_1012 : memref<640x128xf32, #tpu.memory_space<hbm>>)
      tpu.yield
    }) : () -> ()
    %mul3A_1001 = arith.constant 640 : i32
    %mul3A_1002 = arith.muli %arg1, %mul3A_1001 : i32
    %mul3A_1003 = arith.constant 640 : i32
    %mul3A_1004 = arith.muli %arg1, %mul3A_1003 : i32
    "tpu.region"() ({
      %run_scoped3A = tpu.sem_alloc : memref<!tpu.dma_semaphore, #tpu.memory_space<semaphore_mem>>
      %dma_start3A_1005 = tpu.memref_slice %arg7[%arg0, %mul3A_1004] : memref<2x10240xf32, #tpu.memory_space<hbm>> -> memref<1x640xf32, #tpu.memory_space<hbm>>
      %dma_start3A_1006 = tpu.memref_squeeze %dma_start3A_1005 : memref<1x640xf32, #tpu.memory_space<hbm>> -> memref<640xf32, #tpu.memory_space<hbm>>
      %dma_start3A_1007 = tpu.memref_slice %arg14[%mul3A_1002] : memref<10240xf32, #tpu.memory_space<vmem_shared>> -> memref<640xf32, #tpu.memory_space<vmem_shared>>
      tpu.enqueue_dma source(%dma_start3A_1007 : memref<640xf32, #tpu.memory_space<vmem_shared>>) target(%dma_start3A_1006 : memref<640xf32, #tpu.memory_space<hbm>>) target_semaphore(%run_scoped3A : memref<!tpu.dma_semaphore, #tpu.memory_space<semaphore_mem>>)
      %dma_wait3A_1008 = tpu.memref_slice %arg7[%arg0, %mul3A_1004] : memref<2x10240xf32, #tpu.memory_space<hbm>> -> memref<1x640xf32, #tpu.memory_space<hbm>>
      %dma_wait3A_1009 = tpu.memref_squeeze %dma_wait3A_1008 : memref<1x640xf32, #tpu.memory_space<hbm>> -> memref<640xf32, #tpu.memory_space<hbm>>
      %dma_wait3A_1010 = tpu.memref_slice %arg14[%mul3A_1002] : memref<10240xf32, #tpu.memory_space<vmem_shared>> -> memref<640xf32, #tpu.memory_space<vmem_shared>>
      tpu.wait_dma2 semaphore(%run_scoped3A : memref<!tpu.dma_semaphore, #tpu.memory_space<semaphore_mem>>) src(%dma_wait3A_1010 : memref<640xf32, #tpu.memory_space<vmem_shared>>) dst(%dma_wait3A_1009 : memref<640xf32, #tpu.memory_space<hbm>>)
      tpu.yield
    }) : () -> ()
    return
  }
}

module attributes {stable_mosaic.version = 14 : i64} {
  func.func @_dense1_body(%arg0: memref<2x2x16x10240xf32, #tpu.memory_space<vmem>>, %arg1: memref<10000x128xf32, #tpu.memory_space<vmem>>, %arg2: memref<128x128xf32, #tpu.memory_space<vmem>>, %arg3: memref<10000x128xf32, #tpu.memory_space<vmem>>, %arg4: memref<10240xf32, #tpu.memory_space<vmem>>, %arg5: memref<10240xf32, #tpu.memory_space<vmem>>) attributes {dimension_semantics = [], scalar_prefetch = 0 : i64, scratch_operands = 0 : i64, tpu.core_type = #tpu.core_type<tc>} {
    %get3A = arith.constant 0 : index
    %get3A_0 = arith.constant 0 : index
    %get3A_1 = arith.constant 0 : index
    %get3A_2 = arith.constant 0 : index
    %get3A_3 = vector.load %arg0[%get3A, %get3A_0, %get3A_1, %get3A_2] : memref<2x2x16x10240xf32, #tpu.memory_space<vmem>>, vector<2x2x16x10240xf32>
    %slice3A = vector.extract_strided_slice %get3A_3 {offsets = [0, 0, 0, 0], sizes = [1, 2, 16, 10240], strides = [1, 1, 1, 1]} : vector<2x2x16x10240xf32> to vector<1x2x16x10240xf32>
    %squeeze3A = vector.shape_cast %slice3A : vector<1x2x16x10240xf32> to vector<2x16x10240xf32>
    %reduce_sum3A = arith.constant dense<0.000000e+00> : vector<10240xf32>
    %reduce_sum3A_4 = vector.multi_reduction <add>, %squeeze3A, %reduce_sum3A [0, 1] : vector<2x16x10240xf32> to vector<10240xf32>
    %slice3A_5 = vector.extract_strided_slice %get3A_3 {offsets = [1, 0, 0, 0], sizes = [1, 2, 16, 10240], strides = [1, 1, 1, 1]} : vector<2x2x16x10240xf32> to vector<1x2x16x10240xf32>
    %squeeze3A_6 = vector.shape_cast %slice3A_5 : vector<1x2x16x10240xf32> to vector<2x16x10240xf32>
    %reduce_sum3A_7 = arith.constant dense<0.000000e+00> : vector<10240xf32>
    %reduce_sum3A_8 = vector.multi_reduction <add>, %squeeze3A_6, %reduce_sum3A_7 [0, 1] : vector<2x16x10240xf32> to vector<10240xf32>
    %gt3A = arith.constant 0.000000e+00 : f32
    %gt3A_9 = vector.broadcast %gt3A : f32 to vector<10240xf32>
    %gt3A_10 = arith.cmpf ogt, %reduce_sum3A_4, %gt3A_9 : vector<10240xf32>
    %max3A = arith.constant 1.000000e+00 : f32
    %max3A_11 = vector.broadcast %max3A : f32 to vector<10240xf32>
    %max3A_12 = arith.maximumf %reduce_sum3A_4, %max3A_11 : vector<10240xf32>
    %rsqrt3A = math.rsqrt %max3A_12 : vector<10240xf32>
    %jit3A = arith.constant 0.000000e+00 : f32
    %broadcast_in_dim3A = vector.broadcast %jit3A : f32 to vector<10240xf32>
    %select_n3A = arith.select %gt3A_10, %rsqrt3A, %broadcast_in_dim3A : vector<10240xi1>, vector<10240xf32>
    %gt3A_13 = arith.constant 0.000000e+00 : f32
    %gt3A_14 = vector.broadcast %gt3A_13 : f32 to vector<10240xf32>
    %gt3A_15 = arith.cmpf ogt, %reduce_sum3A_8, %gt3A_14 : vector<10240xf32>
    %max3A_16 = arith.constant 1.000000e+00 : f32
    %max3A_17 = vector.broadcast %max3A_16 : f32 to vector<10240xf32>
    %max3A_18 = arith.maximumf %reduce_sum3A_8, %max3A_17 : vector<10240xf32>
    %rsqrt3A_19 = math.rsqrt %max3A_18 : vector<10240xf32>
    %jit3A_20 = arith.constant 0.000000e+00 : f32
    %broadcast_in_dim3A_21 = vector.broadcast %jit3A_20 : f32 to vector<10240xf32>
    %select_n3A_22 = arith.select %gt3A_15, %rsqrt3A_19, %broadcast_in_dim3A_21 : vector<10240xi1>, vector<10240xf32>
    %swap3A = arith.constant 0 : index
    %swap3A_23 = vector.load %arg4[%swap3A] : memref<10240xf32, #tpu.memory_space<vmem>>, vector<10240xf32>
    tpu.vector_store %arg4[%swap3A], %select_n3A_22 {strides = array<i32>} : memref<10240xf32, #tpu.memory_space<vmem>>, vector<10240xf32>,
    %swap3A_24 = arith.constant 0 : index
    %swap3A_25 = vector.load %arg5[%swap3A_24] : memref<10240xf32, #tpu.memory_space<vmem>>, vector<10240xf32>
    tpu.vector_store %arg5[%swap3A_24], %select_n3A {strides = array<i32>} : memref<10240xf32, #tpu.memory_space<vmem>>, vector<10240xf32>,
    %get3A_26 = arith.constant 0 : index
    %get3A_27 = arith.constant 0 : index
    %get3A_28 = vector.load %arg1[%get3A_26, %get3A_27] : memref<10000x128xf32, #tpu.memory_space<vmem>>, vector<10000x128xf32>
    %slice3A_29 = vector.extract_strided_slice %select_n3A {offsets = [0], sizes = [10000], strides = [1]} : vector<10240xf32> to vector<10000xf32>
    %broadcast_in_dim3A_30 = vector.shape_cast %slice3A_29 : vector<10000xf32> to vector<10000x1xf32>
    %mul3A = vector.broadcast %broadcast_in_dim3A_30 : vector<10000x1xf32> to vector<10000x128xf32>
    %mul3A_31 = arith.mulf %get3A_28, %mul3A : vector<10000x128xf32>
    %get3A_32 = arith.constant 0 : index
    %get3A_33 = arith.constant 0 : index
    %get3A_34 = vector.load %arg2[%get3A_32, %get3A_33] : memref<128x128xf32, #tpu.memory_space<vmem>>, vector<128x128xf32>
    %dot_general3A = arith.constant dense<0.000000e+00> : vector<10000x128xf32>
    %dot_general3A_35 = tpu.matmul %mul3A_31, %get3A_34, %dot_general3A {dimension_numbers = #tpu.dot_dimension_numbers<[1], [0], [0], [1], [0, 0, 1, 1], [], []>, transpose_lhs_hint = false} : vector<10000x128xf32>, vector<128x128xf32>, vector<10000x128xf32> -> vector<10000x128xf32>
    %swap3A_36 = arith.constant 0 : index
    %swap3A_37 = arith.constant 0 : index
    %swap3A_38 = vector.load %arg3[%swap3A_36, %swap3A_37] : memref<10000x128xf32, #tpu.memory_space<vmem>>, vector<10000x128xf32>
    tpu.vector_store %arg3[%swap3A_36, %swap3A_37], %dot_general3A_35 {strides = array<i32>} : memref<10000x128xf32, #tpu.memory_space<vmem>>, vector<10000x128xf32>,
    return
  }
}

module attributes {stable_mosaic.version = 14 : i64} {
  func.func @_final_body(%arg0: memref<2x10240x128xf32, #tpu.memory_space<vmem>>, %arg1: memref<2x10240xf32, #tpu.memory_space<vmem>>, %arg2: memref<10240xf32, #tpu.memory_space<vmem>>, %arg3: memref<10000xf32, #tpu.memory_space<vmem>>, %arg4: memref<128xf32, #tpu.memory_space<vmem>>, %arg5: memref<128x128xf32, #tpu.memory_space<vmem>>, %arg6: memref<128xf32, #tpu.memory_space<vmem>>, %arg7: memref<1x128xf32, #tpu.memory_space<vmem>>) attributes {dimension_semantics = [], scalar_prefetch = 0 : i64, scratch_operands = 0 : i64, tpu.core_type = #tpu.core_type<tc>} {
    %get3A = arith.constant 0 : index
    %get3A_0 = arith.constant 0 : index
    %get3A_1 = arith.constant 0 : index
    %get3A_2 = vector.load %arg0[%get3A, %get3A_0, %get3A_1] : memref<2x10240x128xf32, #tpu.memory_space<vmem>>, vector<1x10000x128xf32>
    %get3A_3 = vector.shape_cast %get3A_2 : vector<1x10000x128xf32> to vector<10000x128xf32>
    %get3A_4 = arith.constant 1 : index
    %get3A_5 = arith.constant 0 : index
    %get3A_6 = arith.constant 0 : index
    %get3A_7 = vector.load %arg0[%get3A_4, %get3A_5, %get3A_6] : memref<2x10240x128xf32, #tpu.memory_space<vmem>>, vector<1x10000x128xf32>
    %get3A_8 = vector.shape_cast %get3A_7 : vector<1x10000x128xf32> to vector<10000x128xf32>
    %add3A = arith.addf %get3A_3, %get3A_8 : vector<10000x128xf32>
    %get3A_9 = arith.constant 0 : index
    %get3A_10 = vector.load %arg2[%get3A_9] : memref<10240xf32, #tpu.memory_space<vmem>>, vector<10240xf32>
    %slice3A = vector.extract_strided_slice %get3A_10 {offsets = [0], sizes = [10000], strides = [1]} : vector<10240xf32> to vector<10000xf32>
    %broadcast_in_dim3A = vector.shape_cast %slice3A : vector<10000xf32> to vector<10000x1xf32>
    %mul3A = vector.broadcast %broadcast_in_dim3A : vector<10000x1xf32> to vector<10000x128xf32>
    %mul3A_11 = arith.mulf %add3A, %mul3A : vector<10000x128xf32>
    %get3A_12 = arith.constant 0 : index
    %get3A_13 = vector.load %arg4[%get3A_12] : memref<128xf32, #tpu.memory_space<vmem>>, vector<128xf32>
    %broadcast_in_dim3A_14 = vector.shape_cast %get3A_13 : vector<128xf32> to vector<1x128xf32>
    %add3A_15 = vector.broadcast %broadcast_in_dim3A_14 : vector<1x128xf32> to vector<10000x128xf32>
    %add3A_16 = arith.addf %mul3A_11, %add3A_15 : vector<10000x128xf32>
    %max3A = arith.constant 0.000000e+00 : f32
    %max3A_17 = vector.broadcast %max3A : f32 to vector<10000x128xf32>
    %max3A_18 = arith.maximumf %add3A_16, %max3A_17 : vector<10000x128xf32>
    %get3A_19 = arith.constant 0 : index
    %get3A_20 = arith.constant 0 : index
    %get3A_21 = vector.load %arg1[%get3A_19, %get3A_20] : memref<2x10240xf32, #tpu.memory_space<vmem>>, vector<1x10240xf32>
    %get3A_22 = vector.shape_cast %get3A_21 : vector<1x10240xf32> to vector<10240xf32>
    %get3A_23 = arith.constant 1 : index
    %get3A_24 = arith.constant 0 : index
    %get3A_25 = vector.load %arg1[%get3A_23, %get3A_24] : memref<2x10240xf32, #tpu.memory_space<vmem>>, vector<1x10240xf32>
    %get3A_26 = vector.shape_cast %get3A_25 : vector<1x10240xf32> to vector<10240xf32>
    %add3A_27 = arith.addf %get3A_22, %get3A_26 : vector<10240xf32>
    %slice3A_28 = vector.extract_strided_slice %add3A_27 {offsets = [0], sizes = [10000], strides = [1]} : vector<10240xf32> to vector<10000xf32>
    %get3A_29 = arith.constant 0 : index
    %get3A_30 = vector.load %arg3[%get3A_29] : memref<10000xf32, #tpu.memory_space<vmem>>, vector<10000xf32>
    %mul3A_31 = arith.mulf %slice3A_28, %get3A_30 : vector<10000xf32>
    %broadcast_in_dim3A_32 = vector.shape_cast %mul3A_31 : vector<10000xf32> to vector<10000x1xf32>
    %mul3A_33 = vector.broadcast %broadcast_in_dim3A_32 : vector<10000x1xf32> to vector<10000x128xf32>
    %mul3A_34 = arith.mulf %max3A_18, %mul3A_33 : vector<10000x128xf32>
    %reduce_sum3A = arith.constant dense<0.000000e+00> : vector<128xf32>
    %reduce_sum3A_35 = vector.multi_reduction <add>, %mul3A_34, %reduce_sum3A [0] : vector<10000x128xf32> to vector<128xf32>
    %broadcast_in_dim3A_36 = vector.shape_cast %reduce_sum3A_35 : vector<128xf32> to vector<1x128xf32>
    %get3A_37 = arith.constant 0 : index
    %get3A_38 = arith.constant 0 : index
    %get3A_39 = vector.load %arg5[%get3A_37, %get3A_38] : memref<128x128xf32, #tpu.memory_space<vmem>>, vector<128x128xf32>
    %dot_general3A = arith.constant dense<0.000000e+00> : vector<1x128xf32>
    %dot_general3A_40 = tpu.matmul %broadcast_in_dim3A_36, %get3A_39, %dot_general3A {dimension_numbers = #tpu.dot_dimension_numbers<[1], [0], [0], [1], [0, 0, 1, 1], [], []>, transpose_lhs_hint = false} : vector<1x128xf32>, vector<128x128xf32>, vector<1x128xf32> -> vector<1x128xf32>
    %mul3A_41 = arith.constant 9.99999974E-5 : f32
    %mul3A_42 = vector.broadcast %mul3A_41 : f32 to vector<1x128xf32>
    %mul3A_43 = arith.mulf %dot_general3A_40, %mul3A_42 : vector<1x128xf32>
    %get3A_44 = arith.constant 0 : index
    %get3A_45 = vector.load %arg6[%get3A_44] : memref<128xf32, #tpu.memory_space<vmem>>, vector<128xf32>
    %broadcast_in_dim3A_46 = vector.shape_cast %get3A_45 : vector<128xf32> to vector<1x128xf32>
    %add3A_47 = arith.addf %mul3A_43, %broadcast_in_dim3A_46 : vector<1x128xf32>
    %swap3A = arith.constant 0 : index
    %swap3A_48 = arith.constant 0 : index
    %swap3A_49 = vector.load %arg7[%swap3A, %swap3A_48] : memref<1x128xf32, #tpu.memory_space<vmem>>, vector<1x128xf32>
    tpu.vector_store %arg7[%swap3A, %swap3A_48], %add3A_47 {strides = array<i32>} : memref<1x128xf32, #tpu.memory_space<vmem>>, vector<1x128xf32>,
    return
  }
}

</mosaic_0001>

<sc_bundles>
// kernel: kernel.6.cloned.1.call-start
scs
__scs_entry_jumppad:
0x0: {  	(pc) =	sbr.rel $0x88, $3  }
0x1: {  	(tag) =	ssettag $0x0;
	lr =	simm.s32 $0x1  }
0x2: {  	[smem:$0x3F9B] =	sst lr;
	_ =	strace $0xD0000000  }
0x3: {  	_ = 	snop  }
0x4: {  	_ = 	snop  }
0x5: {  	_ = 	snop  }
0x6: {  	_ = 	snop  }
0x7: {  	_ = 	snop  }
__scs_overlays_trampoline_lowered:
0x8: {  	[smem:$0x3FAA] =	sst s0  }
0x9: {  	[smem:$0x3FAB] =	sst s1  }
0xa: {  	[smem:$0x3FAC] =	sst s2  }
0xb: {  	[smem:$0x3FAD] =	sst s3  }
0xc: {  	[smem:$0x3FAE] =	sst s4  }
0xd: {  	[smem:$0x3FAF] =	sst s5  }
0xe: {  	[smem:$0x3FB0] =	sst s6  }
0xf: {  	[smem:$0x3FB1] =	sst s7  }
0x10: {  	[smem:$0x3FB2] =	sst s8  }
0x11: {  	[smem:$0x3FB3] =	sst s9;
	s0 =	simm.s32 @!p0 $0x0  }
0x12: {  	s1 =	sld [smem:$0x3F99];
	s0 =	simm.s32 @p0 $0x1  }
0x13: {  	[smem:$0x3FB4] =	sst s0;
	s0 =	simm.s32 @!p1 $0x0  }
0x14: {  	s2 =	sld [smem:$0x3F98];
	s0 =	simm.s32 @p1 $0x1  }
0x15: {  	[smem:$0x3FB5] =	sst s0;
	s0 =	simm.s32 @!p2 $0x0  }
0x16: {  	s3 =	sld [smem:$0x3FDB];
	s0 =	simm.s32 @p2 $0x1  }
0x17: {  	s4 =	simm.s32 $0x1BF5;
	[smem:$0x3FB7] =	sst s0  }
0x18: {  	s0 =	sld [smem:$0x3F9A];
	_ =	swait.ge [sflag:s4], $0x0  }
0x19: {  	s7 =	sld [smem:$0x3F9B]  }
0x1a: {  	s8 =	sadd.s32 $0xFFFFE003, lr  }
0x1b: {  	s9 =	sadd.s32 $0xFFFFFEF7, lr;
	s5 =	simm.s32 $0xFFFFFFFF;
	p2 =	slt.u32 s8, $0xFFFFF086  }
0x1c: {  	p1 =	slt.u32 s9, $0xF7A;
	s5 =	simm.s32 @!p2 $0x0  }
0x1d: {  	s5 =	simm.s32 @p1 $0x1;
	p0 =	seq.s32 s7, s2  }
0x1e: {  	s7 =	smul.u32 @!p0 $0xF7A, s2;
	p2 =	seq.s32 @!p0 s5, $0x0  }
0x1f: {  	s9 =	smul.u32 $0xF7A, s1;
	s8 =	simm.s32 @!p0 $0x1BF5;
	p2 =	por !p2, p0  }
0x20: {  	[sflag:s8] =	ssyncset.s32 @!p0 $0xFFFFF086;
	s6 =	sadd.s32 @!p0 s3, s7;
	s7 =	simm.s32 @!p0 $0x108  }
0x21: {  	s3 =	sadd.s32 s3, s9;
	s6 =	sadd.s32 @!p0 $0x88, s6;
	s7 =	simm.s32 @p2 $0x1082  }
0x22: {  	[simem:s7], [sflag:s8] =	dma.local @!p0 [hbm:s6], $0xF7A  }
0x23: {  	s9 =	sor.u32 $0xD0000000, s2;
	s6 =	simm.s32 $0x108;
	_ =	swait.ge @!p0 [sflag:s8], $0x0  }
0x24: {  	s3 =	sadd.s32 $0x88, s3;
	s6 =	simm.s32 @!p1 $0x1082;
	[sflag:s4] =	ssyncset.s32 $0xFFFFF086  }
0x25: {  	[simem:s6], [sflag:s4] =	dma.local [hbm:s3], $0xF7A  }
0x26: {  	[smem:$0x3F9B] =	sst s1;
	(tag) =	ssettag s2;
	_ =	strace s9  }
0x27: {  	s1 =	sld [smem:$0x3FAB]  }
0x28: {  	s2 =	sld [smem:$0x3FAC]  }
0x29: {  	s4 =	sld [smem:$0x3FAE]  }
0x2a: {  	p0 =	seq.s32 s5, $0x0;
	s5 =	sld [smem:$0x3FAF]  }
0x2b: {  	s6 =	sld [smem:$0x3FB0]  }
0x2c: {  	s7 =	sld [smem:$0x3FB1]  }
0x2d: {  	s3 =	simm.s32 $0x108;
	s8 =	sld [smem:$0x3FB2]  }
0x2e: {  	s3 =	simm.s32 @!p0 $0x1082;
	s9 =	sld [smem:$0x3FB3]  }
0x2f: {  	lr =	sadd.s32 s0, s3;
	s0 =	sld [smem:$0x3FAA]  }
0x30: {  	s3 =	sld [smem:$0x3FAD]  }
0x31: {  	[smem:$0x3FB6] =	sst s10  }
0x32: {  	s10 =	sld [smem:$0x3FB4];
	_ =	sdelay $0x3  }
0x33: {  	p0 =	seq.s32 s10, $0x1;
	s10 =	sld [smem:$0x3FB6];
	_ =	sdelay $0x3  }
0x34: {  	[smem:$0x3FB6] =	sst s10  }
0x35: {  	s10 =	sld [smem:$0x3FB5];
	_ =	sdelay $0x3  }
0x36: {  	p1 =	seq.s32 s10, $0x1;
	s10 =	sld [smem:$0x3FB6];
	_ =	sdelay $0x3  }
0x37: {  	[smem:$0x3FB6] =	sst s10  }
0x38: {  	s10 =	sld [smem:$0x3FB7]  }
0x39: {  	_ = 	snop;
	(pc) =	sbr.ind lr, $3  }
0x3a: {  	_ = 	snop  }
0x3b: {  	_ = 	snop  }
0x3c: {  	p2 =	seq.s32 s10, $0x1;
	s10 =	sld [smem:$0x3FB6]  }
0x3d: {  	_ =	shalt  }
0x3e: {  	_ =	shalt  }
0x3f: {  	_ =	shalt  }
0x40: {  	_ =	shalt  }
0x41: {  	_ =	shalt  }
0x42: {  	_ =	shalt  }
0x43: {  	_ =	shalt  }
0x44: {  	_ =	shalt  }
0x45: {  	_ =	shalt  }
0x46: {  	_ =	shalt  }
0x47: {  	_ =	shalt  }
0x48: {  	_ =	shalt  }
0x49: {  	_ =	shalt  }
0x4a: {  	_ =	shalt  }
0x4b: {  	_ =	shalt  }
0x4c: {  	_ =	shalt  }
0x4d: {  	_ =	shalt  }
0x4e: {  	_ =	shalt  }
0x4f: {  	_ =	shalt  }
0x50: {  	_ =	shalt  }
0x51: {  	_ =	shalt  }
0x52: {  	_ =	shalt  }
0x53: {  	_ =	shalt  }
0x54: {  	_ =	shalt  }
0x55: {  	_ =	shalt  }
0x56: {  	_ =	shalt  }
0x57: {  	_ =	shalt  }
0x58: {  	_ =	shalt  }
0x59: {  	_ =	shalt  }
0x5a: {  	_ =	shalt  }
0x5b: {  	_ =	shalt  }
0x5c: {  	_ =	shalt  }
0x5d: {  	_ =	shalt  }
0x5e: {  	_ =	shalt  }
0x5f: {  	_ =	shalt  }
0x60: {  	_ =	shalt  }
0x61: {  	_ =	shalt  }
0x62: {  	_ =	shalt  }
0x63: {  	_ =	shalt  }
0x64: {  	_ =	shalt  }
0x65: {  	_ =	shalt  }
0x66: {  	_ =	shalt  }
0x67: {  	_ =	shalt  }
0x68: {  	_ =	shalt  }
0x69: {  	_ =	shalt  }
0x6a: {  	_ =	shalt  }
0x6b: {  	_ =	shalt  }
0x6c: {  	_ =	shalt  }
0x6d: {  	_ =	shalt  }
0x6e: {  	_ =	shalt  }
0x6f: {  	_ =	shalt  }
0x70: {  	_ =	shalt  }
0x71: {  	_ =	shalt  }
0x72: {  	_ =	shalt  }
0x73: {  	_ =	shalt  }
0x74: {  	_ =	shalt  }
0x75: {  	_ =	shalt  }
0x76: {  	_ =	shalt  }
0x77: {  	_ =	shalt  }
0x78: {  	_ =	shalt  }
0x79: {  	_ =	shalt  }
0x7a: {  	_ =	shalt  }
0x7b: {  	_ =	shalt  }
0x7c: {  	_ =	shalt  }
0x7d: {  	_ =	shalt  }
0x7e: {  	_ =	shalt  }
0x7f: {  	_ =	shalt  }
0x80: {  	_ =	shalt  }
0x81: {  	_ =	shalt  }
0x82: {  	_ =	shalt  }
0x83: {  	_ =	shalt  }
0x84: {  	_ =	shalt  }
0x85: {  	_ =	shalt  }
0x86: {  	_ =	shalt  }
0x87: {  	_ =	shalt  }
.Lfunc_end0:
.L_simem_size_0:
called_computation_lowered:
.L_overlay_start_0:
0x88: {  	s2 =	sld [smem:$0x3FD9]  }
0x89: {  	s3 =	sld [smem:$0x3FFE];
	_ =	sdelay $0x1  }
0x8a: {  	s1 =	srdreg.scid  }
0x8b: {  	s0 =	sand.u32 $0x1, s1  }
0x8c: {  	s16 =	sshll.u32 s0, $0xA;
	s2 =	sadd.s32 s3, s2  }
0x8d: {  	s2 =	sadd.s32 s2, s16  }
0x8e: {  	[smem:$0x3FC2] =	sst s2  }
0x8f: {  	_ = 	snop  }
0x90: {  	(tm) =	ssettm $0x1  }
0x91: {  	s17 =	sld [smem:$0x3FFB];
	_ =	sdelay $0x3  }
0x92: {  	_ =	strace s17  }
0x93: {  	s2 =	sld [smem:$0x3FFC];
	_ =	sdelay $0x3  }
0x94: {  	_ =	strace s2  }
0x95: {  	s2 =	sld [smem:$0x3FFD];
	_ =	sdelay $0x3  }
0x96: {  	_ =	strace s2  }
0x97: {  	_ =	strace $0x8FFFFFFF  }
0x98: {  	s18 =	sld [smem:$0x3FDB];
	_ =	sdelay $0x1  }
0x99: {  	s19 =	simm.s32 $_scs_section_size  }
0x9a: {  	s4 =	simm.s32 $_size__tile_overlayer_lowered;
	s5 =	simm.s32 $_tile_overlayer_lowered  }
0x9b: {  	s22 =	simm.s32 $0x1BFF;
	s21 =	sshll.u32 s5, $0x1;
	s2 =	sadd.s32 s19, s18  }
0x9c: {  	s6 =	simm.s32 $0x0;
	s20 =	sshll.u32 s4, $0x1;
	s4 =	sadd.s32 s21, s2  }
0x9d: {  	[timem:s6], [sflag:s22] =	dma.local [hbm:s4], s20  }
0x9e: {  	_ =	swait.ge [sflag:s22], s20  }
0x9f: {  	s3 =	ssub.s32 $0x0, s20;
	[sflag:s22] =	ssyncset.done $0x0  }
0xa0: {  	[sflag:s22] =	ssyncadd.s32 s3;
	_ =	sdelay $0x1  }
0xa1: {  	s23 =	simm.s32 $0x1B8B  }
0xa2: {  	_ =	swait.ge [sflag:s23], $0x1  }
0xa3: {  	[sflag:s23] =	ssyncset.done $0x0  }
0xa4: {  	s25 =	simm.s32 $0x1B8E;
	s24 =	sld [smem:$0x3FFE];
	[sflag:s23] =	ssyncadd.s32 $0xFFFFFFFF  }
0xa5: {  	s26 =	simm.s32 $execute0_lowered;
	[smem:$0x3FD2] =	sst s25  }
0xa6: {  	s4 =	sshll.u32 s26, $0x1;
	_ =	strace $0x80000046;
	[dreg:$0x1] =	wrdreg $0xFFFFFFFF  }
0xa7: {  	s28 =	simm.s32 $_size_execute0_lowered;
	s2 =	sadd.s32 s2, s4;
	[dreg:$0x0] =	wrdreg $0x0  }
0xa8: {  	s4 =	sshll.u32 s28, $0x1;
	[dreg:$0x2] =	wrdreg s2  }
0xa9: {  	[dreg:$0x3] =	wrdreg s4  }
0xaa: {  	[dreg:$0x4] =	wrdreg $0xC0  }
0xab: {  	_ =	task [dreg:s6], $0x5FFFF  }
0xac: {  	[dreg:$0x1] =	wrdreg $0xFFFFFFFF  }
0xad: {  	[dreg:$0x0] =	wrdreg $0x60  }
0xae: {  	[dreg:$0x2] =	wrdreg s24  }
0xaf: {  	[dreg:$0x3] =	wrdreg $0x9  }
0xb0: {  	_ =	task.clear_ibuf [dreg:s6], $0x4FFFF;
	_ =	strace $0x90000046  }
0xb1: {  	s29 =	simm.s32 $0x9;
	_ =	strace $0x80000048  }
0xb2: {  	_ =	swait.ge [sflag:s29], $0x1  }
0xb3: {  	[sflag:s29] =	ssyncadd.s32 $0xFFFFFFFF  }
0xb4: {  	_ =	strace $0x90000048  }
0xb5: {  	_ =	sfence  }
0xb6: {  	s30 =	sld [smem:$0x0];
	_ =	sdelay $0x2  }
0xb7: {  	s31 =	sshll.u32 s1, $0xD;
	s1 =	sshrl.u32 s1, $0x2  }
0xb8: {  	s3 =	sand.u32 $0x4000, s31;
	s1 =	sadd.s32 s1, s30  }
0xb9: {  	s0 =	sor.u32 s3, s0;
	s1 =	sshll.u32 s1, $0x11  }
0xba: {  	s0 =	sor.u32 s1, s0  }
0xbb: {  	s0 =	sadd.s32 $0x8F2B, s0  }
0xbc: {  	[sflag:s0] =	ssyncadd.remote.s32 $0x1  }
0xbd: {  	_ =	sfence.sel $0xFFFF  }
0xbe: {  	[dreg:$0x0] =	wrdreg $0xFFFFFFFF;
	(pc) =	sbr.abs _section_cstart, $3  }
0xbf: {  	[dreg:$0x1] =	wrdreg $0xFFFFFFFF  }
0xc0: {  	_ =	task.clear_ibuf [dreg:s6], $0x2FFFF;
	_ =	strace $0x9FFFFFFF  }
0xc1: {  	(tm) =	ssettm $0x7FFFFFFF  }
tec
execute0_lowered:
.L_overlay_start_1:
0x0: {  	(tag) =	ssettag $0x1  }
0x1: {  	s3 =	rddreg [dreg:$0x0]  }
0x2: {  	s1 =	srdreg.scid;
	s0 =	stileid.u32  }
0x3: {  	s10 =	simm.s32 $0x2780;
	s11 =	simm.s32 $0x1;
	s12 =	simm.s32 $0x2  }
0x4: {  	s13 =	simm.s32 $0x4F00;
	s14 =	simm.s32 $0x7700;
	s15 =	simm.s32 $0x3  }
0x5: {  	s16 =	simm.s32 $0x0;
	s4 =	sand.u32 $0x1, s1;
	s22 =	sshrl.u32 s0, $0x2  }
0x6: {  	s2 =	sshll.u32 s0, $0x8;
	s1 =	rddreg [dreg:$0x1];
	s24 =	sshrl.u32 s0, $0x3  }
0x7: {  	s8 =	sshll.u32 s0, $0x7;
	s26 =	sadd.s32 $0x15E00, s3;
	s5 =	smul.u32 $0x13C00, s22  }
0x8: {  	s6 =	sshll.u32 s4, $0x7;
	s7 =	sand.u32 $0x300, s2;
	s2 =	simm.s32 $0x0  }
0x9: {  	s23 =	smul.u32 $0x28000, s4;
	s4 =	ssub.s32 $0x2, s4;
	s25 =	sand.u32 $0x380, s8  }
0xa: {  	s8 =	simm.s32 $0x80;
	s6 =	sor.u32 s6, s7;
	s7 =	smul.u32 $0x14000, s24  }
0xb: {  	[smem:$0x7FF] =	sst s2;
	s28 =	sshrl.u32 s4, $0x1;
	s5 =	sor.u32 s5, s6  }
0xc: {  	_ =	strace $0x80000047;
	s5 =	sshrl.u32 s5, $0x3;
	s6 =	sadd.s32 s23, s7  }
0xd: {  	s29 =	ssub.s32 s4, s28;
	s5 =	sadd.s32 s5, s3;
	s6 =	sor.u32 s25, s6  }
0xe: {  	s7 =	smax.u32 s29, $0x1;
	s3 =	sadd.s32 $0xC000, s5;
	s9 =	sadd.s32 $0x50000, s6  }
0xf: {  	s4 =	sadd.s32 $0x2200, s5;
	s30 =	sshrl.u32 s6, $0x3;
	s31 =	sshrl.u32 s9, $0x3  }
0x10: {  	v0 =	vimm.f32 $0.0e+00;
	v1 =	vimm.f32 $1.000000000e+00;
	s5 =	sadd.s32 s26, s30;
	s9 =	simm.s32 $0x400;
	s6 =	sadd.s32 s26, s31  }
.LBB2_1:
0x11: {  	[tilespmem:s2], [sflag:$0x1] =	stream.strided.gather [hbm4b:s3+s8], $0x2780, s9, s8, $0x38;
	[tilespmem:$0x9F00] =	vst v63  }
0x12: {  	s17 =	simm.s32 $0x0  }
0x13: {  	[tilespmem:s10], [sflag:$0x2] =	stream.strided.gather [hbm4b:s4+s8], $0x2780, s9, s8, $0x38;
	[tilespmem:$0x9F00] =	vst v63  }
.LBB2_2:
0x14: {  	p0 =	sne.s32 s17, $0x9FC0  }
.Ltmp0:
0x15: {  	_ = 	snop;
	(pc) =	sbr.rel @p0 .LBB2_2-.Ltmp0, $3  }
0x16: {  	_ =	sdelay $0x1  }
0x17: {  	s18 =	sshra.s32 s17, $0x2  }
0x18: {  	s17 =	sadd.s32 $0x40, s17;
	[tilespmem:s18+$0x4F00] =	vst v0  }
0x19: {  	s17 =	simm.s32 $0x40;
	s18 =	simm.s32 $0x0  }
.LBB2_4:
0x1a: {  	p0 =	sne.s32 s17, $0x9FC0;
	[tilespmem:s18+$0x7700] =	vst v0;
	s18 =	smov.u32 s17;
	s17 =	sadd.s32 $0x40, s17  }
.Ltmp1:
0x1b: {  	(pc) =	sbr.rel @p0 .LBB2_4-.Ltmp1, $2  }
0x1c: {  	_ =	sdelay $0x2  }
0x1d: {  	s18 =	sshra.s32 s18, $0x2  }
0x1e: {  	[tilespmem:s18+$0x7700] =	vst v0  }
0x1f: {  	_ =	swait.ge [sflag:s11], $0x2780  }
0x20: {  	[sflag:s11] =	ssyncset.done $0x0  }
0x21: {  	[sflag:s11] =	ssyncadd.s32 $0xFFFFD880  }
0x22: {  	_ =	swait.ge [sflag:s12], $0x2780  }
0x23: {  	[sflag:s12] =	ssyncset.done $0x0  }
0x24: {  	s18 =	simm.s32 $0x0;
	s17 =	simm.s32 $0x40;
	[sflag:s12] =	ssyncadd.s32 $0xFFFFD880  }
.LBB2_6:
0x25: {  	p0 =	sne.s32 s17, $0x9C00;
	v2 =	vld [tilespmem:s18+$0x0];
	_ =	sdelay $0x7  }
0x26: {  	[tilespmem:v2+s13+$0x0] =	vst.idx.add.f32.msk $0xffff, v1  }
0x27: {  	v2 =	vld [tilespmem:s18+$0x2780];
	_ =	sdelay $0x3  }
.Ltmp2:
0x28: {  	(pc) =	sbr.rel @p0 .LBB2_6-.Ltmp2, $2  }
0x29: {  	_ =	sdelay $0x2  }
0x2a: {  	s18 =	sshra.s32 s17, $0x2;
	s17 =	sadd.s32 $0x40, s17;
	[tilespmem:v2+s14+$0x0] =	vst.idx.add.f32.msk $0xffff, v1  }
0x2b: {  	v2 =	vld [tilespmem:s18+$0x0];
	_ =	sdelay $0x7  }
0x2c: {  	[tilespmem:v2+s13+$0x0] =	vst.idx.add.f32.msk $0xffff, v1  }
0x2d: {  	v2 =	vld [tilespmem:s18+$0x2780];
	_ =	sdelay $0x7  }
0x2e: {  	[tilespmem:v2+s14+$0x0] =	vst.idx.add.f32.msk $0xffff, v1  }
0x2f: {  	[hbm4b:s5+s8] =	stream.strided.scatter [tilespmem:s13], [sflag:$0x3], $0x2800, s9, s8, $0x38;
	[tilespmem:$0x9F00] =	vst v63  }
0x30: {  	s16 =	sadd.s32 $0x1, s16;
	_ =	swait.ge [sflag:s15], $0x2800  }
0x31: {  	p0 =	sne.s32 s16, s7;
	[sflag:s15] =	ssyncset.done $0x0  }
.Ltmp3:
0x32: {  	[sflag:s15] =	ssyncadd.s32 $0xFFFFD800;
	(pc) =	sbr.rel @p0 .LBB2_1-.Ltmp3, $4  }
0x33: {  	[hbm4b:s6+s8] =	stream.strided.scatter [tilespmem:s14], [sflag:$0x3], $0x2800, s9, s8, $0x38;
	[tilespmem:$0x9F00] =	vst v63  }
0x34: {  	_ =	swait.ge [sflag:s15], $0x2800  }
0x35: {  	[sflag:s15] =	ssyncset.done $0x0  }
0x36: {  	[sflag:s15] =	ssyncadd.s32 $0xFFFFD800  }
0x37: {  	_ =	sfence.sel $0x180000  }
0x38: {  	[bflag:$0x0] =	sbarrier.arrive $0xFFFF  }
0x39: {  	p0 =	sne.s32 s0, $0x0;
	_ =	strace $0x90000047  }
0x3a: {  	s0 =	sadd.s32 @!p0 $0x100000, s1;
	[bflag:$0x2] =	sbarrier.arrive $0xFFFF  }
0x3b: {  	[sflag:s0] =	ssyncadd.tile.s32 @!p0 $0x1;
	_ =	shalt  }
.Lfunc_end2:
_tile_overlayer_lowered:
.L_overlay_start_2:
0x3c: {  	(tag) =	ssettag $0x2  }
0x3d: {  	s0 =	rddreg [dreg:$0x0];
	s2 =	stileid.u32  }
0x3e: {  	s1 =	rddreg [dreg:$0x1];
	p0 =	sne.s32 s2, $0x0  }
0x3f: {  	s3 =	rddreg [dreg:$0x2];
	[bflag:$0x3] =	sbarrier.arrive $0xFFFF;
	s2 =	simm.s32 @!p0 $0x1C03  }
0x40: {  	[timem:s3], [sflag:s2] =	dma.local @!p0 [hbm:s0], s1  }
0x41: {  	s0 =	simm.s32 @!p0 $0x3  }
0x42: {  	_ =	swait.ge @!p0 [sflag:s0], s1  }
0x43: {  	s1 =	ssub.s32 @!p0 $0x0, s1;
	[sflag:s0] =	ssyncset.done @!p0 $0x0  }
0x44: {  	[sflag:s0] =	ssyncadd.s32 @!p0 s1  }
0x45: {  	[bflag:$0x3] =	sbarrier.arrive $0xFFFF  }
0x46: {  	_ =	shalt  }

// kernel: kernel.9.cloned.1.call-start
scs
__scs_entry_jumppad:
0x0: {  	(pc) =	sbr.rel $0x88, $3  }
0x1: {  	(tag) =	ssettag $0x0;
	lr =	simm.s32 $0x1  }
0x2: {  	[smem:$0x3F9B] =	sst lr;
	_ =	strace $0xD0000000  }
0x3: {  	_ = 	snop  }
0x4: {  	_ = 	snop  }
0x5: {  	_ = 	snop  }
0x6: {  	_ = 	snop  }
0x7: {  	_ = 	snop  }
__scs_overlays_trampoline_lowered:
0x8: {  	[smem:$0x3FAA] =	sst s0  }
0x9: {  	[smem:$0x3FAB] =	sst s1  }
0xa: {  	[smem:$0x3FAC] =	sst s2  }
0xb: {  	[smem:$0x3FAD] =	sst s3  }
0xc: {  	[smem:$0x3FAE] =	sst s4  }
0xd: {  	[smem:$0x3FAF] =	sst s5  }
0xe: {  	[smem:$0x3FB0] =	sst s6  }
0xf: {  	[smem:$0x3FB1] =	sst s7  }
0x10: {  	[smem:$0x3FB2] =	sst s8  }
0x11: {  	[smem:$0x3FB3] =	sst s9;
	s0 =	simm.s32 @!p0 $0x0  }
0x12: {  	s1 =	sld [smem:$0x3F99];
	s0 =	simm.s32 @p0 $0x1  }
0x13: {  	[smem:$0x3FB4] =	sst s0;
	s0 =	simm.s32 @!p1 $0x0  }
0x14: {  	s2 =	sld [smem:$0x3F98];
	s0 =	simm.s32 @p1 $0x1  }
0x15: {  	[smem:$0x3FB5] =	sst s0;
	s0 =	simm.s32 @!p2 $0x0  }
0x16: {  	s3 =	sld [smem:$0x3FDB];
	s0 =	simm.s32 @p2 $0x1  }
0x17: {  	s4 =	simm.s32 $0x1BF5;
	[smem:$0x3FB7] =	sst s0  }
0x18: {  	s0 =	sld [smem:$0x3F9A];
	_ =	swait.ge [sflag:s4], $0x0  }
0x19: {  	s7 =	sld [smem:$0x3F9B]  }
0x1a: {  	s8 =	sadd.s32 $0xFFFFE003, lr  }
0x1b: {  	s9 =	sadd.s32 $0xFFFFFEF7, lr;
	s5 =	simm.s32 $0xFFFFFFFF;
	p2 =	slt.u32 s8, $0xFFFFF086  }
0x1c: {  	p1 =	slt.u32 s9, $0xF7A;
	s5 =	simm.s32 @!p2 $0x0  }
0x1d: {  	s5 =	simm.s32 @p1 $0x1;
	p0 =	seq.s32 s7, s2  }
0x1e: {  	s7 =	smul.u32 @!p0 $0xF7A, s2;
	p2 =	seq.s32 @!p0 s5, $0x0  }
0x1f: {  	s9 =	smul.u32 $0xF7A, s1;
	s8 =	simm.s32 @!p0 $0x1BF5;
	p2 =	por !p2, p0  }
0x20: {  	[sflag:s8] =	ssyncset.s32 @!p0 $0xFFFFF086;
	s6 =	sadd.s32 @!p0 s3, s7;
	s7 =	simm.s32 @!p0 $0x108  }
0x21: {  	s3 =	sadd.s32 s3, s9;
	s6 =	sadd.s32 @!p0 $0x88, s6;
	s7 =	simm.s32 @p2 $0x1082  }
0x22: {  	[simem:s7], [sflag:s8] =	dma.local @!p0 [hbm:s6], $0xF7A  }
0x23: {  	s9 =	sor.u32 $0xD0000000, s2;
	s6 =	simm.s32 $0x108;
	_ =	swait.ge @!p0 [sflag:s8], $0x0  }
0x24: {  	s3 =	sadd.s32 $0x88, s3;
	s6 =	simm.s32 @!p1 $0x1082;
	[sflag:s4] =	ssyncset.s32 $0xFFFFF086  }
0x25: {  	[simem:s6], [sflag:s4] =	dma.local [hbm:s3], $0xF7A  }
0x26: {  	[smem:$0x3F9B] =	sst s1;
	(tag) =	ssettag s2;
	_ =	strace s9  }
0x27: {  	s1 =	sld [smem:$0x3FAB]  }
0x28: {  	s2 =	sld [smem:$0x3FAC]  }
0x29: {  	s4 =	sld [smem:$0x3FAE]  }
0x2a: {  	p0 =	seq.s32 s5, $0x0;
	s5 =	sld [smem:$0x3FAF]  }
0x2b: {  	s6 =	sld [smem:$0x3FB0]  }
0x2c: {  	s7 =	sld [smem:$0x3FB1]  }
0x2d: {  	s3 =	simm.s32 $0x108;
	s8 =	sld [smem:$0x3FB2]  }
0x2e: {  	s3 =	simm.s32 @!p0 $0x1082;
	s9 =	sld [smem:$0x3FB3]  }
0x2f: {  	lr =	sadd.s32 s0, s3;
	s0 =	sld [smem:$0x3FAA]  }
0x30: {  	s3 =	sld [smem:$0x3FAD]  }
0x31: {  	[smem:$0x3FB6] =	sst s10  }
0x32: {  	s10 =	sld [smem:$0x3FB4];
	_ =	sdelay $0x3  }
0x33: {  	p0 =	seq.s32 s10, $0x1;
	s10 =	sld [smem:$0x3FB6];
	_ =	sdelay $0x3  }
0x34: {  	[smem:$0x3FB6] =	sst s10  }
0x35: {  	s10 =	sld [smem:$0x3FB5];
	_ =	sdelay $0x3  }
0x36: {  	p1 =	seq.s32 s10, $0x1;
	s10 =	sld [smem:$0x3FB6];
	_ =	sdelay $0x3  }
0x37: {  	[smem:$0x3FB6] =	sst s10  }
0x38: {  	s10 =	sld [smem:$0x3FB7]  }
0x39: {  	_ = 	snop;
	(pc) =	sbr.ind lr, $3  }
0x3a: {  	_ = 	snop  }
0x3b: {  	_ = 	snop  }
0x3c: {  	p2 =	seq.s32 s10, $0x1;
	s10 =	sld [smem:$0x3FB6]  }
0x3d: {  	_ =	shalt  }
0x3e: {  	_ =	shalt  }
0x3f: {  	_ =	shalt  }
0x40: {  	_ =	shalt  }
0x41: {  	_ =	shalt  }
0x42: {  	_ =	shalt  }
0x43: {  	_ =	shalt  }
0x44: {  	_ =	shalt  }
0x45: {  	_ =	shalt  }
0x46: {  	_ =	shalt  }
0x47: {  	_ =	shalt  }
0x48: {  	_ =	shalt  }
0x49: {  	_ =	shalt  }
0x4a: {  	_ =	shalt  }
0x4b: {  	_ =	shalt  }
0x4c: {  	_ =	shalt  }
0x4d: {  	_ =	shalt  }
0x4e: {  	_ =	shalt  }
0x4f: {  	_ =	shalt  }
0x50: {  	_ =	shalt  }
0x51: {  	_ =	shalt  }
0x52: {  	_ =	shalt  }
0x53: {  	_ =	shalt  }
0x54: {  	_ =	shalt  }
0x55: {  	_ =	shalt  }
0x56: {  	_ =	shalt  }
0x57: {  	_ =	shalt  }
0x58: {  	_ =	shalt  }
0x59: {  	_ =	shalt  }
0x5a: {  	_ =	shalt  }
0x5b: {  	_ =	shalt  }
0x5c: {  	_ =	shalt  }
0x5d: {  	_ =	shalt  }
0x5e: {  	_ =	shalt  }
0x5f: {  	_ =	shalt  }
0x60: {  	_ =	shalt  }
0x61: {  	_ =	shalt  }
0x62: {  	_ =	shalt  }
0x63: {  	_ =	shalt  }
0x64: {  	_ =	shalt  }
0x65: {  	_ =	shalt  }
0x66: {  	_ =	shalt  }
0x67: {  	_ =	shalt  }
0x68: {  	_ =	shalt  }
0x69: {  	_ =	shalt  }
0x6a: {  	_ =	shalt  }
0x6b: {  	_ =	shalt  }
0x6c: {  	_ =	shalt  }
0x6d: {  	_ =	shalt  }
0x6e: {  	_ =	shalt  }
0x6f: {  	_ =	shalt  }
0x70: {  	_ =	shalt  }
0x71: {  	_ =	shalt  }
0x72: {  	_ =	shalt  }
0x73: {  	_ =	shalt  }
0x74: {  	_ =	shalt  }
0x75: {  	_ =	shalt  }
0x76: {  	_ =	shalt  }
0x77: {  	_ =	shalt  }
0x78: {  	_ =	shalt  }
0x79: {  	_ =	shalt  }
0x7a: {  	_ =	shalt  }
0x7b: {  	_ =	shalt  }
0x7c: {  	_ =	shalt  }
0x7d: {  	_ =	shalt  }
0x7e: {  	_ =	shalt  }
0x7f: {  	_ =	shalt  }
0x80: {  	_ =	shalt  }
0x81: {  	_ =	shalt  }
0x82: {  	_ =	shalt  }
0x83: {  	_ =	shalt  }
0x84: {  	_ =	shalt  }
0x85: {  	_ =	shalt  }
0x86: {  	_ =	shalt  }
0x87: {  	_ =	shalt  }
.Lfunc_end0:
.L_simem_size_0:
called_computation.1_lowered:
.L_overlay_start_0:
0x88: {  	s2 =	sld [smem:$0x3FD9]  }
0x89: {  	s3 =	sld [smem:$0x3FFE];
	_ =	sdelay $0x1  }
0x8a: {  	s1 =	srdreg.scid  }
0x8b: {  	s0 =	sand.u32 $0x1, s1  }
0x8c: {  	s16 =	sshll.u32 s0, $0xA;
	s2 =	sadd.s32 s3, s2  }
0x8d: {  	s2 =	sadd.s32 s2, s16  }
0x8e: {  	[smem:$0x3FC2] =	sst s2  }
0x8f: {  	_ = 	snop  }
0x90: {  	(tm) =	ssettm $0x1  }
0x91: {  	s17 =	sld [smem:$0x3FFB];
	_ =	sdelay $0x3  }
0x92: {  	_ =	strace s17  }
0x93: {  	s2 =	sld [smem:$0x3FFC];
	_ =	sdelay $0x3  }
0x94: {  	_ =	strace s2  }
0x95: {  	s2 =	sld [smem:$0x3FFD];
	_ =	sdelay $0x3  }
0x96: {  	_ =	strace s2  }
0x97: {  	_ =	strace $0x8FFFFFFF  }
0x98: {  	s18 =	sld [smem:$0x3FDB];
	_ =	sdelay $0x1  }
0x99: {  	s19 =	simm.s32 $_scs_section_size  }
0x9a: {  	s4 =	simm.s32 $_size__tile_overlayer_lowered;
	s5 =	simm.s32 $_tile_overlayer_lowered  }
0x9b: {  	s22 =	simm.s32 $0x1BFF;
	s21 =	sshll.u32 s5, $0x1;
	s2 =	sadd.s32 s19, s18  }
0x9c: {  	s6 =	simm.s32 $0x0;
	s20 =	sshll.u32 s4, $0x1;
	s4 =	sadd.s32 s21, s2  }
0x9d: {  	[timem:s6], [sflag:s22] =	dma.local [hbm:s4], s20  }
0x9e: {  	_ =	swait.ge [sflag:s22], s20  }
0x9f: {  	s3 =	ssub.s32 $0x0, s20;
	[sflag:s22] =	ssyncset.done $0x0  }
0xa0: {  	[sflag:s22] =	ssyncadd.s32 s3;
	_ =	sdelay $0x1  }
0xa1: {  	s23 =	simm.s32 $0x1B8B  }
0xa2: {  	_ =	swait.ge [sflag:s23], $0x1  }
0xa3: {  	[sflag:s23] =	ssyncset.done $0x0  }
0xa4: {  	s25 =	simm.s32 $0x1B8E;
	s24 =	sld [smem:$0x3FFE];
	[sflag:s23] =	ssyncadd.s32 $0xFFFFFFFF  }
0xa5: {  	s26 =	simm.s32 $execute0_lowered;
	[smem:$0x3FD2] =	sst s25  }
0xa6: {  	s4 =	sshll.u32 s26, $0x1;
	_ =	strace $0x80000049;
	[dreg:$0x1] =	wrdreg $0xFFFFFFFF  }
0xa7: {  	s28 =	simm.s32 $_size_execute0_lowered;
	s2 =	sadd.s32 s2, s4;
	[dreg:$0x0] =	wrdreg $0x0  }
0xa8: {  	s4 =	sshll.u32 s28, $0x1;
	[dreg:$0x2] =	wrdreg s2  }
0xa9: {  	[dreg:$0x3] =	wrdreg s4  }
0xaa: {  	[dreg:$0x4] =	wrdreg $0xC0  }
0xab: {  	_ =	task [dreg:s6], $0x5FFFF  }
0xac: {  	[dreg:$0x1] =	wrdreg $0xFFFFFFFF  }
0xad: {  	[dreg:$0x0] =	wrdreg $0x60  }
0xae: {  	[dreg:$0x2] =	wrdreg s24  }
0xaf: {  	[dreg:$0x3] =	wrdreg $0xB0000  }
0xb0: {  	[dreg:$0x4] =	wrdreg $0x1F0000  }
0xb1: {  	[dreg:$0x5] =	wrdreg $0x9  }
0xb2: {  	_ =	task.clear_ibuf [dreg:s6], $0x6FFFF;
	_ =	strace $0x90000049  }
0xb3: {  	s29 =	simm.s32 $0x9;
	_ =	strace $0x8000004B  }
0xb4: {  	_ =	swait.ge [sflag:s29], $0x1  }
0xb5: {  	[sflag:s29] =	ssyncadd.s32 $0xFFFFFFFF  }
0xb6: {  	_ =	strace $0x9000004B  }
0xb7: {  	_ =	sfence  }
0xb8: {  	s30 =	sld [smem:$0x0];
	_ =	sdelay $0x2  }
0xb9: {  	s31 =	sshll.u32 s1, $0xD;
	s1 =	sshrl.u32 s1, $0x2  }
0xba: {  	s3 =	sand.u32 $0x4000, s31;
	s1 =	sadd.s32 s1, s30  }
0xbb: {  	s0 =	sor.u32 s3, s0;
	s1 =	sshll.u32 s1, $0x11  }
0xbc: {  	s0 =	sor.u32 s1, s0  }
0xbd: {  	s0 =	sadd.s32 $0x8F2B, s0  }
0xbe: {  	[sflag:s0] =	ssyncadd.remote.s32 $0x1  }
0xbf: {  	_ =	sfence.sel $0xFFFF  }
0xc0: {  	[dreg:$0x0] =	wrdreg $0xFFFFFFFF;
	(pc) =	sbr.abs _section_cstart, $3  }
0xc1: {  	[dreg:$0x1] =	wrdreg $0xFFFFFFFF  }
0xc2: {  	_ =	task.clear_ibuf [dreg:s6], $0x2FFFF;
	_ =	strace $0x9FFFFFFF  }
0xc3: {  	(tm) =	ssettm $0x7FFFFFFF  }
tec
execute0_lowered:
.L_overlay_start_1:
0x0: {  	(tag) =	ssettag $0x1  }
0x1: {  	s0 =	rddreg [dreg:$0x0]  }
0x2: {  	s1 =	rddreg [dreg:$0x1]  }
0x3: {  	s2 =	rddreg [dreg:$0x2];
	s4 =	simm.s32 $0x0;
	s15 =	stileid.u32  }
0x4: {  	s3 =	srdreg.scid;
	s30 =	simm.s32 $0x32;
	s8 =	smul.u32 $0x14000, s15  }
0x5: {  	s28 =	simm.s32 $0x2C00;
	s29 =	simm.s32 $0x9D80;
	s21 =	smul.u32 $0x500, s15  }
0x6: {  	[smem:$0x7FF] =	sst s4;
	s3 =	sand.u32 $0x1, s3;
	s12 =	smul.u32 $0x280, s15  }
0x7: {  	s5 =	sadd.s32 $0x2200, s0;
	s7 =	sadd.s32 $0x29E00, s0;
	s14 =	smul.u32 $0x50000, s15  }
0x8: {  	s9 =	sadd.s32 $0x51E00, s0;
	s10 =	sshll.u32 s15, $0x1;
	s18 =	smul.u32 $0x2800, s15  }
0x9: {  	s6 =	sadd.s32 $0x29400, s0;
	s20 =	smul.u32 $0x140000, s3;
	s10 =	sor.u32 s3, s10  }
0xa: {  	s11 =	sshll.u32 s3, $0x7;
	s22 =	ssub.s32 $0x2, s3;
	s3 =	smul.u32 $0x1400, s3  }
0xb: {  	_ =	strace $0x8000004A;
	s10 =	smul.u32 $0x1400, s10;
	s13 =	sshrl.u32 s22, $0x1  }
0xc: {  	s24 =	sshrl.u32 s14, $0x2;
	s25 =	sadd.s32 $0x80, s12;
	s4 =	sadd.s32 s8, s20  }
0xd: {  	s8 =	sor.u32 s11, s21;
	s21 =	sadd.s32 s24, s1;
	s24 =	sadd.s32 s25, s2  }
0xe: {  	s17 =	sadd.s32 $0x180, s12;
	s26 =	sshll.u32 s25, $0x7;
	[dreg:$0xe] =	wrdreg s24  }
0xf: {  	s16 =	sshll.u32 s17, $0x7;
	s23 =	sadd.s32 s7, s10;
	[dreg:$0x6] =	wrdreg s21  }
0x10: {  	s20 =	sadd.s32 $0x200, s12;
	s10 =	sadd.s32 s9, s10;
	[dreg:$0x4] =	wrdreg s23  }
0x11: {  	s4 =	sshrl.u32 s4, $0x3;
	s11 =	sadd.s32 $0x1000, s21;
	[dreg:$0x5] =	wrdreg s10  }
0x12: {  	s8 =	sshrl.u32 s8, $0x3;
	s31 =	sadd.s32 $0x2000, s21;
	[dreg:$0x7] =	wrdreg s11  }
0x13: {  	s7 =	sadd.s32 s18, s7;
	s14 =	sadd.s32 $0x5000, s21;
	[dreg:$0x8] =	wrdreg s31  }
0x14: {  	s9 =	sadd.s32 s18, s9;
	s18 =	sadd.s32 $0xA000, s21;
	[dreg:$0x18] =	wrdreg s14  }
0x15: {  	s24 =	sadd.s32 $0xF000, s21;
	s4 =	sadd.s32 s4, s0;
	[dreg:$0x1c] =	wrdreg s18  }
0x16: {  	s0 =	sadd.s32 s8, s0;
	s10 =	sadd.s32 s26, s1;
	[smem:$0x7FA] =	sst s24  }
0x17: {  	s8 =	ssub.s32 s22, s13;
	s23 =	sadd.s32 s16, s1;
	[dreg:$0x9] =	wrdreg s10  }
0x18: {  	s11 =	sadd.s32 $0x100, s12;
	s26 =	sadd.s32 s17, s2;
	[dreg:$0xb] =	wrdreg s23  }
0x19: {  	s7 =	sadd.s32 s3, s7;
	s31 =	sadd.s32 s20, s2;
	[dreg:$0x10] =	wrdreg s26  }
0x1a: {  	s3 =	sadd.s32 s3, s9;
	s13 =	sadd.s32 $0x3000, s21;
	[dreg:$0x11] =	wrdreg s31  }
0x1b: {  	s22 =	sshll.u32 s20, $0x7;
	s16 =	sadd.s32 $0x7000, s21;
	[dreg:$0x17] =	wrdreg s13  }
0x1c: {  	s17 =	sadd.s32 $0x9000, s21;
	s20 =	sadd.s32 $0xD000, s21;
	[dreg:$0x1a] =	wrdreg s16  }
0x1d: {  	s18 =	simm.s32 $0x3;
	s24 =	simm.s32 $0x4800;
	[dreg:$0x1b] =	wrdreg s17  }
0x1e: {  	s14 =	simm.s32 $0x8000;
	s9 =	sadd.s32 s22, s1;
	[dreg:$0x1e] =	wrdreg s20  }
0x1f: {  	s19 =	sshll.u32 s11, $0x7;
	s25 =	sadd.s32 s11, s2;
	[dreg:$0xc] =	wrdreg s9  }
0x20: {  	s22 =	sadd.s32 s12, s2;
	s4 =	sadd.s32 $0x79E00, s4;
	[dreg:$0xf] =	wrdreg s25  }
0x21: {  	s0 =	sadd.s32 $0xC9E00, s0;
	s10 =	smax.u32 s8, $0x1;
	[dreg:$0x12] =	wrdreg s4  }
0x22: {  	s11 =	sadd.s32 $0x80, s7;
	s12 =	sadd.s32 $0x80, s3;
	[dreg:$0x13] =	wrdreg s0  }
0x23: {  	s23 =	sadd.s32 $0xE000, s21;
	s26 =	sadd.s32 $0x12000, s21;
	[dreg:$0x14] =	wrdreg s10  }
0x24: {  	s31 =	sadd.s32 $0x13000, s21;
	s8 =	simm.s32 $0x800;
	[dreg:$0x15] =	wrdreg s11  }
0x25: {  	s17 =	simm.s32 $0x2;
	s20 =	simm.s32 $0x5;
	[dreg:$0x16] =	wrdreg s12  }
0x26: {  	s16 =	simm.s32 $0x9D00;
	s7 =	simm.s32 $0x0;
	[dreg:$0x1f] =	wrdreg s23  }
0x27: {  	s15 =	sadd.s32 s19, s1;
	s19 =	sadd.s32 $0xB000, s21;
	[smem:$0x7FC] =	sst s26  }
0x28: {  	s25 =	sadd.s32 $0x11000, s21;
	[smem:$0x7FD] =	sst s31;
	s23 =	simm.s32 $0x1000  }
.Ltmp0:
0x29: {  	s26 =	simm.s32 $0x9C00;
	[dreg:$0xd] =	wrdreg s22;
	(pc) =	sbr.rel .LBB2_1-.Ltmp0, $4  }
0x2a: {  	s12 =	simm.s32 $0x9C80;
	s9 =	simm.s32 $0x6400;
	[dreg:$0xa] =	wrdreg s15  }
0x2b: {  	s0 =	simm.s32 $0xA;
	s4 =	simm.s32 $0x14;
	[dreg:$0x1d] =	wrdreg s19  }
0x2c: {  	s15 =	sadd.s32 $0x6000, s21;
	[smem:$0x7FB] =	sst s25;
	s19 =	simm.s32 $0x4  }
0x2d: {  	v0 =	vimm.f32 $0.0e+00;
	s25 =	simm.s32 $0x9E00;
	[dreg:$0x19] =	wrdreg s15;
	s15 =	simm.s32 $0x1  }
.LBB2_6:
0x2e: {  	s3 =	simm.s32 $0x6  }
0x2f: {  	_ =	swait.ge [sflag:s3], $0x1900  }
0x30: {  	[sflag:s3] =	ssyncset.done $0x0  }
0x31: {  	s10 =	simm.s32 $0x10;
	[sflag:s3] =	ssyncadd.s32 $0xFFFFE700  }
0x32: {  	_ =	swait.ge [sflag:s10], $0x32  }
0x33: {  	[sflag:s10] =	ssyncset.done $0x0  }
0x34: {  	s8 =	simm.s32 $0x7;
	[sflag:s10] =	ssyncadd.s32 $0xFFFFFFCE  }
0x35: {  	_ =	swait.ge [sflag:s8], $0x1900  }
0x36: {  	[sflag:s8] =	ssyncset.done $0x0  }
0x37: {  	s11 =	simm.s32 $0x11;
	[sflag:s8] =	ssyncadd.s32 $0xFFFFE700  }
0x38: {  	_ =	swait.ge [sflag:s11], $0x32  }
0x39: {  	[sflag:s11] =	ssyncset.done $0x0  }
0x3a: {  	s13 =	simm.s32 $0x8;
	[sflag:s11] =	ssyncadd.s32 $0xFFFFFFCE  }
0x3b: {  	_ =	swait.ge [sflag:s13], $0x1900  }
0x3c: {  	[sflag:s13] =	ssyncset.done $0x0  }
0x3d: {  	s21 =	simm.s32 $0x12;
	[sflag:s13] =	ssyncadd.s32 $0xFFFFE700  }
0x3e: {  	_ =	swait.ge [sflag:s21], $0x32  }
0x3f: {  	[sflag:s21] =	ssyncset.done $0x0  }
0x40: {  	s22 =	simm.s32 $0x9;
	[sflag:s21] =	ssyncadd.s32 $0xFFFFFFCE  }
0x41: {  	_ =	swait.ge [sflag:s22], $0x1900  }
0x42: {  	[sflag:s22] =	ssyncset.done $0x0  }
0x43: {  	s31 =	simm.s32 $0x13;
	[sflag:s22] =	ssyncadd.s32 $0xFFFFE700  }
0x44: {  	_ =	swait.ge [sflag:s31], $0x32  }
0x45: {  	[sflag:s31] =	ssyncset.done $0x0  }
0x46: {  	[sflag:s31] =	ssyncadd.s32 $0xFFFFFFCE  }
0x47: {  	_ =	swait.ge [sflag:s0], $0x1900  }
0x48: {  	[sflag:s0] =	ssyncset.done $0x0  }
0x49: {  	[sflag:s0] =	ssyncadd.s32 $0xFFFFE700  }
0x4a: {  	_ =	swait.ge [sflag:s4], $0x32  }
0x4b: {  	[sflag:s4] =	ssyncset.done $0x0  }
0x4c: {  	s7 =	stileid.u32;
	[sflag:s4] =	ssyncadd.s32 $0xFFFFFFCE  }
0x4d: {  	s3 =	sshll.u32 s7, $0x6;
	[bflag:$0x0] =	sbarrier.arrive $0xFFFF  }
0x4e: {  	s3 =	sor.u32 $0x1C19, s3;
	s21 =	rddreg [dreg:$0x6]  }
0x4f: {  	s11 =	simm.s32 $0x19;
	s8 =	rddreg [dreg:$0x12];
	s7 =	sshrl.u32 s21, $0x3  }
0x50: {  	[hbm:s8], [sflag:s3] =	dma.local [spmem:s7], $0x2800  }
0x51: {  	_ =	swait.ge [sflag:s11], $0x2800  }
0x52: {  	s13 =	simm.s32 $0x20;
	[sflag:s11] =	ssyncset.done $0x0;
	s22 =	rddreg [dreg:$0xd]  }
0x53: {  	s31 =	rddreg [dreg:$0x13];
	[sflag:s11] =	ssyncadd.s32 $0xFFFFD800;
	s8 =	sshrl.u32 s22, $0x3  }
0x54: {  	[hbm:s31@s13], [sflag:s3] =	dma.strided [spmem:s8@s10], $0x50, s15, $0x10   }
0x55: {  	_ =	swait.ge [sflag:s11], $0x50  }
0x56: {  	s13 =	sld [smem:$0x7F9];
	_ =	sdelay $0x2  }
0x57: {  	s31 =	rddreg [dreg:$0x14];
	s7 =	sadd.s32 $0x1, s13  }
0x58: {  	p0 =	sne.s32 s7, s31  }
.Ltmp1:
0x59: {  	_ = 	snop;
	(pc) =	sbr.rel @!p0 .LBB2_7-.Ltmp1, $3  }
0x5a: {  	_ =	sdelay $0x1  }
0x5b: {  	[sflag:s11] =	ssyncset.done $0x0  }
0x5c: {  	s8 =	simm.s32 $0x800;
	[sflag:s11] =	ssyncadd.s32 $0xFFFFFFB0  }
.LBB2_1:
0x5d: {  	s3 =	simm.s32 $0x0;
	s13 =	rddreg [dreg:$0x4]  }
0x5e: {  	[tilespmem:s3], [sflag:$0x15] =	stream.linear.gather [hbm4b:s13+s3], $0x280, $0x38;
	[tilespmem:$0x1F280] =	vst v63  }
0x5f: {  	s31 =	rddreg [dreg:$0x5]  }
0x60: {  	[tilespmem:s8], [sflag:$0x16] =	stream.linear.gather [hbm4b:s31+s3], $0x280, $0x38;
	[tilespmem:$0x1F280] =	vst v63  }
0x61: {  	[smem:$0x7F9] =	sst s7;
	s7 =	simm.s32 $0x200;
	s3 =	simm.s32 $0x0  }
.LBB2_2:
0x62: {  	p0 =	sne.s32 s7, $0x3E00;
	[tilespmem:s3+$0xA070] =	vst v0  }
0x63: {  	[tilespmem:s3+$0xA000] =	vst v0  }
0x64: {  	[tilespmem:s3+$0xA010] =	vst v0  }
.Ltmp2:
0x65: {  	[tilespmem:s3+$0xA020] =	vst v0;
	(pc) =	sbr.rel @p0 .LBB2_2-.Ltmp2, $4  }
0x66: {  	[tilespmem:s3+$0xA030] =	vst v0  }
0x67: {  	[tilespmem:s3+$0xA040] =	vst v0  }
0x68: {  	[tilespmem:s3+$0xA050] =	vst v0  }
0x69: {  	[tilespmem:s3+$0xA060] =	vst v0;
	s3 =	sshra.s32 s7, $0x2;
	s7 =	sadd.s32 $0x200, s7  }
0x6a: {  	[tilespmem:s3+$0xA070] =	vst v0  }
0x6b: {  	[tilespmem:s3+$0xA000] =	vst v0  }
0x6c: {  	[tilespmem:s3+$0xA010] =	vst v0  }
0x6d: {  	[tilespmem:s3+$0xA020] =	vst v0  }
0x6e: {  	[tilespmem:s3+$0xA030] =	vst v0  }
0x6f: {  	[tilespmem:s3+$0xA040] =	vst v0  }
0x70: {  	[tilespmem:s3+$0xA050] =	vst v0  }
0x71: {  	[tilespmem:s3+$0xA060] =	vst v0;
	s7 =	simm.s32 $0xA000;
	s13 =	rddreg [dreg:$0x7]  }
0x72: {  	[spmem:s21] =	stream.linear.scatter [tilespmem:s7], [sflag:$0x1], $0x1000, $0x38;
	[tilespmem:$0x1F280] =	vst v63  }
0x73: {  	s10 =	rddreg [dreg:$0x17]  }
0x74: {  	[spmem:s13] =	stream.linear.scatter [tilespmem:s7], [sflag:$0x2], $0x1000, $0x38;
	[tilespmem:$0x1F280] =	vst v63  }
0x75: {  	s21 =	rddreg [dreg:$0x8]  }
0x76: {  	[spmem:s21] =	stream.linear.scatter [tilespmem:s7], [sflag:$0x3], $0x1000, $0x38;
	[tilespmem:$0x1F280] =	vst v63  }
0x77: {  	s11 =	rddreg [dreg:$0x9]  }
0x78: {  	[spmem:s10] =	stream.linear.scatter [tilespmem:s7], [sflag:$0x4], $0x1000, $0x38;
	[tilespmem:$0x1F280] =	vst v63  }
0x79: {  	s13 =	rddreg [dreg:$0x18]  }
0x7a: {  	[spmem:s11] =	stream.linear.scatter [tilespmem:s7], [sflag:$0x5], $0x1000, $0x38;
	[tilespmem:$0x1F280] =	vst v63  }
0x7b: {  	s21 =	rddreg [dreg:$0x19]  }
0x7c: {  	[spmem:s13] =	stream.linear.scatter [tilespmem:s7], [sflag:$0x1], $0x1000, $0x38;
	[tilespmem:$0x1F280] =	vst v63  }
0x7d: {  	s10 =	rddreg [dreg:$0x1a]  }
0x7e: {  	[spmem:s21] =	stream.linear.scatter [tilespmem:s7], [sflag:$0x2], $0x1000, $0x38;
	[tilespmem:$0x1F280] =	vst v63  }
0x7f: {  	s11 =	rddreg [dreg:$0xa]  }
0x80: {  	[spmem:s10] =	stream.linear.scatter [tilespmem:s7], [sflag:$0x3], $0x1000, $0x38;
	[tilespmem:$0x1F280] =	vst v63  }
0x81: {  	s13 =	rddreg [dreg:$0x1b]  }
0x82: {  	[spmem:s11] =	stream.linear.scatter [tilespmem:s7], [sflag:$0x4], $0x1000, $0x38;
	[tilespmem:$0x1F280] =	vst v63  }
0x83: {  	s21 =	rddreg [dreg:$0x1c]  }
0x84: {  	[spmem:s13] =	stream.linear.scatter [tilespmem:s7], [sflag:$0x5], $0x1000, $0x38;
	[tilespmem:$0x1F280] =	vst v63  }
0x85: {  	s10 =	rddreg [dreg:$0x1d]  }
0x86: {  	[spmem:s21] =	stream.linear.scatter [tilespmem:s7], [sflag:$0x1], $0x1000, $0x38;
	[tilespmem:$0x1F280] =	vst v63  }
0x87: {  	s11 =	rddreg [dreg:$0xb]  }
0x88: {  	[spmem:s10] =	stream.linear.scatter [tilespmem:s7], [sflag:$0x2], $0x1000, $0x38;
	[tilespmem:$0x1F280] =	vst v63  }
0x89: {  	s13 =	rddreg [dreg:$0x1e]  }
0x8a: {  	[spmem:s11] =	stream.linear.scatter [tilespmem:s7], [sflag:$0x3], $0x1000, $0x38;
	[tilespmem:$0x1F280] =	vst v63  }
0x8b: {  	s21 =	rddreg [dreg:$0x1f]  }
0x8c: {  	[spmem:s13] =	stream.linear.scatter [tilespmem:s7], [sflag:$0x4], $0x1000, $0x38;
	[tilespmem:$0x1F280] =	vst v63  }
0x8d: {  	s10 =	sld [smem:$0x7FA]  }
0x8e: {  	[spmem:s21] =	stream.linear.scatter [tilespmem:s7], [sflag:$0x5], $0x1000, $0x38;
	[tilespmem:$0x1F280] =	vst v63  }
0x8f: {  	s11 =	rddreg [dreg:$0xc]  }
0x90: {  	[spmem:s10] =	stream.linear.scatter [tilespmem:s7], [sflag:$0x1], $0x1000, $0x38;
	[tilespmem:$0x1F280] =	vst v63  }
0x91: {  	s13 =	sld [smem:$0x7FB]  }
0x92: {  	[spmem:s11] =	stream.linear.scatter [tilespmem:s7], [sflag:$0x2], $0x1000, $0x38;
	[tilespmem:$0x1F280] =	vst v63  }
0x93: {  	s21 =	sld [smem:$0x7FC]  }
0x94: {  	[spmem:s13] =	stream.linear.scatter [tilespmem:s7], [sflag:$0x3], $0x1000, $0x38;
	[tilespmem:$0x1F280] =	vst v63  }
0x95: {  	s10 =	sld [smem:$0x7FD]  }
0x96: {  	[spmem:s21] =	stream.linear.scatter [tilespmem:s7], [sflag:$0x4], $0x1000, $0x38;
	[tilespmem:$0x1F280] =	vst v63  }
0x97: {  	_ = 	snop  }
0x98: {  	[spmem:s10] =	stream.linear.scatter [tilespmem:s7], [sflag:$0x5], $0x1000, $0x38;
	[tilespmem:$0x1F280] =	vst v63  }
0x99: {  	_ = 	snop  }
0x9a: {  	[spmem:s22] =	stream.linear.scatter [tilespmem:s7], [sflag:$0xB], $0x80, $0x38;
	[tilespmem:$0x1F280] =	vst v63  }
0x9b: {  	s11 =	rddreg [dreg:$0xe]  }
0x9c: {  	[spmem:s11] =	stream.linear.scatter [tilespmem:s7], [sflag:$0xC], $0x80, $0x38;
	[tilespmem:$0x1F280] =	vst v63  }
0x9d: {  	s13 =	rddreg [dreg:$0xf]  }
0x9e: {  	[spmem:s13] =	stream.linear.scatter [tilespmem:s7], [sflag:$0xD], $0x80, $0x38;
	[tilespmem:$0x1F280] =	vst v63  }
0x9f: {  	s21 =	rddreg [dreg:$0x10]  }
0xa0: {  	[spmem:s21] =	stream.linear.scatter [tilespmem:s7], [sflag:$0xE], $0x80, $0x38;
	[tilespmem:$0x1F280] =	vst v63  }
0xa1: {  	s22 =	rddreg [dreg:$0x11]  }
0xa2: {  	[spmem:s22] =	stream.linear.scatter [tilespmem:s7], [sflag:$0xF], $0x80, $0x38;
	[tilespmem:$0x1F280] =	vst v63  }
0xa3: {  	_ =	swait.ge [sflag:s15], $0x1000  }
0xa4: {  	[sflag:s15] =	ssyncset.done $0x0  }
0xa5: {  	[sflag:s15] =	ssyncadd.s32 $0xFFFFF000  }
0xa6: {  	_ =	swait.ge [sflag:s17], $0x1000  }
0xa7: {  	[sflag:s17] =	ssyncset.done $0x0  }
0xa8: {  	[sflag:s17] =	ssyncadd.s32 $0xFFFFF000  }
0xa9: {  	_ =	swait.ge [sflag:s18], $0x1000  }
0xaa: {  	[sflag:s18] =	ssyncset.done $0x0  }
0xab: {  	[sflag:s18] =	ssyncadd.s32 $0xFFFFF000  }
0xac: {  	_ =	swait.ge [sflag:s19], $0x1000  }
0xad: {  	[sflag:s19] =	ssyncset.done $0x0  }
0xae: {  	[sflag:s19] =	ssyncadd.s32 $0xFFFFF000  }
0xaf: {  	_ =	swait.ge [sflag:s20], $0x1000  }
0xb0: {  	[sflag:s20] =	ssyncset.done $0x0  }
0xb1: {  	[sflag:s20] =	ssyncadd.s32 $0xFFFFF000  }
0xb2: {  	_ =	swait.ge [sflag:s15], $0x1000  }
0xb3: {  	[sflag:s15] =	ssyncset.done $0x0  }
0xb4: {  	[sflag:s15] =	ssyncadd.s32 $0xFFFFF000  }
0xb5: {  	_ =	swait.ge [sflag:s17], $0x1000  }
0xb6: {  	[sflag:s17] =	ssyncset.done $0x0  }
0xb7: {  	[sflag:s17] =	ssyncadd.s32 $0xFFFFF000  }
0xb8: {  	_ =	swait.ge [sflag:s18], $0x1000  }
0xb9: {  	[sflag:s18] =	ssyncset.done $0x0  }
0xba: {  	[sflag:s18] =	ssyncadd.s32 $0xFFFFF000  }
0xbb: {  	_ =	swait.ge [sflag:s19], $0x1000  }
0xbc: {  	[sflag:s19] =	ssyncset.done $0x0  }
0xbd: {  	[sflag:s19] =	ssyncadd.s32 $0xFFFFF000  }
0xbe: {  	_ =	swait.ge [sflag:s20], $0x1000  }
0xbf: {  	[sflag:s20] =	ssyncset.done $0x0  }
0xc0: {  	[sflag:s20] =	ssyncadd.s32 $0xFFFFF000  }
0xc1: {  	_ =	swait.ge [sflag:s15], $0x1000  }
0xc2: {  	[sflag:s15] =	ssyncset.done $0x0  }
0xc3: {  	[sflag:s15] =	ssyncadd.s32 $0xFFFFF000  }
0xc4: {  	_ =	swait.ge [sflag:s17], $0x1000  }
0xc5: {  	[sflag:s17] =	ssyncset.done $0x0  }
0xc6: {  	[sflag:s17] =	ssyncadd.s32 $0xFFFFF000  }
0xc7: {  	_ =	swait.ge [sflag:s18], $0x1000  }
0xc8: {  	[sflag:s18] =	ssyncset.done $0x0  }
0xc9: {  	[sflag:s18] =	ssyncadd.s32 $0xFFFFF000  }
0xca: {  	_ =	swait.ge [sflag:s19], $0x1000  }
0xcb: {  	[sflag:s19] =	ssyncset.done $0x0  }
0xcc: {  	[sflag:s19] =	ssyncadd.s32 $0xFFFFF000  }
0xcd: {  	_ =	swait.ge [sflag:s20], $0x1000  }
0xce: {  	[sflag:s20] =	ssyncset.done $0x0  }
0xcf: {  	[sflag:s20] =	ssyncadd.s32 $0xFFFFF000  }
0xd0: {  	_ =	swait.ge [sflag:s15], $0x1000  }
0xd1: {  	[sflag:s15] =	ssyncset.done $0x0  }
0xd2: {  	[sflag:s15] =	ssyncadd.s32 $0xFFFFF000  }
0xd3: {  	_ =	swait.ge [sflag:s17], $0x1000  }
0xd4: {  	[sflag:s17] =	ssyncset.done $0x0  }
0xd5: {  	[sflag:s17] =	ssyncadd.s32 $0xFFFFF000  }
0xd6: {  	_ =	swait.ge [sflag:s18], $0x1000  }
0xd7: {  	[sflag:s18] =	ssyncset.done $0x0  }
0xd8: {  	[sflag:s18] =	ssyncadd.s32 $0xFFFFF000  }
0xd9: {  	_ =	swait.ge [sflag:s19], $0x1000  }
0xda: {  	[sflag:s19] =	ssyncset.done $0x0  }
0xdb: {  	[sflag:s19] =	ssyncadd.s32 $0xFFFFF000  }
0xdc: {  	_ =	swait.ge [sflag:s20], $0x1000  }
0xdd: {  	[sflag:s20] =	ssyncset.done $0x0  }
0xde: {  	s7 =	simm.s32 $0xB;
	[sflag:s20] =	ssyncadd.s32 $0xFFFFF000  }
0xdf: {  	_ =	swait.ge [sflag:s7], $0x80  }
0xe0: {  	[sflag:s7] =	ssyncset.done $0x0  }
0xe1: {  	s10 =	simm.s32 $0xC;
	[sflag:s7] =	ssyncadd.s32 $0xFFFFFF80  }
0xe2: {  	_ =	swait.ge [sflag:s10], $0x80  }
0xe3: {  	[sflag:s10] =	ssyncset.done $0x0  }
0xe4: {  	s11 =	simm.s32 $0xD;
	[sflag:s10] =	ssyncadd.s32 $0xFFFFFF80  }
0xe5: {  	_ =	swait.ge [sflag:s11], $0x80  }
0xe6: {  	[sflag:s11] =	ssyncset.done $0x0  }
0xe7: {  	s13 =	simm.s32 $0xE;
	[sflag:s11] =	ssyncadd.s32 $0xFFFFFF80  }
0xe8: {  	_ =	swait.ge [sflag:s13], $0x80  }
0xe9: {  	[sflag:s13] =	ssyncset.done $0x0  }
0xea: {  	s21 =	simm.s32 $0xF;
	[sflag:s13] =	ssyncadd.s32 $0xFFFFFF80  }
0xeb: {  	_ =	swait.ge [sflag:s21], $0x80  }
0xec: {  	[sflag:s21] =	ssyncset.done $0x0  }
0xed: {  	s22 =	simm.s32 $0x15;
	[sflag:s21] =	ssyncadd.s32 $0xFFFFFF80  }
0xee: {  	_ =	swait.ge [sflag:s22], $0x280  }
0xef: {  	[sflag:s22] =	ssyncset.done $0x0  }
0xf0: {  	s7 =	simm.s32 $0x16;
	[sflag:s22] =	ssyncadd.s32 $0xFFFFFD80  }
0xf1: {  	_ =	swait.ge [sflag:s7], $0x280  }
0xf2: {  	[sflag:s7] =	ssyncset.done $0x0  }
0xf3: {  	[sflag:s7] =	ssyncadd.s32 $0xFFFFFD80  }
0xf4: {  	s13 =	simm.s32 $0x0;
	[bflag:$0x0] =	sbarrier.arrive $0xFFFF  }
0xf5: {  	[tilespmem:s23], [sflag:$0x1] =	stream.indirect.gather [hbm4b:s5+s30], $0x80, s13, s30, $0xb8;
	[tilespmem:$0x1F280] =	vst v63  }
0xf6: {  	_ = 	snop  }
0xf7: {  	[tilespmem:s26], [sflag:$0xB] =	stream.indirect.gather [hbm4b:s6+s30], $0x1, s8, s30, $0xb8;
	[tilespmem:$0x1F280] =	vst v63  }
0xf8: {  	s10 =	simm.s32 $0x80  }
0xf9: {  	[tilespmem:s28], [sflag:$0x2] =	stream.indirect.gather [hbm4b:s5+s30], $0x80, s10, s30, $0xb8;
	[tilespmem:$0x1F280] =	vst v63  }
0xfa: {  	s11 =	simm.s32 $0x880  }
0xfb: {  	[tilespmem:s12], [sflag:$0xC] =	stream.indirect.gather [hbm4b:s6+s30], $0x1, s11, s30, $0xb8;
	[tilespmem:$0x1F280] =	vst v63  }
0xfc: {  	s12 =	simm.s32 $0x100  }
0xfd: {  	[tilespmem:s24], [sflag:$0x3] =	stream.indirect.gather [hbm4b:s5+s30], $0x80, s12, s30, $0xb8;
	[tilespmem:$0x1F280] =	vst v63  }
0xfe: {  	s31 =	simm.s32 $0x9E00;
	s21 =	simm.s32 $0x900  }
0xff: {  	[tilespmem:s16], [sflag:$0xD] =	stream.indirect.gather [hbm4b:s6+s30], $0x1, s21, s30, $0xb8;
	[tilespmem:$0x1F280] =	vst v63  }
0x100: {  	s22 =	simm.s32 $0x180;
	s23 =	simm.s32 $0x980;
	s3 =	rddreg [dreg:$0x16]  }
0x101: {  	[tilespmem:s9], [sflag:$0x4] =	stream.indirect.gather [hbm4b:s5+s30], $0x80, s22, s30, $0xb8;
	[tilespmem:$0x1F280] =	vst v63  }
0x102: {  	s7 =	rddreg [dreg:$0x15];
	s26 =	simm.s32 $0xA00;
	s28 =	simm.s32 $0x9C00  }
0x103: {  	[tilespmem:s29], [sflag:$0xE] =	stream.indirect.gather [hbm4b:s6+s30], $0x1, s23, s30, $0xb8;
	[tilespmem:$0x1F280] =	vst v63  }
0x104: {  	s24 =	simm.s32 $0x200;
	s12 =	simm.s32 $0x2C00;
	s16 =	simm.s32 $0x4800  }
0x105: {  	[tilespmem:s14], [sflag:$0x5] =	stream.indirect.gather [hbm4b:s5+s30], $0x80, s24, s30, $0xb8;
	[tilespmem:$0x1F280] =	vst v63  }
0x106: {  	s9 =	simm.s32 $0x9D00;
	s29 =	simm.s32 $0x6400;
	s14 =	simm.s32 $0x9D80  }
0x107: {  	[tilespmem:s25], [sflag:$0xF] =	stream.indirect.gather [hbm4b:s6+s30], $0x1, s26, s30, $0xb8;
	[tilespmem:$0x1F280] =	vst v63  }
0x108: {  	s24 =	simm.s32 $0x9C80;
	s25 =	simm.s32 $0x8000;
	s26 =	simm.s32 $0x1000  }
.LBB2_4:
0x109: {  	s10 =	sand.u32 $0x1, s13  }
0x10a: {  	p0 =	seq.s32 s13, $0x27;
	s8 =	sxor.u32 $0x1, s10  }
0x10b: {  	s11 =	sshll.u32 @!p0 s8, $0x1  }
0x10c: {  	s23 =	simm.s32 @!p0 $0x0;
	s21 =	sshll.u32 @!p0 s8, $0xA;
	s22 =	sor.u32 @!p0 $0x15, s11  }
0x10d: {  	[tilespmem:s21], [sflag:s22] =	stream.linear.gather @!p0 [hbm4b:s7+s23], $0x280, $0x38;
	[tilespmem:$0x1F280] =	vst v63  }
0x10e: {  	s11 =	sadd.s32 @!p0 $0x16, s11;
	s21 =	sor.u32 @!p0 $0x800, s21  }
0x10f: {  	[tilespmem:s21], [sflag:s11] =	stream.linear.gather @!p0 [hbm4b:s3+s23], $0x280, $0x38;
	[tilespmem:$0x1F280] =	vst v63  }
0x110: {  	_ =	swait.ge [sflag:s15], $0x1900  }
0x111: {  	[sflag:s15] =	ssyncset.done $0x0  }
0x112: {  	s22 =	simm.s32 $0xB;
	[sflag:s15] =	ssyncadd.s32 $0xFFFFE700  }
0x113: {  	_ =	swait.ge [sflag:s22], $0x32  }
0x114: {  	s10 =	sshll.u32 s10, $0xA;
	[sflag:s22] =	ssyncset.done $0x0  }
0x115: {  	s23 =	sor.u32 $0x800, s10;
	[sflag:s22] =	ssyncadd.s32 $0xFFFFFFCE  }
0x116: {  	[spmem:s1] =	stream.indirect.scatter.add.f32 [tilespmem:s26], [sflag:$0x6], $0x80, s23, s30, $0xb8;
	[tilespmem:$0x1F280] =	vst v63  }
0x117: {  	_ = 	snop  }
0x118: {  	[spmem:s2] =	stream.indirect.scatter.add.f32 [tilespmem:s28], [sflag:$0x10], $0x1, s10, s30, $0xb8;
	[tilespmem:$0x1F280] =	vst v63  }
0x119: {  	_ =	swait.ge [sflag:s17], $0x1900  }
0x11a: {  	[sflag:s17] =	ssyncset.done $0x0  }
0x11b: {  	s21 =	simm.s32 $0xC;
	[sflag:s17] =	ssyncadd.s32 $0xFFFFE700  }
0x11c: {  	_ =	swait.ge [sflag:s21], $0x32  }
0x11d: {  	[sflag:s21] =	ssyncset.done $0x0  }
0x11e: {  	s22 =	sor.u32 $0x880, s10;
	[sflag:s21] =	ssyncadd.s32 $0xFFFFFFCE  }
0x11f: {  	[spmem:s1] =	stream.indirect.scatter.add.f32 [tilespmem:s12], [sflag:$0x7], $0x80, s22, s30, $0xb8;
	[tilespmem:$0x1F280] =	vst v63  }
0x120: {  	s23 =	sor.u32 $0x80, s10  }
0x121: {  	[spmem:s2] =	stream.indirect.scatter.add.f32 [tilespmem:s24], [sflag:$0x11], $0x1, s23, s30, $0xb8;
	[tilespmem:$0x1F280] =	vst v63  }
0x122: {  	_ =	swait.ge [sflag:s18], $0x1900  }
0x123: {  	[sflag:s18] =	ssyncset.done $0x0  }
0x124: {  	s26 =	simm.s32 $0xD;
	[sflag:s18] =	ssyncadd.s32 $0xFFFFE700  }
0x125: {  	_ =	swait.ge [sflag:s26], $0x32  }
0x126: {  	[sflag:s26] =	ssyncset.done $0x0  }
0x127: {  	s12 =	sor.u32 $0x900, s10;
	[sflag:s26] =	ssyncadd.s32 $0xFFFFFFCE  }
0x128: {  	[spmem:s1] =	stream.indirect.scatter.add.f32 [tilespmem:s16], [sflag:$0x8], $0x80, s12, s30, $0xb8;
	[tilespmem:$0x1F280] =	vst v63  }
0x129: {  	s16 =	sor.u32 $0x100, s10  }
0x12a: {  	[spmem:s2] =	stream.indirect.scatter.add.f32 [tilespmem:s9], [sflag:$0x12], $0x1, s16, s30, $0xb8;
	[tilespmem:$0x1F280] =	vst v63  }
0x12b: {  	_ =	swait.ge [sflag:s19], $0x1900  }
0x12c: {  	[sflag:s19] =	ssyncset.done $0x0  }
0x12d: {  	s21 =	simm.s32 $0xE;
	[sflag:s19] =	ssyncadd.s32 $0xFFFFE700  }
0x12e: {  	_ =	swait.ge [sflag:s21], $0x32  }
0x12f: {  	[sflag:s21] =	ssyncset.done $0x0  }
0x130: {  	s22 =	sor.u32 $0x980, s10;
	[sflag:s21] =	ssyncadd.s32 $0xFFFFFFCE  }
0x131: {  	[spmem:s1] =	stream.indirect.scatter.add.f32 [tilespmem:s29], [sflag:$0x9], $0x80, s22, s30, $0xb8;
	[tilespmem:$0x1F280] =	vst v63  }
0x132: {  	s23 =	sor.u32 $0x180, s10  }
0x133: {  	[spmem:s2] =	stream.indirect.scatter.add.f32 [tilespmem:s14], [sflag:$0x13], $0x1, s23, s30, $0xb8;
	[tilespmem:$0x1F280] =	vst v63  }
0x134: {  	s28 =	simm.s32 $0x2C00;
	_ =	swait.ge [sflag:s20], $0x1900  }
0x135: {  	s24 =	simm.s32 $0xF;
	s26 =	sor.u32 $0xA00, s10;
	[sflag:s20] =	ssyncset.done $0x0  }
0x136: {  	s10 =	sor.u32 $0x200, s10;
	s12 =	simm.s32 $0x9C80;
	[sflag:s20] =	ssyncadd.s32 $0xFFFFE700  }
0x137: {  	s16 =	simm.s32 $0x9D00;
	s9 =	simm.s32 $0x6400;
	_ =	swait.ge [sflag:s24], $0x32  }
.Ltmp3:
0x138: {  	s29 =	simm.s32 $0x9D80;
	[sflag:s24] =	ssyncset.done $0x0;
	(pc) =	sbr.rel @p0 .LBB2_6-.Ltmp3, $4  }
0x139: {  	s23 =	simm.s32 $0x1000;
	s14 =	simm.s32 $0x8000;
	[sflag:s24] =	ssyncadd.s32 $0xFFFFFFCE  }
0x13a: {  	[spmem:s1] =	stream.indirect.scatter.add.f32 [tilespmem:s25], [sflag:$0xA], $0x80, s26, s30, $0xb8;
	[tilespmem:$0x1F280] =	vst v63  }
0x13b: {  	s24 =	simm.s32 $0x4800;
	s26 =	simm.s32 $0x9C00;
	s25 =	simm.s32 $0x9E00  }
0x13c: {  	[spmem:s2] =	stream.indirect.scatter.add.f32 [tilespmem:s31], [sflag:$0x14], $0x1, s10, s30, $0xb8;
	[tilespmem:$0x1F280] =	vst v63  }
0x13d: {  	s10 =	sshll.u32 s8, $0x1  }
0x13e: {  	s11 =	sor.u32 $0x15, s10  }
0x13f: {  	_ =	swait.ge [sflag:s11], $0x280  }
0x140: {  	[sflag:s11] =	ssyncset.done $0x0  }
0x141: {  	s10 =	sadd.s32 $0x16, s10;
	[sflag:s11] =	ssyncadd.s32 $0xFFFFFD80  }
0x142: {  	_ =	swait.ge [sflag:s10], $0x280  }
0x143: {  	[sflag:s10] =	ssyncset.done $0x0  }
0x144: {  	s21 =	simm.s32 $0x6;
	[sflag:s10] =	ssyncadd.s32 $0xFFFFFD80  }
0x145: {  	_ =	swait.ge [sflag:s21], $0x1900  }
0x146: {  	[sflag:s21] =	ssyncset.done $0x0  }
0x147: {  	s22 =	simm.s32 $0x10;
	[sflag:s21] =	ssyncadd.s32 $0xFFFFE700  }
0x148: {  	_ =	swait.ge [sflag:s22], $0x32  }
0x149: {  	[sflag:s22] =	ssyncset.done $0x0  }
0x14a: {  	s8 =	sshll.u32 s8, $0xA;
	[sflag:s22] =	ssyncadd.s32 $0xFFFFFFCE  }
0x14b: {  	[tilespmem:s23], [sflag:$0x1] =	stream.indirect.gather [hbm4b:s5+s30], $0x80, s8, s30, $0xb8;
	[tilespmem:$0x1F280] =	vst v63  }
0x14c: {  	s23 =	sor.u32 $0x800, s8  }
0x14d: {  	[tilespmem:s26], [sflag:$0xB] =	stream.indirect.gather [hbm4b:s6+s30], $0x1, s23, s30, $0xb8;
	[tilespmem:$0x1F280] =	vst v63  }
0x14e: {  	s26 =	simm.s32 $0x7  }
0x14f: {  	_ =	swait.ge [sflag:s26], $0x1900  }
0x150: {  	[sflag:s26] =	ssyncset.done $0x0  }
0x151: {  	s11 =	simm.s32 $0x11;
	[sflag:s26] =	ssyncadd.s32 $0xFFFFE700  }
0x152: {  	_ =	swait.ge [sflag:s11], $0x32  }
0x153: {  	[sflag:s11] =	ssyncset.done $0x0  }
0x154: {  	s21 =	sor.u32 $0x80, s8;
	[sflag:s11] =	ssyncadd.s32 $0xFFFFFFCE  }
0x155: {  	[tilespmem:s28], [sflag:$0x2] =	stream.indirect.gather [hbm4b:s5+s30], $0x80, s21, s30, $0xb8;
	[tilespmem:$0x1F280] =	vst v63  }
0x156: {  	s22 =	sor.u32 $0x880, s8;
	s23 =	simm.s32 $0x8  }
0x157: {  	[tilespmem:s12], [sflag:$0xC] =	stream.indirect.gather [hbm4b:s6+s30], $0x1, s22, s30, $0xb8;
	[tilespmem:$0x1F280] =	vst v63  }
0x158: {  	_ =	swait.ge [sflag:s23], $0x1900  }
0x159: {  	[sflag:s23] =	ssyncset.done $0x0  }
0x15a: {  	s26 =	simm.s32 $0x12;
	[sflag:s23] =	ssyncadd.s32 $0xFFFFE700  }
0x15b: {  	_ =	swait.ge [sflag:s26], $0x32  }
0x15c: {  	[sflag:s26] =	ssyncset.done $0x0  }
0x15d: {  	s11 =	sor.u32 $0x100, s8;
	[sflag:s26] =	ssyncadd.s32 $0xFFFFFFCE  }
0x15e: {  	[tilespmem:s24], [sflag:$0x3] =	stream.indirect.gather [hbm4b:s5+s30], $0x80, s11, s30, $0xb8;
	[tilespmem:$0x1F280] =	vst v63  }
0x15f: {  	s21 =	simm.s32 $0x9;
	s12 =	sor.u32 $0x900, s8  }
0x160: {  	[tilespmem:s16], [sflag:$0xD] =	stream.indirect.gather [hbm4b:s6+s30], $0x1, s12, s30, $0xb8;
	[tilespmem:$0x1F280] =	vst v63  }
0x161: {  	_ =	swait.ge [sflag:s21], $0x1900  }
0x162: {  	[sflag:s21] =	ssyncset.done $0x0  }
0x163: {  	s22 =	simm.s32 $0x13;
	[sflag:s21] =	ssyncadd.s32 $0xFFFFE700  }
0x164: {  	_ =	swait.ge [sflag:s22], $0x32  }
0x165: {  	[sflag:s22] =	ssyncset.done $0x0  }
0x166: {  	s23 =	sor.u32 $0x180, s8;
	[sflag:s22] =	ssyncadd.s32 $0xFFFFFFCE  }
0x167: {  	[tilespmem:s9], [sflag:$0x4] =	stream.indirect.gather [hbm4b:s5+s30], $0x80, s23, s30, $0xb8;
	[tilespmem:$0x1F280] =	vst v63  }
0x168: {  	s24 =	sor.u32 $0x980, s8  }
0x169: {  	[tilespmem:s29], [sflag:$0xE] =	stream.indirect.gather [hbm4b:s6+s30], $0x1, s24, s30, $0xb8;
	[tilespmem:$0x1F280] =	vst v63  }
0x16a: {  	_ =	swait.ge [sflag:s0], $0x1900  }
0x16b: {  	s13 =	sadd.s32 $0x1, s13;
	s7 =	sadd.s32 $0x80, s7;
	[sflag:s0] =	ssyncset.done $0x0  }
0x16c: {  	s3 =	sadd.s32 $0x80, s3;
	s31 =	simm.s32 $0x9E00;
	[sflag:s0] =	ssyncadd.s32 $0xFFFFE700  }
0x16d: {  	s28 =	simm.s32 $0x9C00;
	s26 =	sor.u32 $0x200, s8;
	_ =	swait.ge [sflag:s4], $0x32  }
0x16e: {  	s8 =	sor.u32 $0xA00, s8;
	s16 =	simm.s32 $0x4800;
	[sflag:s4] =	ssyncset.done $0x0  }
.Ltmp4:
0x16f: {  	s12 =	simm.s32 $0x2C00;
	[sflag:s4] =	ssyncadd.s32 $0xFFFFFFCE;
	(pc) =	sbr.rel .LBB2_4-.Ltmp4, $4  }
0x170: {  	[tilespmem:s14], [sflag:$0x5] =	stream.indirect.gather [hbm4b:s5+s30], $0x80, s26, s30, $0xb8;
	[tilespmem:$0x1F280] =	vst v63  }
0x171: {  	s9 =	simm.s32 $0x9D00;
	s29 =	simm.s32 $0x6400;
	s24 =	simm.s32 $0x9C80  }
0x172: {  	[tilespmem:s25], [sflag:$0xF] =	stream.indirect.gather [hbm4b:s6+s30], $0x1, s8, s30, $0xb8;
	[tilespmem:$0x1F280] =	vst v63  }
0x173: {  	s14 =	simm.s32 $0x9D80;
	s26 =	simm.s32 $0x1000;
	s25 =	simm.s32 $0x8000  }
.LBB2_7:
0x174: {  	_ =	sfence.sel $0x180000  }
0x175: {  	[bflag:$0x0] =	sbarrier.arrive $0xFFFF  }
0x176: {  	_ =	strace $0x9000004A  }
0x177: {  	s0 =	stileid.u32;
	[bflag:$0x2] =	sbarrier.arrive $0xFFFF  }
0x178: {  	p0 =	sne.s32 s0, $0x0;
	s0 =	rddreg [dreg:$0x3]  }
0x179: {  	s0 =	sadd.s32 @!p0 $0x100000, s0  }
0x17a: {  	[sflag:s0] =	ssyncadd.tile.s32 @!p0 $0x1;
	_ =	shalt  }
.Lfunc_end2:
_tile_overlayer_lowered:
.L_overlay_start_2:
0x17b: {  	(tag) =	ssettag $0x2  }
0x17c: {  	s0 =	rddreg [dreg:$0x0];
	s2 =	stileid.u32  }
0x17d: {  	s1 =	rddreg [dreg:$0x1];
	p0 =	sne.s32 s2, $0x0  }
0x17e: {  	s3 =	rddreg [dreg:$0x2];
	[bflag:$0x3] =	sbarrier.arrive $0xFFFF;
	s2 =	simm.s32 @!p0 $0x1C19  }
0x17f: {  	[timem:s3], [sflag:s2] =	dma.local @!p0 [hbm:s0], s1  }
0x180: {  	s0 =	simm.s32 @!p0 $0x19  }
0x181: {  	_ =	swait.ge @!p0 [sflag:s0], s1  }
0x182: {  	s1 =	ssub.s32 @!p0 $0x0, s1;
	[sflag:s0] =	ssyncset.done @!p0 $0x0  }
0x183: {  	[sflag:s0] =	ssyncadd.s32 @!p0 s1  }
0x184: {  	[bflag:$0x3] =	sbarrier.arrive $0xFFFF  }
0x185: {  	_ =	shalt  }

</sc_bundles>
